<compile_context>
chip_gen: v7x
topology: tpu7x:2x2x1
jax: 0.10.2.dev20260603
libtpu: 0.0.44.dev20260713+nightly
codegen_flags: <defaults>
</compile_context>

<pallas_src>
import jax
import jax.numpy as jnp
from jax.experimental import pallas as pl
from jax.experimental.pallas import tpu as pltpu
from jax.experimental.pallas import tpu_sc as plsc

EMBED_DIM = 100
PAD_DIM = 128
B_BLK = 4
LANES = 16
OFFS = (0, 16, 32, 48, 64, 80, EMBED_DIM - LANES)


def _tc_pad_table(table):
    v = table.shape[0]
    blk = 1000 if v % 1000 == 0 else v

    def body(t_ref, o_ref):
        o_ref[...] = jnp.concatenate(
            [t_ref[...], jnp.zeros((blk, PAD_DIM - EMBED_DIM), jnp.float32)],
            axis=1,
        )

    return pl.pallas_call(
        body,
        grid=(v // blk,),
        in_specs=[pl.BlockSpec((blk, EMBED_DIM), lambda i: (i, 0))],
        out_specs=pl.BlockSpec((blk, PAD_DIM), lambda i: (i, 0)),
        out_shape=jax.ShapeDtypeStruct((v, PAD_DIM), jnp.float32),
    )(table)


def _sc_gather(iat_pad, pkt_pad, iat_seq, pkt_len_seq, step_ids, batch, seq):
    mesh = plsc.VectorSubcoreMesh(core_axis_name="c", subcore_axis_name="s")
    out_struct = jax.ShapeDtypeStruct((batch, seq, EMBED_DIM), jnp.float32)

    @pl.kernel(
        out_type=(out_struct, out_struct),
        mesh=mesh,
        scratch_types=[
            pltpu.VMEM((B_BLK, seq, PAD_DIM), jnp.float32),
            pltpu.VMEM((B_BLK, seq, PAD_DIM), jnp.float32),
            pltpu.VMEM((B_BLK, seq, EMBED_DIM), jnp.float32),
            pltpu.VMEM((B_BLK, seq, EMBED_DIM), jnp.float32),
            pltpu.SemaphoreType.DMA,
            pltpu.SemaphoreType.DMA,
        ],
    )
    def k(iat_t_hbm, pkt_t_hbm, iat_i_hbm, pkt_i_hbm, sid_hbm,
          iat_o_hbm, pkt_o_hbm, ig_v, pg_v, in_v, pn_v, gsem, wsem):
        def write_copies(b0):
            out = []
            for j in range(B_BLK):
                out.append(pltpu.make_async_copy(
                    in_v.at[j], iat_o_hbm.at[b0 + j], wsem))
                out.append(pltpu.make_async_copy(
                    pn_v.at[j], pkt_o_hbm.at[b0 + j], wsem))
            return out

        for j in range(B_BLK):
            pltpu.make_async_copy(iat_o_hbm.at[0], in_v.at[j], wsem).start()
            pltpu.make_async_copy(pkt_o_hbm.at[0], pn_v.at[j], wsem).start()

        def body(ii_vmem, pi_vmem, sid_vmem):
            sid_row = sid_vmem.at[0][...]
            b0 = jax.lax.squeeze(jax.lax.slice(sid_row, (0,), (1,)), (0,)) * B_BLK
            gathers = []
            for j in range(B_BLK):
                gathers.append(
                    pltpu.async_copy(iat_t_hbm.at[ii_vmem.at[j]], ig_v.at[j], gsem))
                gathers.append(
                    pltpu.async_copy(pkt_t_hbm.at[pi_vmem.at[j]], pg_v.at[j], gsem))
            for g in gathers:
                g.wait()
            for w in write_copies(0):
                w.wait()

            @pl.loop(0, seq)
            def _(r):
                for j in range(B_BLK):
                    for off in OFFS:
                        sl = pl.ds(off, LANES)
                        in_v[j, r, sl] = ig_v[j, r, sl]
                        pn_v[j, r, sl] = pg_v[j, r, sl]

            for w in write_copies(b0):
                w.start()

        pltpu.emit_pipeline(
            body,
            grid=(batch // B_BLK,),
            in_specs=[
                pl.BlockSpec((B_BLK, seq), lambda i: (i, 0)),
                pl.BlockSpec((B_BLK, seq), lambda i: (i, 0)),
                pl.BlockSpec((1, 16), lambda i: (i, 0)),
            ],
            core_axis_name=("c", "s"),
            dimension_semantics=(pltpu.PARALLEL,),
        )(iat_i_hbm, pkt_i_hbm, sid_hbm)

        for w in write_copies(0):
            w.wait()

    return k(iat_pad, pkt_pad, iat_seq, pkt_len_seq, step_ids)


def _tc_dir_broadcast(pkt_dir_seq, batch, seq):
    b_blk = 256

    def body(d_ref, o_ref):
        o_ref[...] = jnp.broadcast_to(
            d_ref[...].astype(jnp.float32)[:, :, None], (b_blk, seq, EMBED_DIM)
        )

    return pl.pallas_call(
        body,
        grid=(batch // b_blk,),
        in_specs=[pl.BlockSpec((b_blk, seq), lambda i: (i, 0))],
        out_specs=pl.BlockSpec((b_blk, seq, EMBED_DIM), lambda i: (i, 0, 0)),
        out_shape=jax.ShapeDtypeStruct((batch, seq, EMBED_DIM), jnp.float32),
    )(pkt_dir_seq)


def kernel(pkt_len_seq, pkt_dir_seq, iat_seq, pkt_len_table, iat_table):
    batch, seq = pkt_len_seq.shape

    iat_pad = _tc_pad_table(iat_table)
    pkt_pad = _tc_pad_table(pkt_len_table)
    step_ids = jnp.broadcast_to(
        jnp.arange(batch // B_BLK, dtype=jnp.int32)[:, None], (batch // B_BLK, 16)
    )

    iat_out, pkt_out = _sc_gather(
        iat_pad, pkt_pad,
        iat_seq.astype(jnp.int32), pkt_len_seq.astype(jnp.int32),
        step_ids, batch, seq,
    )
    dir_out = _tc_dir_broadcast(pkt_dir_seq, batch, seq)

    return (pkt_out, dir_out, iat_out)

# --- scband reference (transcript-rebuilt; emitter-appended) ---
"""Pipeline reference for scband-sam-82540681494859 (READ-ONLY COPY).

The authoritative reference and input builder live on the scoring server;
editing this copy changes nothing except your own understanding.
"""

import jax, jax.numpy as jnp
import numpy as np

PKT_LEN_VOCAB = 1000
IAT_VOCAB = 100000
EMBED_DIM = 100
BATCH = 4096
SEQ = 50

def setup_inputs(seed: int = 0) -> dict:
    key = jax.random.key(seed)
    k1, k2, k3, k4, k5 = jax.random.split(key, 5)
    pkt_len_seq = jax.random.randint(k1, (BATCH, SEQ), 0, PKT_LEN_VOCAB, dtype=jnp.int64 if jax.config.jax_enable_x64 else jnp.int32)
    # pkt_dir values in {-1, +1}
    pkt_dir_bits = jax.random.randint(k2, (BATCH, SEQ), 0, 2)
    pkt_dir_seq = (pkt_dir_bits * 2 - 1)
    iat_seq = jax.random.randint(k3, (BATCH, SEQ), 0, IAT_VOCAB, dtype=jnp.int64 if jax.config.jax_enable_x64 else jnp.int32)
    pkt_len_table = jax.random.normal(k4, (PKT_LEN_VOCAB, EMBED_DIM), dtype=jnp.float32)
    iat_table = jax.random.normal(k5, (IAT_VOCAB, EMBED_DIM), dtype=jnp.float32)
    return {
        "pkt_len_seq": pkt_len_seq,
        "pkt_dir_seq": pkt_dir_seq,
        "iat_seq": iat_seq,
        "pkt_len_table": pkt_len_table,
        "iat_table": iat_table,
    }

def reference(pkt_len_seq, pkt_dir_seq, iat_seq, pkt_len_table, iat_table):
    # pkt_len embedding lookup
    pkt_len_embeds = jnp.take(pkt_len_table, pkt_len_seq, axis=0)
    # pkt_dir: expand scalar direction (+1/-1) to embedding_dim=100
    batch, seq = pkt_dir_seq.shape
    pkt_dir_embeds = jnp.broadcast_to(
        pkt_dir_seq.astype(jnp.float32)[:, :, None], (batch, seq, EMBED_DIM)
    )
    # iat embedding lookup
    iat_embeds = jnp.take(iat_table, iat_seq, axis=0)
    return (pkt_len_embeds, pkt_dir_embeds, iat_embeds)

if __name__ == "__main__":
    import jax
    _d = setup_inputs()
    print(jax.jit(kernel)(*tuple(_d.values())))

</pallas_src>

<mosaic_0001>
#map = affine_map<(d0, d1) -> (0, 0)>
#map1 = affine_map<(d0, d1) -> (0, 0, 0)>
module attributes {stable_mosaic.version = 14 : i64} {
  func.func @k(%arg0: i32, %arg1: i32, %arg2: memref<100000x128xf32, #tpu.memory_space<hbm>>, %arg3: memref<1000x128xf32, #tpu.memory_space<hbm>>, %arg4: memref<4096x50xi32, #tpu.memory_space<hbm>>, %arg5: memref<4096x50xi32, #tpu.memory_space<hbm>>, %arg6: memref<1024x16xi32, #tpu.memory_space<hbm>>, %arg7: memref<4096x50x100xf32, #tpu.memory_space<hbm>>, %arg8: memref<4096x50x100xf32, #tpu.memory_space<hbm>>, %arg9: memref<4x50x128xf32, #tpu.memory_space<vmem>>, %arg10: memref<4x50x128xf32, #tpu.memory_space<vmem>>, %arg11: memref<4x50x100xf32, #tpu.memory_space<vmem>>, %arg12: memref<4x50x100xf32, #tpu.memory_space<vmem>>, %arg13: memref<!tpu.dma_semaphore, #tpu.memory_space<semaphore_mem>>, %arg14: memref<!tpu.dma_semaphore, #tpu.memory_space<semaphore_mem>>) attributes {dimension_semantics = [#tpu.dimension_semantics<core_parallel>, #tpu.dimension_semantics<subcore_parallel>], iteration_bounds = array<i64: 2, 16>, scalar_prefetch = 0 : i64, scratch_operands = 6 : i64, tpu.core_type = #tpu.core_type<sc_vector_subcore>, window_params = [{transform_indices = #map}, {transform_indices = #map}, {transform_indices = #map}, {transform_indices = #map}, {transform_indices = #map}, {transform_indices = #map1}, {transform_indices = #map1}]} {
    %dma_start3A = arith.constant 0 : i32
    %dma_start3A_0 = arith.constant 0 : i32
    %dma_start3A_1 = arith.constant 0 : i32
    %dma_start3A_2 = arith.constant 0 : i32
    %dma_start3A_3 = tpu.memref_slice %arg11[%dma_start3A_0, %dma_start3A_1, %dma_start3A_2] : memref<4x50x100xf32, #tpu.memory_space<vmem>> -> memref<1x50x100xf32, #tpu.memory_space<vmem>>
    %dma_start3A_4 = tpu.memref_squeeze %dma_start3A_3 : memref<1x50x100xf32, #tpu.memory_space<vmem>> -> memref<50x100xf32, #tpu.memory_space<vmem>>
    %dma_start3A_5 = arith.constant 0 : i32
    %dma_start3A_6 = arith.constant 0 : i32
    %dma_start3A_7 = tpu.memref_slice %arg7[%dma_start3A, %dma_start3A_5, %dma_start3A_6] : memref<4096x50x100xf32, #tpu.memory_space<hbm>> -> memref<1x50x100xf32, #tpu.memory_space<hbm>>
    %dma_start3A_8 = tpu.memref_squeeze %dma_start3A_7 : memref<1x50x100xf32, #tpu.memory_space<hbm>> -> memref<50x100xf32, #tpu.memory_space<hbm>>
    %dma_start3A_9 = arith.constant 0 : i32
    %dma_start3A_10 = arith.constant 0 : i32
    %dma_start3A_11 = tpu.memref_slice %arg11[%dma_start3A_0, %dma_start3A_9, %dma_start3A_10] : memref<4x50x100xf32, #tpu.memory_space<vmem>> -> memref<1x50x100xf32, #tpu.memory_space<vmem>>
    %dma_start3A_12 = tpu.memref_squeeze %dma_start3A_11 : memref<1x50x100xf32, #tpu.memory_space<vmem>> -> memref<50x100xf32, #tpu.memory_space<vmem>>
    %dma_start3A_13 = arith.constant 0 : i32
    %dma_start3A_14 = arith.constant 0 : i32
    %dma_start3A_15 = tpu.memref_slice %arg7[%dma_start3A, %dma_start3A_13, %dma_start3A_14] : memref<4096x50x100xf32, #tpu.memory_space<hbm>> -> memref<1x50x100xf32, #tpu.memory_space<hbm>>
    %dma_start3A_16 = tpu.memref_squeeze %dma_start3A_15 : memref<1x50x100xf32, #tpu.memory_space<hbm>> -> memref<50x100xf32, #tpu.memory_space<hbm>>
    tpu.enqueue_dma source(%dma_start3A_16 : memref<50x100xf32, #tpu.memory_space<hbm>>) target(%dma_start3A_12 : memref<50x100xf32, #tpu.memory_space<vmem>>) target_semaphore(%arg14 : memref<!tpu.dma_semaphore, #tpu.memory_space<semaphore_mem>>)
    %dma_start3A_17 = arith.constant 0 : i32
    %dma_start3A_18 = arith.constant 0 : i32
    %dma_start3A_19 = arith.constant 0 : i32
    %dma_start3A_20 = arith.constant 0 : i32
    %dma_start3A_21 = tpu.memref_slice %arg12[%dma_start3A_18, %dma_start3A_19, %dma_start3A_20] : memref<4x50x100xf32, #tpu.memory_space<vmem>> -> memref<1x50x100xf32, #tpu.memory_space<vmem>>
    %dma_start3A_22 = tpu.memref_squeeze %dma_start3A_21 : memref<1x50x100xf32, #tpu.memory_space<vmem>> -> memref<50x100xf32, #tpu.memory_space<vmem>>
    %dma_start3A_23 = arith.constant 0 : i32
    %dma_start3A_24 = arith.constant 0 : i32
    %dma_start3A_25 = tpu.memref_slice %arg8[%dma_start3A_17, %dma_start3A_23, %dma_start3A_24] : memref<4096x50x100xf32, #tpu.memory_space<hbm>> -> memref<1x50x100xf32, #tpu.memory_space<hbm>>
    %dma_start3A_26 = tpu.memref_squeeze %dma_start3A_25 : memref<1x50x100xf32, #tpu.memory_space<hbm>> -> memref<50x100xf32, #tpu.memory_space<hbm>>
    %dma_start3A_27 = arith.constant 0 : i32
    %dma_start3A_28 = arith.constant 0 : i32
    %dma_start3A_29 = tpu.memref_slice %arg12[%dma_start3A_18, %dma_start3A_27, %dma_start3A_28] : memref<4x50x100xf32, #tpu.memory_space<vmem>> -> memref<1x50x100xf32, #tpu.memory_space<vmem>>
    %dma_start3A_30 = tpu.memref_squeeze %dma_start3A_29 : memref<1x50x100xf32, #tpu.memory_space<vmem>> -> memref<50x100xf32, #tpu.memory_space<vmem>>
    %dma_start3A_31 = arith.constant 0 : i32
    %dma_start3A_32 = arith.constant 0 : i32
    %dma_start3A_33 = tpu.memref_slice %arg8[%dma_start3A_17, %dma_start3A_31, %dma_start3A_32] : memref<4096x50x100xf32, #tpu.memory_space<hbm>> -> memref<1x50x100xf32, #tpu.memory_space<hbm>>
    %dma_start3A_34 = tpu.memref_squeeze %dma_start3A_33 : memref<1x50x100xf32, #tpu.memory_space<hbm>> -> memref<50x100xf32, #tpu.memory_space<hbm>>
    tpu.enqueue_dma source(%dma_start3A_34 : memref<50x100xf32, #tpu.memory_space<hbm>>) target(%dma_start3A_30 : memref<50x100xf32, #tpu.memory_space<vmem>>) target_semaphore(%arg14 : memref<!tpu.dma_semaphore, #tpu.memory_space<semaphore_mem>>)
    %dma_start3A_35 = arith.constant 0 : i32
    %dma_start3A_36 = arith.constant 1 : i32
    %dma_start3A_37 = arith.constant 0 : i32
    %dma_start3A_38 = arith.constant 0 : i32
    %dma_start3A_39 = tpu.memref_slice %arg11[%dma_start3A_36, %dma_start3A_37, %dma_start3A_38] : memref<4x50x100xf32, #tpu.memory_space<vmem>> -> memref<1x50x100xf32, #tpu.memory_space<vmem>>
    %dma_start3A_40 = tpu.memref_squeeze %dma_start3A_39 : memref<1x50x100xf32, #tpu.memory_space<vmem>> -> memref<50x100xf32, #tpu.memory_space<vmem>>
    %dma_start3A_41 = arith.constant 0 : i32
    %dma_start3A_42 = arith.constant 0 : i32
    %dma_start3A_43 = tpu.memref_slice %arg7[%dma_start3A_35, %dma_start3A_41, %dma_start3A_42] : memref<4096x50x100xf32, #tpu.memory_space<hbm>> -> memref<1x50x100xf32, #tpu.memory_space<hbm>>
    %dma_start3A_44 = tpu.memref_squeeze %dma_start3A_43 : memref<1x50x100xf32, #tpu.memory_space<hbm>> -> memref<50x100xf32, #tpu.memory_space<hbm>>
    %dma_start3A_45 = arith.constant 0 : i32
    %dma_start3A_46 = arith.constant 0 : i32
    %dma_start3A_47 = tpu.memref_slice %arg11[%dma_start3A_36, %dma_start3A_45, %dma_start3A_46] : memref<4x50x100xf32, #tpu.memory_space<vmem>> -> memref<1x50x100xf32, #tpu.memory_space<vmem>>
    %dma_start3A_48 = tpu.memref_squeeze %dma_start3A_47 : memref<1x50x100xf32, #tpu.memory_space<vmem>> -> memref<50x100xf32, #tpu.memory_space<vmem>>
    %dma_start3A_49 = arith.constant 0 : i32
    %dma_start3A_50 = arith.constant 0 : i32
    %dma_start3A_51 = tpu.memref_slice %arg7[%dma_start3A_35, %dma_start3A_49, %dma_start3A_50] : memref<4096x50x100xf32, #tpu.memory_space<hbm>> -> memref<1x50x100xf32, #tpu.memory_space<hbm>>
    %dma_start3A_52 = tpu.memref_squeeze %dma_start3A_51 : memref<1x50x100xf32, #tpu.memory_space<hbm>> -> memref<50x100xf32, #tpu.memory_space<hbm>>
    tpu.enqueue_dma source(%dma_start3A_52 : memref<50x100xf32, #tpu.memory_space<hbm>>) target(%dma_start3A_48 : memref<50x100xf32, #tpu.memory_space<vmem>>) target_semaphore(%arg14 : memref<!tpu.dma_semaphore, #tpu.memory_space<semaphore_mem>>)
    %dma_start3A_53 = arith.constant 0 : i32
    %dma_start3A_54 = arith.constant 1 : i32
    %dma_start3A_55 = arith.constant 0 : i32
    %dma_start3A_56 = arith.constant 0 : i32
    %dma_start3A_57 = tpu.memref_slice %arg12[%dma_start3A_54, %dma_start3A_55, %dma_start3A_56] : memref<4x50x100xf32, #tpu.memory_space<vmem>> -> memref<1x50x100xf32, #tpu.memory_space<vmem>>
    %dma_start3A_58 = tpu.memref_squeeze %dma_start3A_57 : memref<1x50x100xf32, #tpu.memory_space<vmem>> -> memref<50x100xf32, #tpu.memory_space<vmem>>
    %dma_start3A_59 = arith.constant 0 : i32
    %dma_start3A_60 = arith.constant 0 : i32
    %dma_start3A_61 = tpu.memref_slice %arg8[%dma_start3A_53, %dma_start3A_59, %dma_start3A_60] : memref<4096x50x100xf32, #tpu.memory_space<hbm>> -> memref<1x50x100xf32, #tpu.memory_space<hbm>>
    %dma_start3A_62 = tpu.memref_squeeze %dma_start3A_61 : memref<1x50x100xf32, #tpu.memory_space<hbm>> -> memref<50x100xf32, #tpu.memory_space<hbm>>
    %dma_start3A_63 = arith.constant 0 : i32
    %dma_start3A_64 = arith.constant 0 : i32
    %dma_start3A_65 = tpu.memref_slice %arg12[%dma_start3A_54, %dma_start3A_63, %dma_start3A_64] : memref<4x50x100xf32, #tpu.memory_space<vmem>> -> memref<1x50x100xf32, #tpu.memory_space<vmem>>
    %dma_start3A_66 = tpu.memref_squeeze %dma_start3A_65 : memref<1x50x100xf32, #tpu.memory_space<vmem>> -> memref<50x100xf32, #tpu.memory_space<vmem>>
    %dma_start3A_67 = arith.constant 0 : i32
    %dma_start3A_68 = arith.constant 0 : i32
    %dma_start3A_69 = tpu.memref_slice %arg8[%dma_start3A_53, %dma_start3A_67, %dma_start3A_68] : memref<4096x50x100xf32, #tpu.memory_space<hbm>> -> memref<1x50x100xf32, #tpu.memory_space<hbm>>
    %dma_start3A_70 = tpu.memref_squeeze %dma_start3A_69 : memref<1x50x100xf32, #tpu.memory_space<hbm>> -> memref<50x100xf32, #tpu.memory_space<hbm>>
    tpu.enqueue_dma source(%dma_start3A_70 : memref<50x100xf32, #tpu.memory_space<hbm>>) target(%dma_start3A_66 : memref<50x100xf32, #tpu.memory_space<vmem>>) target_semaphore(%arg14 : memref<!tpu.dma_semaphore, #tpu.memory_space<semaphore_mem>>)
    %dma_start3A_71 = arith.constant 0 : i32
    %dma_start3A_72 = arith.constant 2 : i32
    %dma_start3A_73 = arith.constant 0 : i32
    %dma_start3A_74 = arith.constant 0 : i32
    %dma_start3A_75 = tpu.memref_slice %arg11[%dma_start3A_72, %dma_start3A_73, %dma_start3A_74] : memref<4x50x100xf32, #tpu.memory_space<vmem>> -> memref<1x50x100xf32, #tpu.memory_space<vmem>>
    %dma_start3A_76 = tpu.memref_squeeze %dma_start3A_75 : memref<1x50x100xf32, #tpu.memory_space<vmem>> -> memref<50x100xf32, #tpu.memory_space<vmem>>
    %dma_start3A_77 = arith.constant 0 : i32
    %dma_start3A_78 = arith.constant 0 : i32
    %dma_start3A_79 = tpu.memref_slice %arg7[%dma_start3A_71, %dma_start3A_77, %dma_start3A_78] : memref<4096x50x100xf32, #tpu.memory_space<hbm>> -> memref<1x50x100xf32, #tpu.memory_space<hbm>>
    %dma_start3A_80 = tpu.memref_squeeze %dma_start3A_79 : memref<1x50x100xf32, #tpu.memory_space<hbm>> -> memref<50x100xf32, #tpu.memory_space<hbm>>
    %dma_start3A_81 = arith.constant 0 : i32
    %dma_start3A_82 = arith.constant 0 : i32
    %dma_start3A_83 = tpu.memref_slice %arg11[%dma_start3A_72, %dma_start3A_81, %dma_start3A_82] : memref<4x50x100xf32, #tpu.memory_space<vmem>> -> memref<1x50x100xf32, #tpu.memory_space<vmem>>
    %dma_start3A_84 = tpu.memref_squeeze %dma_start3A_83 : memref<1x50x100xf32, #tpu.memory_space<vmem>> -> memref<50x100xf32, #tpu.memory_space<vmem>>
    %dma_start3A_85 = arith.constant 0 : i32
    %dma_start3A_86 = arith.constant 0 : i32
    %dma_start3A_87 = tpu.memref_slice %arg7[%dma_start3A_71, %dma_start3A_85, %dma_start3A_86] : memref<4096x50x100xf32, #tpu.memory_space<hbm>> -> memref<1x50x100xf32, #tpu.memory_space<hbm>>
    %dma_start3A_88 = tpu.memref_squeeze %dma_start3A_87 : memref<1x50x100xf32, #tpu.memory_space<hbm>> -> memref<50x100xf32, #tpu.memory_space<hbm>>
    tpu.enqueue_dma source(%dma_start3A_88 : memref<50x100xf32, #tpu.memory_space<hbm>>) target(%dma_start3A_84 : memref<50x100xf32, #tpu.memory_space<vmem>>) target_semaphore(%arg14 : memref<!tpu.dma_semaphore, #tpu.memory_space<semaphore_mem>>)
    %dma_start3A_89 = arith.constant 0 : i32
    %dma_start3A_90 = arith.constant 2 : i32
    %dma_start3A_91 = arith.constant 0 : i32
    %dma_start3A_92 = arith.constant 0 : i32
    %dma_start3A_93 = tpu.memref_slice %arg12[%dma_start3A_90, %dma_start3A_91, %dma_start3A_92] : memref<4x50x100xf32, #tpu.memory_space<vmem>> -> memref<1x50x100xf32, #tpu.memory_space<vmem>>
    %dma_start3A_94 = tpu.memref_squeeze %dma_start3A_93 : memref<1x50x100xf32, #tpu.memory_space<vmem>> -> memref<50x100xf32, #tpu.memory_space<vmem>>
    %dma_start3A_95 = arith.constant 0 : i32
    %dma_start3A_96 = arith.constant 0 : i32
    %dma_start3A_97 = tpu.memref_slice %arg8[%dma_start3A_89, %dma_start3A_95, %dma_start3A_96] : memref<4096x50x100xf32, #tpu.memory_space<hbm>> -> memref<1x50x100xf32, #tpu.memory_space<hbm>>
    %dma_start3A_98 = tpu.memref_squeeze %dma_start3A_97 : memref<1x50x100xf32, #tpu.memory_space<hbm>> -> memref<50x100xf32, #tpu.memory_space<hbm>>
    %dma_start3A_99 = arith.constant 0 : i32
    %dma_start3A_100 = arith.constant 0 : i32
    %dma_start3A_101 = tpu.memref_slice %arg12[%dma_start3A_90, %dma_start3A_99, %dma_start3A_100] : memref<4x50x100xf32, #tpu.memory_space<vmem>> -> memref<1x50x100xf32, #tpu.memory_space<vmem>>
    %dma_start3A_102 = tpu.memref_squeeze %dma_start3A_101 : memref<1x50x100xf32, #tpu.memory_space<vmem>> -> memref<50x100xf32, #tpu.memory_space<vmem>>
    %dma_start3A_103 = arith.constant 0 : i32
    %dma_start3A_104 = arith.constant 0 : i32
    %dma_start3A_105 = tpu.memref_slice %arg8[%dma_start3A_89, %dma_start3A_103, %dma_start3A_104] : memref<4096x50x100xf32, #tpu.memory_space<hbm>> -> memref<1x50x100xf32, #tpu.memory_space<hbm>>
    %dma_start3A_106 = tpu.memref_squeeze %dma_start3A_105 : memref<1x50x100xf32, #tpu.memory_space<hbm>> -> memref<50x100xf32, #tpu.memory_space<hbm>>
    tpu.enqueue_dma source(%dma_start3A_106 : memref<50x100xf32, #tpu.memory_space<hbm>>) target(%dma_start3A_102 : memref<50x100xf32, #tpu.memory_space<vmem>>) target_semaphore(%arg14 : memref<!tpu.dma_semaphore, #tpu.memory_space<semaphore_mem>>)
    %dma_start3A_107 = arith.constant 0 : i32
    %dma_start3A_108 = arith.constant 3 : i32
    %dma_start3A_109 = arith.constant 0 : i32
    %dma_start3A_110 = arith.constant 0 : i32
    %dma_start3A_111 = tpu.memref_slice %arg11[%dma_start3A_108, %dma_start3A_109, %dma_start3A_110] : memref<4x50x100xf32, #tpu.memory_space<vmem>> -> memref<1x50x100xf32, #tpu.memory_space<vmem>>
    %dma_start3A_112 = tpu.memref_squeeze %dma_start3A_111 : memref<1x50x100xf32, #tpu.memory_space<vmem>> -> memref<50x100xf32, #tpu.memory_space<vmem>>
    %dma_start3A_113 = arith.constant 0 : i32
    %dma_start3A_114 = arith.constant 0 : i32
    %dma_start3A_115 = tpu.memref_slice %arg7[%dma_start3A_107, %dma_start3A_113, %dma_start3A_114] : memref<4096x50x100xf32, #tpu.memory_space<hbm>> -> memref<1x50x100xf32, #tpu.memory_space<hbm>>
    %dma_start3A_116 = tpu.memref_squeeze %dma_start3A_115 : memref<1x50x100xf32, #tpu.memory_space<hbm>> -> memref<50x100xf32, #tpu.memory_space<hbm>>
    %dma_start3A_117 = arith.constant 0 : i32
    %dma_start3A_118 = arith.constant 0 : i32
    %dma_start3A_119 = tpu.memref_slice %arg11[%dma_start3A_108, %dma_start3A_117, %dma_start3A_118] : memref<4x50x100xf32, #tpu.memory_space<vmem>> -> memref<1x50x100xf32, #tpu.memory_space<vmem>>
    %dma_start3A_120 = tpu.memref_squeeze %dma_start3A_119 : memref<1x50x100xf32, #tpu.memory_space<vmem>> -> memref<50x100xf32, #tpu.memory_space<vmem>>
    %dma_start3A_121 = arith.constant 0 : i32
    %dma_start3A_122 = arith.constant 0 : i32
    %dma_start3A_123 = tpu.memref_slice %arg7[%dma_start3A_107, %dma_start3A_121, %dma_start3A_122] : memref<4096x50x100xf32, #tpu.memory_space<hbm>> -> memref<1x50x100xf32, #tpu.memory_space<hbm>>
    %dma_start3A_124 = tpu.memref_squeeze %dma_start3A_123 : memref<1x50x100xf32, #tpu.memory_space<hbm>> -> memref<50x100xf32, #tpu.memory_space<hbm>>
    tpu.enqueue_dma source(%dma_start3A_124 : memref<50x100xf32, #tpu.memory_space<hbm>>) target(%dma_start3A_120 : memref<50x100xf32, #tpu.memory_space<vmem>>) target_semaphore(%arg14 : memref<!tpu.dma_semaphore, #tpu.memory_space<semaphore_mem>>)
    %dma_start3A_125 = arith.constant 0 : i32
    %dma_start3A_126 = arith.constant 3 : i32
    %dma_start3A_127 = arith.constant 0 : i32
    %dma_start3A_128 = arith.constant 0 : i32
    %dma_start3A_129 = tpu.memref_slice %arg12[%dma_start3A_126, %dma_start3A_127, %dma_start3A_128] : memref<4x50x100xf32, #tpu.memory_space<vmem>> -> memref<1x50x100xf32, #tpu.memory_space<vmem>>
    %dma_start3A_130 = tpu.memref_squeeze %dma_start3A_129 : memref<1x50x100xf32, #tpu.memory_space<vmem>> -> memref<50x100xf32, #tpu.memory_space<vmem>>
    %dma_start3A_131 = arith.constant 0 : i32
    %dma_start3A_132 = arith.constant 0 : i32
    %dma_start3A_133 = tpu.memref_slice %arg8[%dma_start3A_125, %dma_start3A_131, %dma_start3A_132] : memref<4096x50x100xf32, #tpu.memory_space<hbm>> -> memref<1x50x100xf32, #tpu.memory_space<hbm>>
    %dma_start3A_134 = tpu.memref_squeeze %dma_start3A_133 : memref<1x50x100xf32, #tpu.memory_space<hbm>> -> memref<50x100xf32, #tpu.memory_space<hbm>>
    %dma_start3A_135 = arith.constant 0 : i32
    %dma_start3A_136 = arith.constant 0 : i32
    %dma_start3A_137 = tpu.memref_slice %arg12[%dma_start3A_126, %dma_start3A_135, %dma_start3A_136] : memref<4x50x100xf32, #tpu.memory_space<vmem>> -> memref<1x50x100xf32, #tpu.memory_space<vmem>>
    %dma_start3A_138 = tpu.memref_squeeze %dma_start3A_137 : memref<1x50x100xf32, #tpu.memory_space<vmem>> -> memref<50x100xf32, #tpu.memory_space<vmem>>
    %dma_start3A_139 = arith.constant 0 : i32
    %dma_start3A_140 = arith.constant 0 : i32
    %dma_start3A_141 = tpu.memref_slice %arg8[%dma_start3A_125, %dma_start3A_139, %dma_start3A_140] : memref<4096x50x100xf32, #tpu.memory_space<hbm>> -> memref<1x50x100xf32, #tpu.memory_space<hbm>>
    %dma_start3A_142 = tpu.memref_squeeze %dma_start3A_141 : memref<1x50x100xf32, #tpu.memory_space<hbm>> -> memref<50x100xf32, #tpu.memory_space<hbm>>
    tpu.enqueue_dma source(%dma_start3A_142 : memref<50x100xf32, #tpu.memory_space<hbm>>) target(%dma_start3A_138 : memref<50x100xf32, #tpu.memory_space<vmem>>) target_semaphore(%arg14 : memref<!tpu.dma_semaphore, #tpu.memory_space<semaphore_mem>>)
    %mul3A = arith.constant 1 : i32
    %mul3A_143 = arith.muli %arg1, %mul3A : i32
    %add3A = arith.constant 0 : i32
    %add3A_144 = arith.addi %add3A, %mul3A_143 : i32
    %mul3A_145 = arith.constant 16 : i32
    %mul3A_146 = arith.muli %arg0, %mul3A_145 : i32
    %add3A_147 = arith.addi %add3A_144, %mul3A_146 : i32
    %mul3A_148 = arith.constant 32 : i32
    %mul3A_149 = arith.muli %add3A_147, %mul3A_148 : i32
    "tpu.region"() ({
      %run_scoped3A = memref.alloca() : memref<2x4x50xi32, #tpu.memory_space<vmem>>
      %run_scoped3A_293 = tpu.sem_alloc : memref<2x!tpu.dma_semaphore, #tpu.memory_space<semaphore_mem>>
      %run_scoped3A_294 = memref.alloca() : memref<2x4x50xi32, #tpu.memory_space<vmem>>
      %run_scoped3A_295 = tpu.sem_alloc : memref<2x!tpu.dma_semaphore, #tpu.memory_space<semaphore_mem>>
      %run_scoped3A_296 = memref.alloca() : memref<2x1x16xi32, #tpu.memory_space<vmem>>
      %run_scoped3A_297 = tpu.sem_alloc : memref<2x!tpu.dma_semaphore, #tpu.memory_space<semaphore_mem>>
      %add3A_298 = arith.constant 0 : i32
      %add3A_299 = arith.addi %add3A_298, %mul3A_149 : i32
      %select_n3A = arith.constant true
      %select_n3A_300 = arith.constant 0 : i32
      %select_n3A_301 = arith.constant -1 : i32
      %select_n3A_302 = arith.select %select_n3A, %select_n3A_301, %select_n3A_300 : i32
      %eq3A = arith.constant -1 : i32
      %eq3A_303 = arith.cmpi eq, %select_n3A_302, %eq3A : i32
      %select_n3A_304 = arith.constant 31 : i32
      %select_n3A_305 = arith.select %eq3A_303, %select_n3A_304, %select_n3A_302 : i32
      %add3A_306 = arith.addi %select_n3A_305, %mul3A_149 : i32
      %select_n3A_307 = arith.constant true
      %select_n3A_308 = arith.constant 0 : i32
      %select_n3A_309 = arith.constant 1 : i32
      %select_n3A_310 = arith.select %select_n3A_307, %select_n3A_309, %select_n3A_308 : i32
      %eq3A_311 = arith.constant 32 : i32
      %eq3A_312 = arith.cmpi eq, %select_n3A_310, %eq3A_311 : i32
      %select_n3A_313 = arith.constant 0 : i32
      %select_n3A_314 = arith.select %eq3A_312, %select_n3A_313, %select_n3A_310 : i32
      %add3A_315 = arith.addi %select_n3A_314, %mul3A_149 : i32
      %add3A_316 = arith.constant 1 : i32
      %add3A_317 = arith.addi %select_n3A_314, %add3A_316 : i32
      %select_n3A_318 = arith.constant true
      %select_n3A_319 = arith.select %select_n3A_318, %add3A_317, %select_n3A_314 : i32
      %eq3A_320 = arith.constant 32 : i32
      %eq3A_321 = arith.cmpi eq, %select_n3A_319, %eq3A_320 : i32
      %select_n3A_322 = arith.constant 0 : i32
      %select_n3A_323 = arith.select %eq3A_321, %select_n3A_322, %select_n3A_319 : i32
      %add3A_324 = arith.addi %select_n3A_323, %mul3A_149 : i32
      "tpu.trace_start"() <{level = 10 : i32, message = "ep_initialize_0"}> : () -> ()
      %rem3A = arith.constant 0 : i32
      %rem3A_325 = arith.constant 2 : i32
      %rem3A_326 = arith.remui %rem3A, %rem3A_325 : i32
      %mul3A_327 = arith.constant 4 : i32
      %mul3A_328 = arith.muli %mul3A_327, %add3A_299 : i32
      %dma_start3A_329 = arith.constant 0 : i32
      %dma_start3A_330 = arith.constant 0 : i32
      %dma_start3A_331 = tpu.memref_slice %run_scoped3A[%rem3A_326, %dma_start3A_329, %dma_start3A_330] : memref<2x4x50xi32, #tpu.memory_space<vmem>> -> memref<1x4x50xi32, #tpu.memory_space<vmem>>
      %dma_start3A_332 = tpu.memref_squeeze %dma_start3A_331 : memref<1x4x50xi32, #tpu.memory_space<vmem>> -> memref<4x50xi32, #tpu.memory_space<vmem>>
      %dma_start3A_333 = arith.constant 0 : i32
      %dma_start3A_334 = tpu.memref_slice %arg4[%mul3A_328, %dma_start3A_333] : memref<4096x50xi32, #tpu.memory_space<hbm>> -> memref<4x50xi32, #tpu.memory_space<hbm>>
      %dma_start3A_335 = tpu.memref_slice %run_scoped3A_293[%rem3A_326] : memref<2x!tpu.dma_semaphore, #tpu.memory_space<semaphore_mem>> -> memref<1x!tpu.dma_semaphore, #tpu.memory_space<semaphore_mem>>
      %dma_start3A_336 = tpu.memref_squeeze %dma_start3A_335 : memref<1x!tpu.dma_semaphore, #tpu.memory_space<semaphore_mem>> -> memref<!tpu.dma_semaphore, #tpu.memory_space<semaphore_mem>>
      %dma_start3A_337 = arith.constant 0 : i32
      %dma_start3A_338 = arith.constant 0 : i32
      %dma_start3A_339 = tpu.memref_slice %run_scoped3A[%rem3A_326, %dma_start3A_337, %dma_start3A_338] : memref<2x4x50xi32, #tpu.memory_space<vmem>> -> memref<1x4x50xi32, #tpu.memory_space<vmem>>
      %dma_start3A_340 = tpu.memref_squeeze %dma_start3A_339 : memref<1x4x50xi32, #tpu.memory_space<vmem>> -> memref<4x50xi32, #tpu.memory_space<vmem>>
      %dma_start3A_341 = arith.constant 0 : i32
      %dma_start3A_342 = tpu.memref_slice %arg4[%mul3A_328, %dma_start3A_341] : memref<4096x50xi32, #tpu.memory_space<hbm>> -> memref<4x50xi32, #tpu.memory_space<hbm>>
      tpu.enqueue_dma source(%dma_start3A_342 : memref<4x50xi32, #tpu.memory_space<hbm>>) target(%dma_start3A_340 : memref<4x50xi32, #tpu.memory_space<vmem>>) target_semaphore(%dma_start3A_336 : memref<!tpu.dma_semaphore, #tpu.memory_space<semaphore_mem>>)
      %add3A_343 = arith.constant 0 : i32
      %add3A_344 = arith.constant 1 : i32
      %add3A_345 = arith.addi %add3A_343, %add3A_344 : i32
      %select_n3A_346 = arith.constant true
      %select_n3A_347 = arith.constant 0 : i32
      %select_n3A_348 = arith.select %select_n3A_346, %add3A_345, %select_n3A_347 : i32
      %rem3A_349 = arith.constant 0 : i32
      %rem3A_350 = arith.constant 2 : i32
      %rem3A_351 = arith.remui %rem3A_349, %rem3A_350 : i32
      %mul3A_352 = arith.constant 4 : i32
      %mul3A_353 = arith.muli %mul3A_352, %add3A_299 : i32
      %dma_start3A_354 = arith.constant 0 : i32
      %dma_start3A_355 = arith.constant 0 : i32
      %dma_start3A_356 = tpu.memref_slice %run_scoped3A_294[%rem3A_351, %dma_start3A_354, %dma_start3A_355] : memref<2x4x50xi32, #tpu.memory_space<vmem>> -> memref<1x4x50xi32, #tpu.memory_space<vmem>>
      %dma_start3A_357 = tpu.memref_squeeze %dma_start3A_356 : memref<1x4x50xi32, #tpu.memory_space<vmem>> -> memref<4x50xi32, #tpu.memory_space<vmem>>
      %dma_start3A_358 = arith.constant 0 : i32
      %dma_start3A_359 = tpu.memref_slice %arg5[%mul3A_353, %dma_start3A_358] : memref<4096x50xi32, #tpu.memory_space<hbm>> -> memref<4x50xi32, #tpu.memory_space<hbm>>
      %dma_start3A_360 = tpu.memref_slice %run_scoped3A_295[%rem3A_351] : memref<2x!tpu.dma_semaphore, #tpu.memory_space<semaphore_mem>> -> memref<1x!tpu.dma_semaphore, #tpu.memory_space<semaphore_mem>>
      %dma_start3A_361 = tpu.memref_squeeze %dma_start3A_360 : memref<1x!tpu.dma_semaphore, #tpu.memory_space<semaphore_mem>> -> memref<!tpu.dma_semaphore, #tpu.memory_space<semaphore_mem>>
      %dma_start3A_362 = arith.constant 0 : i32
      %dma_start3A_363 = arith.constant 0 : i32
      %dma_start3A_364 = tpu.memref_slice %run_scoped3A_294[%rem3A_351, %dma_start3A_362, %dma_start3A_363] : memref<2x4x50xi32, #tpu.memory_space<vmem>> -> memref<1x4x50xi32, #tpu.memory_space<vmem>>
      %dma_start3A_365 = tpu.memref_squeeze %dma_start3A_364 : memref<1x4x50xi32, #tpu.memory_space<vmem>> -> memref<4x50xi32, #tpu.memory_space<vmem>>
      %dma_start3A_366 = arith.constant 0 : i32
      %dma_start3A_367 = tpu.memref_slice %arg5[%mul3A_353, %dma_start3A_366] : memref<4096x50xi32, #tpu.memory_space<hbm>> -> memref<4x50xi32, #tpu.memory_space<hbm>>
      tpu.enqueue_dma source(%dma_start3A_367 : memref<4x50xi32, #tpu.memory_space<hbm>>) target(%dma_start3A_365 : memref<4x50xi32, #tpu.memory_space<vmem>>) target_semaphore(%dma_start3A_361 : memref<!tpu.dma_semaphore, #tpu.memory_space<semaphore_mem>>)
      %add3A_368 = arith.constant 0 : i32
      %add3A_369 = arith.constant 1 : i32
      %add3A_370 = arith.addi %add3A_368, %add3A_369 : i32
      %select_n3A_371 = arith.constant true
      %select_n3A_372 = arith.constant 0 : i32
      %select_n3A_373 = arith.select %select_n3A_371, %add3A_370, %select_n3A_372 : i32
      %rem3A_374 = arith.constant 0 : i32
      %rem3A_375 = arith.constant 2 : i32
      %rem3A_376 = arith.remui %rem3A_374, %rem3A_375 : i32
      %mul3A_377 = arith.constant 1 : i32
      %mul3A_378 = arith.muli %mul3A_377, %add3A_299 : i32
      %dma_start3A_379 = arith.constant 0 : i32
      %dma_start3A_380 = arith.constant 0 : i32
      %dma_start3A_381 = tpu.memref_slice %run_scoped3A_296[%rem3A_376, %dma_start3A_379, %dma_start3A_380] : memref<2x1x16xi32, #tpu.memory_space<vmem>> -> memref<1x1x16xi32, #tpu.memory_space<vmem>>
      %dma_start3A_382 = tpu.memref_squeeze %dma_start3A_381 : memref<1x1x16xi32, #tpu.memory_space<vmem>> -> memref<1x16xi32, #tpu.memory_space<vmem>>
      %dma_start3A_383 = arith.constant 0 : i32
      %dma_start3A_384 = tpu.memref_slice %arg6[%mul3A_378, %dma_start3A_383] : memref<1024x16xi32, #tpu.memory_space<hbm>> -> memref<1x16xi32, #tpu.memory_space<hbm>>
      %dma_start3A_385 = tpu.memref_slice %run_scoped3A_297[%rem3A_376] : memref<2x!tpu.dma_semaphore, #tpu.memory_space<semaphore_mem>> -> memref<1x!tpu.dma_semaphore, #tpu.memory_space<semaphore_mem>>
      %dma_start3A_386 = tpu.memref_squeeze %dma_start3A_385 : memref<1x!tpu.dma_semaphore, #tpu.memory_space<semaphore_mem>> -> memref<!tpu.dma_semaphore, #tpu.memory_space<semaphore_mem>>
      %dma_start3A_387 = arith.constant 0 : i32
      %dma_start3A_388 = arith.constant 0 : i32
      %dma_start3A_389 = tpu.memref_slice %run_scoped3A_296[%rem3A_376, %dma_start3A_387, %dma_start3A_388] : memref<2x1x16xi32, #tpu.memory_space<vmem>> -> memref<1x1x16xi32, #tpu.memory_space<vmem>>
      %dma_start3A_390 = tpu.memref_squeeze %dma_start3A_389 : memref<1x1x16xi32, #tpu.memory_space<vmem>> -> memref<1x16xi32, #tpu.memory_space<vmem>>
      %dma_start3A_391 = arith.constant 0 : i32
      %dma_start3A_392 = tpu.memref_slice %arg6[%mul3A_378, %dma_start3A_391] : memref<1024x16xi32, #tpu.memory_space<hbm>> -> memref<1x16xi32, #tpu.memory_space<hbm>>
      tpu.enqueue_dma source(%dma_start3A_392 : memref<1x16xi32, #tpu.memory_space<hbm>>) target(%dma_start3A_390 : memref<1x16xi32, #tpu.memory_space<vmem>>) target_semaphore(%dma_start3A_386 : memref<!tpu.dma_semaphore, #tpu.memory_space<semaphore_mem>>)
      %add3A_393 = arith.constant 0 : i32
      %add3A_394 = arith.constant 1 : i32
      %add3A_395 = arith.addi %add3A_393, %add3A_394 : i32
      %select_n3A_396 = arith.constant true
      %select_n3A_397 = arith.constant 0 : i32
      %select_n3A_398 = arith.select %select_n3A_396, %add3A_395, %select_n3A_397 : i32
      "tpu.trace_stop"() : () -> ()
      %scan3A = arith.constant 0 : i32
      %scan3A_399 = arith.constant 0 : i32
      %scan3A_400 = arith.constant 0 : i32
      %scan3A_401 = arith.constant 0 : i32
      %scan3A_402 = arith.constant 0 : i32
      %scan3A_403 = arith.constant 32 : i32
      %scan3A_404 = arith.addi %scan3A_402, %scan3A_403 : i32
      %scan3A_405 = arith.constant 1 : i32
      %scan3A_406:7 = scf.for %scan3A_443 = %scan3A_402 to %scan3A_404 step %scan3A_405 iter_args(%scan3A_444 = %select_n3A_348, %scan3A_445 = %scan3A, %scan3A_446 = %select_n3A_373, %scan3A_447 = %scan3A_399, %scan3A_448 = %select_n3A_398, %scan3A_449 = %scan3A_400, %scan3A_450 = %scan3A_401) -> (i32, i32, i32, i32, i32, i32, i32)  : i32 {
        %eq3A_451 = arith.constant 0 : i32
        %eq3A_452 = arith.cmpi eq, %scan3A_443, %eq3A_451 : i32
        %eq3A_453 = arith.constant 31 : i32
        %eq3A_454 = arith.cmpi eq, %scan3A_443, %eq3A_453 : i32
        %add3A_455 = arith.addi %scan3A_450, %mul3A_149 : i32
        %sub3A_456 = arith.constant 1 : i32
        %sub3A_457 = arith.subi %scan3A_450, %sub3A_456 : i32
        %select_n3A_458 = arith.constant true
        %select_n3A_459 = arith.select %select_n3A_458, %sub3A_457, %scan3A_450 : i32
        %eq3A_460 = arith.constant -1 : i32
        %eq3A_461 = arith.cmpi eq, %select_n3A_459, %eq3A_460 : i32
        %select_n3A_462 = arith.constant 31 : i32
        %select_n3A_463 = arith.select %eq3A_461, %select_n3A_462, %select_n3A_459 : i32
        %add3A_464 = arith.addi %select_n3A_463, %mul3A_149 : i32
        %add3A_465 = arith.constant 1 : i32
        %add3A_466 = arith.addi %scan3A_450, %add3A_465 : i32
        %select_n3A_467 = arith.constant true
        %select_n3A_468 = arith.select %select_n3A_467, %add3A_466, %scan3A_450 : i32
        %eq3A_469 = arith.constant 32 : i32
        %eq3A_470 = arith.cmpi eq, %select_n3A_468, %eq3A_469 : i32
        %select_n3A_471 = arith.constant 0 : i32
        %select_n3A_472 = arith.select %eq3A_470, %select_n3A_471, %select_n3A_468 : i32
        %add3A_473 = arith.addi %select_n3A_472, %mul3A_149 : i32
        %add3A_474 = arith.constant 1 : i32
        %add3A_475 = arith.addi %select_n3A_472, %add3A_474 : i32
        %select_n3A_476 = arith.constant true
        %select_n3A_477 = arith.select %select_n3A_476, %add3A_475, %select_n3A_472 : i32
        %eq3A_478 = arith.constant 32 : i32
        %eq3A_479 = arith.cmpi eq, %select_n3A_477, %eq3A_478 : i32
        %select_n3A_480 = arith.constant 0 : i32
        %select_n3A_481 = arith.select %eq3A_479, %select_n3A_480, %select_n3A_477 : i32
        %add3A_482 = arith.addi %select_n3A_481, %mul3A_149 : i32
        %ne3A = arith.cmpi ne, %add3A_455, %add3A_473 : i32
        %or3A = arith.constant false
        %or3A_483 = arith.ori %or3A, %ne3A : i1
        %or3A_484 = arith.constant false
        %or3A_485 = arith.ori %or3A_483, %or3A_484 : i1
        %ge3A = arith.constant 31 : i32
        %ge3A_486 = arith.cmpi sge, %scan3A_443, %ge3A : i32
        %not3A = arith.constant true
        %not3A_487 = arith.xori %ge3A_486, %not3A : i1
        %and3A = arith.andi %or3A_485, %not3A_487 : i1
        %convert_element_type3A = arith.extui %and3A : i1 to i32
        %cond3A = arith.constant 0 : i32
        %cond3A_488 = arith.cmpi ne, %convert_element_type3A, %cond3A : i32
        scf.if %cond3A_488 {
          "tpu.trace_start"() <{level = 10 : i32, message = "ep_copy_in"}> : () -> ()
          %rem3A_1237 = arith.constant 2 : i32
          %rem3A_1238 = arith.remui %scan3A_444, %rem3A_1237 : i32
          %mul3A_1239 = arith.constant 4 : i32
          %mul3A_1240 = arith.muli %mul3A_1239, %add3A_473 : i32
          %dma_start3A_1241 = arith.constant 0 : i32
          %dma_start3A_1242 = arith.constant 0 : i32
          %dma_start3A_1243 = tpu.memref_slice %run_scoped3A[%rem3A_1238, %dma_start3A_1241, %dma_start3A_1242] : memref<2x4x50xi32, #tpu.memory_space<vmem>> -> memref<1x4x50xi32, #tpu.memory_space<vmem>>
          %dma_start3A_1244 = tpu.memref_squeeze %dma_start3A_1243 : memref<1x4x50xi32, #tpu.memory_space<vmem>> -> memref<4x50xi32, #tpu.memory_space<vmem>>
          %dma_start3A_1245 = arith.constant 0 : i32
          %dma_start3A_1246 = tpu.memref_slice %arg4[%mul3A_1240, %dma_start3A_1245] : memref<4096x50xi32, #tpu.memory_space<hbm>> -> memref<4x50xi32, #tpu.memory_space<hbm>>
          %dma_start3A_1247 = tpu.memref_slice %run_scoped3A_293[%rem3A_1238] : memref<2x!tpu.dma_semaphore, #tpu.memory_space<semaphore_mem>> -> memref<1x!tpu.dma_semaphore, #tpu.memory_space<semaphore_mem>>
          %dma_start3A_1248 = tpu.memref_squeeze %dma_start3A_1247 : memref<1x!tpu.dma_semaphore, #tpu.memory_space<semaphore_mem>> -> memref<!tpu.dma_semaphore, #tpu.memory_space<semaphore_mem>>
          %dma_start3A_1249 = arith.constant 0 : i32
          %dma_start3A_1250 = arith.constant 0 : i32
          %dma_start3A_1251 = tpu.memref_slice %run_scoped3A[%rem3A_1238, %dma_start3A_1249, %dma_start3A_1250] : memref<2x4x50xi32, #tpu.memory_space<vmem>> -> memref<1x4x50xi32, #tpu.memory_space<vmem>>
          %dma_start3A_1252 = tpu.memref_squeeze %dma_start3A_1251 : memref<1x4x50xi32, #tpu.memory_space<vmem>> -> memref<4x50xi32, #tpu.memory_space<vmem>>
          %dma_start3A_1253 = arith.constant 0 : i32
          %dma_start3A_1254 = tpu.memref_slice %arg4[%mul3A_1240, %dma_start3A_1253] : memref<4096x50xi32, #tpu.memory_space<hbm>> -> memref<4x50xi32, #tpu.memory_space<hbm>>
          tpu.enqueue_dma source(%dma_start3A_1254 : memref<4x50xi32, #tpu.memory_space<hbm>>) target(%dma_start3A_1252 : memref<4x50xi32, #tpu.memory_space<vmem>>) target_semaphore(%dma_start3A_1248 : memref<!tpu.dma_semaphore, #tpu.memory_space<semaphore_mem>>)
          "tpu.trace_stop"() : () -> ()
        } else {
        }
        %and3A_489 = arith.constant true
        %and3A_490 = arith.andi %and3A, %and3A_489 : i1
        %add3A_491 = arith.constant 1 : i32
        %add3A_492 = arith.addi %scan3A_444, %add3A_491 : i32
        %select_n3A_493 = arith.select %and3A_490, %add3A_492, %scan3A_444 : i32
        %ne3A_494 = arith.cmpi ne, %add3A_455, %add3A_473 : i32
        %or3A_495 = arith.constant false
        %or3A_496 = arith.ori %or3A_495, %ne3A_494 : i1
        %or3A_497 = arith.constant false
        %or3A_498 = arith.ori %or3A_496, %or3A_497 : i1
        %ge3A_499 = arith.constant 31 : i32
        %ge3A_500 = arith.cmpi sge, %scan3A_443, %ge3A_499 : i32
        %not3A_501 = arith.constant true
        %not3A_502 = arith.xori %ge3A_500, %not3A_501 : i1
        %and3A_503 = arith.andi %or3A_498, %not3A_502 : i1
        %convert_element_type3A_504 = arith.extui %and3A_503 : i1 to i32
        %cond3A_505 = arith.constant 0 : i32
        %cond3A_506 = arith.cmpi ne, %convert_element_type3A_504, %cond3A_505 : i32
        scf.if %cond3A_506 {
          "tpu.trace_start"() <{level = 10 : i32, message = "ep_copy_in"}> : () -> ()
          %rem3A_1237 = arith.constant 2 : i32
          %rem3A_1238 = arith.remui %scan3A_446, %rem3A_1237 : i32
          %mul3A_1239 = arith.constant 4 : i32
          %mul3A_1240 = arith.muli %mul3A_1239, %add3A_473 : i32
          %dma_start3A_1241 = arith.constant 0 : i32
          %dma_start3A_1242 = arith.constant 0 : i32
          %dma_start3A_1243 = tpu.memref_slice %run_scoped3A_294[%rem3A_1238, %dma_start3A_1241, %dma_start3A_1242] : memref<2x4x50xi32, #tpu.memory_space<vmem>> -> memref<1x4x50xi32, #tpu.memory_space<vmem>>
          %dma_start3A_1244 = tpu.memref_squeeze %dma_start3A_1243 : memref<1x4x50xi32, #tpu.memory_space<vmem>> -> memref<4x50xi32, #tpu.memory_space<vmem>>
          %dma_start3A_1245 = arith.constant 0 : i32
          %dma_start3A_1246 = tpu.memref_slice %arg5[%mul3A_1240, %dma_start3A_1245] : memref<4096x50xi32, #tpu.memory_space<hbm>> -> memref<4x50xi32, #tpu.memory_space<hbm>>
          %dma_start3A_1247 = tpu.memref_slice %run_scoped3A_295[%rem3A_1238] : memref<2x!tpu.dma_semaphore, #tpu.memory_space<semaphore_mem>> -> memref<1x!tpu.dma_semaphore, #tpu.memory_space<semaphore_mem>>
          %dma_start3A_1248 = tpu.memref_squeeze %dma_start3A_1247 : memref<1x!tpu.dma_semaphore, #tpu.memory_space<semaphore_mem>> -> memref<!tpu.dma_semaphore, #tpu.memory_space<semaphore_mem>>
          %dma_start3A_1249 = arith.constant 0 : i32
          %dma_start3A_1250 = arith.constant 0 : i32
          %dma_start3A_1251 = tpu.memref_slice %run_scoped3A_294[%rem3A_1238, %dma_start3A_1249, %dma_start3A_1250] : memref<2x4x50xi32, #tpu.memory_space<vmem>> -> memref<1x4x50xi32, #tpu.memory_space<vmem>>
          %dma_start3A_1252 = tpu.memref_squeeze %dma_start3A_1251 : memref<1x4x50xi32, #tpu.memory_space<vmem>> -> memref<4x50xi32, #tpu.memory_space<vmem>>
          %dma_start3A_1253 = arith.constant 0 : i32
          %dma_start3A_1254 = tpu.memref_slice %arg5[%mul3A_1240, %dma_start3A_1253] : memref<4096x50xi32, #tpu.memory_space<hbm>> -> memref<4x50xi32, #tpu.memory_space<hbm>>
          tpu.enqueue_dma source(%dma_start3A_1254 : memref<4x50xi32, #tpu.memory_space<hbm>>) target(%dma_start3A_1252 : memref<4x50xi32, #tpu.memory_space<vmem>>) target_semaphore(%dma_start3A_1248 : memref<!tpu.dma_semaphore, #tpu.memory_space<semaphore_mem>>)
          "tpu.trace_stop"() : () -> ()
        } else {
        }
        %and3A_507 = arith.constant true
        %and3A_508 = arith.andi %and3A_503, %and3A_507 : i1
        %add3A_509 = arith.constant 1 : i32
        %add3A_510 = arith.addi %scan3A_446, %add3A_509 : i32
        %select_n3A_511 = arith.select %and3A_508, %add3A_510, %scan3A_446 : i32
        %ne3A_512 = arith.cmpi ne, %add3A_455, %add3A_473 : i32
        %or3A_513 = arith.constant false
        %or3A_514 = arith.ori %or3A_513, %ne3A_512 : i1
        %or3A_515 = arith.constant false
        %or3A_516 = arith.ori %or3A_514, %or3A_515 : i1
        %ge3A_517 = arith.constant 31 : i32
        %ge3A_518 = arith.cmpi sge, %scan3A_443, %ge3A_517 : i32
        %not3A_519 = arith.constant true
        %not3A_520 = arith.xori %ge3A_518, %not3A_519 : i1
        %and3A_521 = arith.andi %or3A_516, %not3A_520 : i1
        %convert_element_type3A_522 = arith.extui %and3A_521 : i1 to i32
        %cond3A_523 = arith.constant 0 : i32
        %cond3A_524 = arith.cmpi ne, %convert_element_type3A_522, %cond3A_523 : i32
        scf.if %cond3A_524 {
          "tpu.trace_start"() <{level = 10 : i32, message = "ep_copy_in"}> : () -> ()
          %rem3A_1237 = arith.constant 2 : i32
          %rem3A_1238 = arith.remui %scan3A_448, %rem3A_1237 : i32
          %mul3A_1239 = arith.constant 1 : i32
          %mul3A_1240 = arith.muli %mul3A_1239, %add3A_473 : i32
          %dma_start3A_1241 = arith.constant 0 : i32
          %dma_start3A_1242 = arith.constant 0 : i32
          %dma_start3A_1243 = tpu.memref_slice %run_scoped3A_296[%rem3A_1238, %dma_start3A_1241, %dma_start3A_1242] : memref<2x1x16xi32, #tpu.memory_space<vmem>> -> memref<1x1x16xi32, #tpu.memory_space<vmem>>
          %dma_start3A_1244 = tpu.memref_squeeze %dma_start3A_1243 : memref<1x1x16xi32, #tpu.memory_space<vmem>> -> memref<1x16xi32, #tpu.memory_space<vmem>>
          %dma_start3A_1245 = arith.constant 0 : i32
          %dma_start3A_1246 = tpu.memref_slice %arg6[%mul3A_1240, %dma_start3A_1245] : memref<1024x16xi32, #tpu.memory_space<hbm>> -> memref<1x16xi32, #tpu.memory_space<hbm>>
          %dma_start3A_1247 = tpu.memref_slice %run_scoped3A_297[%rem3A_1238] : memref<2x!tpu.dma_semaphore, #tpu.memory_space<semaphore_mem>> -> memref<1x!tpu.dma_semaphore, #tpu.memory_space<semaphore_mem>>
          %dma_start3A_1248 = tpu.memref_squeeze %dma_start3A_1247 : memref<1x!tpu.dma_semaphore, #tpu.memory_space<semaphore_mem>> -> memref<!tpu.dma_semaphore, #tpu.memory_space<semaphore_mem>>
          %dma_start3A_1249 = arith.constant 0 : i32
          %dma_start3A_1250 = arith.constant 0 : i32
          %dma_start3A_1251 = tpu.memref_slice %run_scoped3A_296[%rem3A_1238, %dma_start3A_1249, %dma_start3A_1250] : memref<2x1x16xi32, #tpu.memory_space<vmem>> -> memref<1x1x16xi32, #tpu.memory_space<vmem>>
          %dma_start3A_1252 = tpu.memref_squeeze %dma_start3A_1251 : memref<1x1x16xi32, #tpu.memory_space<vmem>> -> memref<1x16xi32, #tpu.memory_space<vmem>>
          %dma_start3A_1253 = arith.constant 0 : i32
          %dma_start3A_1254 = tpu.memref_slice %arg6[%mul3A_1240, %dma_start3A_1253] : memref<1024x16xi32, #tpu.memory_space<hbm>> -> memref<1x16xi32, #tpu.memory_space<hbm>>
          tpu.enqueue_dma source(%dma_start3A_1254 : memref<1x16xi32, #tpu.memory_space<hbm>>) target(%dma_start3A_1252 : memref<1x16xi32, #tpu.memory_space<vmem>>) target_semaphore(%dma_start3A_1248 : memref<!tpu.dma_semaphore, #tpu.memory_space<semaphore_mem>>)
          "tpu.trace_stop"() : () -> ()
        } else {
        }
        %and3A_525 = arith.constant true
        %and3A_526 = arith.andi %and3A_521, %and3A_525 : i1
        %add3A_527 = arith.constant 1 : i32
        %add3A_528 = arith.addi %scan3A_448, %add3A_527 : i32
        %select_n3A_529 = arith.select %and3A_526, %add3A_528, %scan3A_448 : i32
        %ne3A_530 = arith.cmpi ne, %add3A_455, %add3A_464 : i32
        %or3A_531 = arith.constant false
        %or3A_532 = arith.ori %or3A_531, %ne3A_530 : i1
        %or3A_533 = arith.constant false
        %or3A_534 = arith.ori %or3A_532, %or3A_533 : i1
        %or3A_535 = arith.ori %or3A_534, %eq3A_452 : i1
        %convert_element_type3A_536 = arith.extui %or3A_535 : i1 to i32
        %cond3A_537 = arith.constant 0 : i32
        %cond3A_538 = arith.cmpi ne, %convert_element_type3A_536, %cond3A_537 : i32
        scf.if %cond3A_538 {
          "tpu.trace_start"() <{level = 10 : i32, message = "ep_wait_in"}> : () -> ()
          %mul3A_1237 = arith.constant 4 : i32
          %mul3A_1238 = arith.muli %mul3A_1237, %add3A_455 : i32
          %rem3A_1239 = arith.constant 2 : i32
          %rem3A_1240 = arith.remui %scan3A_445, %rem3A_1239 : i32
          %dma_wait3A_1241 = arith.constant 0 : i32
          %dma_wait3A_1242 = arith.constant 0 : i32
          %dma_wait3A_1243 = tpu.memref_slice %run_scoped3A[%rem3A_1240, %dma_wait3A_1241, %dma_wait3A_1242] : memref<2x4x50xi32, #tpu.memory_space<vmem>> -> memref<1x4x50xi32, #tpu.memory_space<vmem>>
          %dma_wait3A_1244 = tpu.memref_squeeze %dma_wait3A_1243 : memref<1x4x50xi32, #tpu.memory_space<vmem>> -> memref<4x50xi32, #tpu.memory_space<vmem>>
          %dma_wait3A_1245 = arith.constant 0 : i32
          %dma_wait3A_1246 = tpu.memref_slice %arg4[%mul3A_1238, %dma_wait3A_1245] : memref<4096x50xi32, #tpu.memory_space<hbm>> -> memref<4x50xi32, #tpu.memory_space<hbm>>
          %dma_wait3A_1247 = tpu.memref_slice %run_scoped3A_293[%rem3A_1240] : memref<2x!tpu.dma_semaphore, #tpu.memory_space<semaphore_mem>> -> memref<1x!tpu.dma_semaphore, #tpu.memory_space<semaphore_mem>>
          %dma_wait3A_1248 = tpu.memref_squeeze %dma_wait3A_1247 : memref<1x!tpu.dma_semaphore, #tpu.memory_space<semaphore_mem>> -> memref<!tpu.dma_semaphore, #tpu.memory_space<semaphore_mem>>
          %dma_wait3A_1249 = arith.constant 0 : i32
          %dma_wait3A_1250 = arith.constant 0 : i32
          %dma_wait3A_1251 = tpu.memref_slice %run_scoped3A[%rem3A_1240, %dma_wait3A_1249, %dma_wait3A_1250] : memref<2x4x50xi32, #tpu.memory_space<vmem>> -> memref<1x4x50xi32, #tpu.memory_space<vmem>>
          %dma_wait3A_1252 = tpu.memref_squeeze %dma_wait3A_1251 : memref<1x4x50xi32, #tpu.memory_space<vmem>> -> memref<4x50xi32, #tpu.memory_space<vmem>>
          %dma_wait3A_1253 = arith.constant 0 : i32
          %dma_wait3A_1254 = tpu.memref_slice %arg4[%mul3A_1238, %dma_wait3A_1253] : memref<4096x50xi32, #tpu.memory_space<hbm>> -> memref<4x50xi32, #tpu.memory_space<hbm>>
          tpu.wait_dma2 semaphore(%dma_wait3A_1248 : memref<!tpu.dma_semaphore, #tpu.memory_space<semaphore_mem>>) src(%dma_wait3A_1254 : memref<4x50xi32, #tpu.memory_space<hbm>>) dst(%dma_wait3A_1252 : memref<4x50xi32, #tpu.memory_space<vmem>>)
          "tpu.trace_stop"() : () -> ()
        } else {
        }
        %ne3A_539 = arith.cmpi ne, %add3A_455, %add3A_464 : i32
        %or3A_540 = arith.constant false
        %or3A_541 = arith.ori %or3A_540, %ne3A_539 : i1
        %or3A_542 = arith.constant false
        %or3A_543 = arith.ori %or3A_541, %or3A_542 : i1
        %or3A_544 = arith.ori %or3A_543, %eq3A_452 : i1
        %convert_element_type3A_545 = arith.extui %or3A_544 : i1 to i32
        %cond3A_546 = arith.constant 0 : i32
        %cond3A_547 = arith.cmpi ne, %convert_element_type3A_545, %cond3A_546 : i32
        scf.if %cond3A_547 {
          "tpu.trace_start"() <{level = 10 : i32, message = "ep_wait_in"}> : () -> ()
          %mul3A_1237 = arith.constant 4 : i32
          %mul3A_1238 = arith.muli %mul3A_1237, %add3A_455 : i32
          %rem3A_1239 = arith.constant 2 : i32
          %rem3A_1240 = arith.remui %scan3A_447, %rem3A_1239 : i32
          %dma_wait3A_1241 = arith.constant 0 : i32
          %dma_wait3A_1242 = arith.constant 0 : i32
          %dma_wait3A_1243 = tpu.memref_slice %run_scoped3A_294[%rem3A_1240, %dma_wait3A_1241, %dma_wait3A_1242] : memref<2x4x50xi32, #tpu.memory_space<vmem>> -> memref<1x4x50xi32, #tpu.memory_space<vmem>>
          %dma_wait3A_1244 = tpu.memref_squeeze %dma_wait3A_1243 : memref<1x4x50xi32, #tpu.memory_space<vmem>> -> memref<4x50xi32, #tpu.memory_space<vmem>>
          %dma_wait3A_1245 = arith.constant 0 : i32
          %dma_wait3A_1246 = tpu.memref_slice %arg5[%mul3A_1238, %dma_wait3A_1245] : memref<4096x50xi32, #tpu.memory_space<hbm>> -> memref<4x50xi32, #tpu.memory_space<hbm>>
          %dma_wait3A_1247 = tpu.memref_slice %run_scoped3A_295[%rem3A_1240] : memref<2x!tpu.dma_semaphore, #tpu.memory_space<semaphore_mem>> -> memref<1x!tpu.dma_semaphore, #tpu.memory_space<semaphore_mem>>
          %dma_wait3A_1248 = tpu.memref_squeeze %dma_wait3A_1247 : memref<1x!tpu.dma_semaphore, #tpu.memory_space<semaphore_mem>> -> memref<!tpu.dma_semaphore, #tpu.memory_space<semaphore_mem>>
          %dma_wait3A_1249 = arith.constant 0 : i32
          %dma_wait3A_1250 = arith.constant 0 : i32
          %dma_wait3A_1251 = tpu.memref_slice %run_scoped3A_294[%rem3A_1240, %dma_wait3A_1249, %dma_wait3A_1250] : memref<2x4x50xi32, #tpu.memory_space<vmem>> -> memref<1x4x50xi32, #tpu.memory_space<vmem>>
          %dma_wait3A_1252 = tpu.memref_squeeze %dma_wait3A_1251 : memref<1x4x50xi32, #tpu.memory_space<vmem>> -> memref<4x50xi32, #tpu.memory_space<vmem>>
          %dma_wait3A_1253 = arith.constant 0 : i32
          %dma_wait3A_1254 = tpu.memref_slice %arg5[%mul3A_1238, %dma_wait3A_1253] : memref<4096x50xi32, #tpu.memory_space<hbm>> -> memref<4x50xi32, #tpu.memory_space<hbm>>
          tpu.wait_dma2 semaphore(%dma_wait3A_1248 : memref<!tpu.dma_semaphore, #tpu.memory_space<semaphore_mem>>) src(%dma_wait3A_1254 : memref<4x50xi32, #tpu.memory_space<hbm>>) dst(%dma_wait3A_1252 : memref<4x50xi32, #tpu.memory_space<vmem>>)
          "tpu.trace_stop"() : () -> ()
        } else {
        }
        %ne3A_548 = arith.cmpi ne, %add3A_455, %add3A_464 : i32
        %or3A_549 = arith.constant false
        %or3A_550 = arith.ori %or3A_549, %ne3A_548 : i1
        %or3A_551 = arith.constant false
        %or3A_552 = arith.ori %or3A_550, %or3A_551 : i1
        %or3A_553 = arith.ori %or3A_552, %eq3A_452 : i1
        %convert_element_type3A_554 = arith.extui %or3A_553 : i1 to i32
        %cond3A_555 = arith.constant 0 : i32
        %cond3A_556 = arith.cmpi ne, %convert_element_type3A_554, %cond3A_555 : i32
        scf.if %cond3A_556 {
          "tpu.trace_start"() <{level = 10 : i32, message = "ep_wait_in"}> : () -> ()
          %mul3A_1237 = arith.constant 1 : i32
          %mul3A_1238 = arith.muli %mul3A_1237, %add3A_455 : i32
          %rem3A_1239 = arith.constant 2 : i32
          %rem3A_1240 = arith.remui %scan3A_449, %rem3A_1239 : i32
          %dma_wait3A_1241 = arith.constant 0 : i32
          %dma_wait3A_1242 = arith.constant 0 : i32
          %dma_wait3A_1243 = tpu.memref_slice %run_scoped3A_296[%rem3A_1240, %dma_wait3A_1241, %dma_wait3A_1242] : memref<2x1x16xi32, #tpu.memory_space<vmem>> -> memref<1x1x16xi32, #tpu.memory_space<vmem>>
          %dma_wait3A_1244 = tpu.memref_squeeze %dma_wait3A_1243 : memref<1x1x16xi32, #tpu.memory_space<vmem>> -> memref<1x16xi32, #tpu.memory_space<vmem>>
          %dma_wait3A_1245 = arith.constant 0 : i32
          %dma_wait3A_1246 = tpu.memref_slice %arg6[%mul3A_1238, %dma_wait3A_1245] : memref<1024x16xi32, #tpu.memory_space<hbm>> -> memref<1x16xi32, #tpu.memory_space<hbm>>
          %dma_wait3A_1247 = tpu.memref_slice %run_scoped3A_297[%rem3A_1240] : memref<2x!tpu.dma_semaphore, #tpu.memory_space<semaphore_mem>> -> memref<1x!tpu.dma_semaphore, #tpu.memory_space<semaphore_mem>>
          %dma_wait3A_1248 = tpu.memref_squeeze %dma_wait3A_1247 : memref<1x!tpu.dma_semaphore, #tpu.memory_space<semaphore_mem>> -> memref<!tpu.dma_semaphore, #tpu.memory_space<semaphore_mem>>
          %dma_wait3A_1249 = arith.constant 0 : i32
          %dma_wait3A_1250 = arith.constant 0 : i32
          %dma_wait3A_1251 = tpu.memref_slice %run_scoped3A_296[%rem3A_1240, %dma_wait3A_1249, %dma_wait3A_1250] : memref<2x1x16xi32, #tpu.memory_space<vmem>> -> memref<1x1x16xi32, #tpu.memory_space<vmem>>
          %dma_wait3A_1252 = tpu.memref_squeeze %dma_wait3A_1251 : memref<1x1x16xi32, #tpu.memory_space<vmem>> -> memref<1x16xi32, #tpu.memory_space<vmem>>
          %dma_wait3A_1253 = arith.constant 0 : i32
          %dma_wait3A_1254 = tpu.memref_slice %arg6[%mul3A_1238, %dma_wait3A_1253] : memref<1024x16xi32, #tpu.memory_space<hbm>> -> memref<1x16xi32, #tpu.memory_space<hbm>>
          tpu.wait_dma2 semaphore(%dma_wait3A_1248 : memref<!tpu.dma_semaphore, #tpu.memory_space<semaphore_mem>>) src(%dma_wait3A_1254 : memref<1x16xi32, #tpu.memory_space<hbm>>) dst(%dma_wait3A_1252 : memref<1x16xi32, #tpu.memory_space<vmem>>)
          "tpu.trace_stop"() : () -> ()
        } else {
        }
        %rem3A_557 = arith.constant 2 : i32
        %rem3A_558 = arith.remui %scan3A_445, %rem3A_557 : i32
        %rem3A_559 = arith.constant 2 : i32
        %rem3A_560 = arith.remui %scan3A_447, %rem3A_559 : i32
        %rem3A_561 = arith.constant 2 : i32
        %rem3A_562 = arith.remui %scan3A_449, %rem3A_561 : i32
        %get3A = arith.constant 0 : i32
        "tpu.trace_start"() <{level = 10 : i32, message = "ep_run_kernel"}> : () -> ()
        %get3A_563 = arith.constant 0 : i32
        %get3A_564 = arith.constant 0 : i32
        %get3A_565 = tpu.memref_slice %run_scoped3A_296[%rem3A_562, %get3A_563, %get3A_564] : memref<2x1x16xi32, #tpu.memory_space<vmem>> -> memref<1x1x16xi32, #tpu.memory_space<vmem>>
        %get3A_566 = tpu.memref_squeeze %get3A_565 : memref<1x1x16xi32, #tpu.memory_space<vmem>> -> memref<1x16xi32, #tpu.memory_space<vmem>>
        %get3A_567 = arith.index_cast %get3A : i32 to index
        %get3A_568 = arith.constant 0 : index
        %get3A_569 = tpu.vector_load %get3A_566[%get3A_567, %get3A_568] {strides = array<i32>} : memref<1x16xi32, #tpu.memory_space<vmem>>, vector<1x16xi32>,
        %get3A_570 = vector.shape_cast %get3A_569 : vector<1x16xi32> to vector<16xi32>
        %slice3A = vector.extract_strided_slice %get3A_570 {offsets = [0], sizes = [1], strides = [1]} : vector<16xi32> to vector<1xi32>
        %squeeze3A = vector.extract %slice3A[0] : i32 from vector<1xi32>
        %mul3A_571 = arith.constant 4 : i32
        %mul3A_572 = arith.muli %squeeze3A, %mul3A_571 : i32
        %dma_start3A_573 = arith.constant 0 : i32
        %dma_start3A_574 = arith.constant 0 : i32
        %dma_start3A_575 = arith.constant 0 : i32
        %dma_start3A_576 = arith.constant 0 : i32
        %dma_start3A_577 = tpu.memref_slice %arg9[%dma_start3A_574, %dma_start3A_575, %dma_start3A_576] : memref<4x50x128xf32, #tpu.memory_space<vmem>> -> memref<1x50x128xf32, #tpu.memory_space<vmem>>
        %dma_start3A_578 = tpu.memref_squeeze %dma_start3A_577 : memref<1x50x128xf32, #tpu.memory_space<vmem>> -> memref<50x128xf32, #tpu.memory_space<vmem>>
        %dma_start3A_579 = arith.constant 0 : i32
        %dma_start3A_580 = arith.constant 0 : i32
        %dma_start3A_581 = tpu.memref_slice %run_scoped3A[%rem3A_558, %dma_start3A_579, %dma_start3A_580] : memref<2x4x50xi32, #tpu.memory_space<vmem>> -> memref<1x4x50xi32, #tpu.memory_space<vmem>>
        %dma_start3A_582 = tpu.memref_squeeze %dma_start3A_581 : memref<1x4x50xi32, #tpu.memory_space<vmem>> -> memref<4x50xi32, #tpu.memory_space<vmem>>
        %dma_start3A_583 = arith.constant 0 : i32
        %dma_start3A_584 = tpu.memref_slice %dma_start3A_582[%dma_start3A_573, %dma_start3A_583] : memref<4x50xi32, #tpu.memory_space<vmem>> -> memref<1x50xi32, #tpu.memory_space<vmem>>
        %dma_start3A_585 = tpu.memref_squeeze %dma_start3A_584 : memref<1x50xi32, #tpu.memory_space<vmem>> -> memref<50xi32, #tpu.memory_space<vmem>>
        %dma_start3A_586 = arith.constant 0 : i32
        %dma_start3A_587 = arith.constant 0 : i32
        %dma_start3A_588 = tpu.memref_slice %arg2[%dma_start3A_586, %dma_start3A_587] : memref<100000x128xf32, #tpu.memory_space<hbm>> -> memref<100000x128xf32, #tpu.memory_space<hbm>>
        tpu.enqueue_indirect_dma source(%dma_start3A_588 : memref<100000x128xf32, #tpu.memory_space<hbm>>) target(%dma_start3A_578 : memref<50x128xf32, #tpu.memory_space<vmem>>) offsets(%dma_start3A_585 : memref<50xi32, #tpu.memory_space<vmem>>) semaphore(%arg13 : memref<!tpu.dma_semaphore, #tpu.memory_space<semaphore_mem>>)
        %dma_start3A_589 = arith.constant 0 : i32
        %dma_start3A_590 = arith.constant 0 : i32
        %dma_start3A_591 = arith.constant 0 : i32
        %dma_start3A_592 = arith.constant 0 : i32
        %dma_start3A_593 = tpu.memref_slice %arg10[%dma_start3A_590, %dma_start3A_591, %dma_start3A_592] : memref<4x50x128xf32, #tpu.memory_space<vmem>> -> memref<1x50x128xf32, #tpu.memory_space<vmem>>
        %dma_start3A_594 = tpu.memref_squeeze %dma_start3A_593 : memref<1x50x128xf32, #tpu.memory_space<vmem>> -> memref<50x128xf32, #tpu.memory_space<vmem>>
        %dma_start3A_595 = arith.constant 0 : i32
        %dma_start3A_596 = arith.constant 0 : i32
        %dma_start3A_597 = tpu.memref_slice %run_scoped3A_294[%rem3A_560, %dma_start3A_595, %dma_start3A_596] : memref<2x4x50xi32, #tpu.memory_space<vmem>> -> memref<1x4x50xi32, #tpu.memory_space<vmem>>
        %dma_start3A_598 = tpu.memref_squeeze %dma_start3A_597 : memref<1x4x50xi32, #tpu.memory_space<vmem>> -> memref<4x50xi32, #tpu.memory_space<vmem>>
        %dma_start3A_599 = arith.constant 0 : i32
        %dma_start3A_600 = tpu.memref_slice %dma_start3A_598[%dma_start3A_589, %dma_start3A_599] : memref<4x50xi32, #tpu.memory_space<vmem>> -> memref<1x50xi32, #tpu.memory_space<vmem>>
        %dma_start3A_601 = tpu.memref_squeeze %dma_start3A_600 : memref<1x50xi32, #tpu.memory_space<vmem>> -> memref<50xi32, #tpu.memory_space<vmem>>
        %dma_start3A_602 = arith.constant 0 : i32
        %dma_start3A_603 = arith.constant 0 : i32
        %dma_start3A_604 = tpu.memref_slice %arg3[%dma_start3A_602, %dma_start3A_603] : memref<1000x128xf32, #tpu.memory_space<hbm>> -> memref<1000x128xf32, #tpu.memory_space<hbm>>
        tpu.enqueue_indirect_dma source(%dma_start3A_604 : memref<1000x128xf32, #tpu.memory_space<hbm>>) target(%dma_start3A_594 : memref<50x128xf32, #tpu.memory_space<vmem>>) offsets(%dma_start3A_601 : memref<50xi32, #tpu.memory_space<vmem>>) semaphore(%arg13 : memref<!tpu.dma_semaphore, #tpu.memory_space<semaphore_mem>>)
        %dma_start3A_605 = arith.constant 1 : i32
        %dma_start3A_606 = arith.constant 1 : i32
        %dma_start3A_607 = arith.constant 0 : i32
        %dma_start3A_608 = arith.constant 0 : i32
        %dma_start3A_609 = tpu.memref_slice %arg9[%dma_start3A_606, %dma_start3A_607, %dma_start3A_608] : memref<4x50x128xf32, #tpu.memory_space<vmem>> -> memref<1x50x128xf32, #tpu.memory_space<vmem>>
        %dma_start3A_610 = tpu.memref_squeeze %dma_start3A_609 : memref<1x50x128xf32, #tpu.memory_space<vmem>> -> memref<50x128xf32, #tpu.memory_space<vmem>>
        %dma_start3A_611 = arith.constant 0 : i32
        %dma_start3A_612 = arith.constant 0 : i32
        %dma_start3A_613 = tpu.memref_slice %run_scoped3A[%rem3A_558, %dma_start3A_611, %dma_start3A_612] : memref<2x4x50xi32, #tpu.memory_space<vmem>> -> memref<1x4x50xi32, #tpu.memory_space<vmem>>
        %dma_start3A_614 = tpu.memref_squeeze %dma_start3A_613 : memref<1x4x50xi32, #tpu.memory_space<vmem>> -> memref<4x50xi32, #tpu.memory_space<vmem>>
        %dma_start3A_615 = arith.constant 0 : i32
        %dma_start3A_616 = tpu.memref_slice %dma_start3A_614[%dma_start3A_605, %dma_start3A_615] : memref<4x50xi32, #tpu.memory_space<vmem>> -> memref<1x50xi32, #tpu.memory_space<vmem>>
        %dma_start3A_617 = tpu.memref_squeeze %dma_start3A_616 : memref<1x50xi32, #tpu.memory_space<vmem>> -> memref<50xi32, #tpu.memory_space<vmem>>
        %dma_start3A_618 = arith.constant 0 : i32
        %dma_start3A_619 = arith.constant 0 : i32
        %dma_start3A_620 = tpu.memref_slice %arg2[%dma_start3A_618, %dma_start3A_619] : memref<100000x128xf32, #tpu.memory_space<hbm>> -> memref<100000x128xf32, #tpu.memory_space<hbm>>
        tpu.enqueue_indirect_dma source(%dma_start3A_620 : memref<100000x128xf32, #tpu.memory_space<hbm>>) target(%dma_start3A_610 : memref<50x128xf32, #tpu.memory_space<vmem>>) offsets(%dma_start3A_617 : memref<50xi32, #tpu.memory_space<vmem>>) semaphore(%arg13 : memref<!tpu.dma_semaphore, #tpu.memory_space<semaphore_mem>>)
        %dma_start3A_621 = arith.constant 1 : i32
        %dma_start3A_622 = arith.constant 1 : i32
        %dma_start3A_623 = arith.constant 0 : i32
        %dma_start3A_624 = arith.constant 0 : i32
        %dma_start3A_625 = tpu.memref_slice %arg10[%dma_start3A_622, %dma_start3A_623, %dma_start3A_624] : memref<4x50x128xf32, #tpu.memory_space<vmem>> -> memref<1x50x128xf32, #tpu.memory_space<vmem>>
        %dma_start3A_626 = tpu.memref_squeeze %dma_start3A_625 : memref<1x50x128xf32, #tpu.memory_space<vmem>> -> memref<50x128xf32, #tpu.memory_space<vmem>>
        %dma_start3A_627 = arith.constant 0 : i32
        %dma_start3A_628 = arith.constant 0 : i32
        %dma_start3A_629 = tpu.memref_slice %run_scoped3A_294[%rem3A_560, %dma_start3A_627, %dma_start3A_628] : memref<2x4x50xi32, #tpu.memory_space<vmem>> -> memref<1x4x50xi32, #tpu.memory_space<vmem>>
        %dma_start3A_630 = tpu.memref_squeeze %dma_start3A_629 : memref<1x4x50xi32, #tpu.memory_space<vmem>> -> memref<4x50xi32, #tpu.memory_space<vmem>>
        %dma_start3A_631 = arith.constant 0 : i32
        %dma_start3A_632 = tpu.memref_slice %dma_start3A_630[%dma_start3A_621, %dma_start3A_631] : memref<4x50xi32, #tpu.memory_space<vmem>> -> memref<1x50xi32, #tpu.memory_space<vmem>>
        %dma_start3A_633 = tpu.memref_squeeze %dma_start3A_632 : memref<1x50xi32, #tpu.memory_space<vmem>> -> memref<50xi32, #tpu.memory_space<vmem>>
        %dma_start3A_634 = arith.constant 0 : i32
        %dma_start3A_635 = arith.constant 0 : i32
        %dma_start3A_636 = tpu.memref_slice %arg3[%dma_start3A_634, %dma_start3A_635] : memref<1000x128xf32, #tpu.memory_space<hbm>> -> memref<1000x128xf32, #tpu.memory_space<hbm>>
        tpu.enqueue_indirect_dma source(%dma_start3A_636 : memref<1000x128xf32, #tpu.memory_space<hbm>>) target(%dma_start3A_626 : memref<50x128xf32, #tpu.memory_space<vmem>>) offsets(%dma_start3A_633 : memref<50xi32, #tpu.memory_space<vmem>>) semaphore(%arg13 : memref<!tpu.dma_semaphore, #tpu.memory_space<semaphore_mem>>)
        %dma_start3A_637 = arith.constant 2 : i32
        %dma_start3A_638 = arith.constant 2 : i32
        %dma_start3A_639 = arith.constant 0 : i32
        %dma_start3A_640 = arith.constant 0 : i32
        %dma_start3A_641 = tpu.memref_slice %arg9[%dma_start3A_638, %dma_start3A_639, %dma_start3A_640] : memref<4x50x128xf32, #tpu.memory_space<vmem>> -> memref<1x50x128xf32, #tpu.memory_space<vmem>>
        %dma_start3A_642 = tpu.memref_squeeze %dma_start3A_641 : memref<1x50x128xf32, #tpu.memory_space<vmem>> -> memref<50x128xf32, #tpu.memory_space<vmem>>
        %dma_start3A_643 = arith.constant 0 : i32
        %dma_start3A_644 = arith.constant 0 : i32
        %dma_start3A_645 = tpu.memref_slice %run_scoped3A[%rem3A_558, %dma_start3A_643, %dma_start3A_644] : memref<2x4x50xi32, #tpu.memory_space<vmem>> -> memref<1x4x50xi32, #tpu.memory_space<vmem>>
        %dma_start3A_646 = tpu.memref_squeeze %dma_start3A_645 : memref<1x4x50xi32, #tpu.memory_space<vmem>> -> memref<4x50xi32, #tpu.memory_space<vmem>>
        %dma_start3A_647 = arith.constant 0 : i32
        %dma_start3A_648 = tpu.memref_slice %dma_start3A_646[%dma_start3A_637, %dma_start3A_647] : memref<4x50xi32, #tpu.memory_space<vmem>> -> memref<1x50xi32, #tpu.memory_space<vmem>>
        %dma_start3A_649 = tpu.memref_squeeze %dma_start3A_648 : memref<1x50xi32, #tpu.memory_space<vmem>> -> memref<50xi32, #tpu.memory_space<vmem>>
        %dma_start3A_650 = arith.constant 0 : i32
        %dma_start3A_651 = arith.constant 0 : i32
        %dma_start3A_652 = tpu.memref_slice %arg2[%dma_start3A_650, %dma_start3A_651] : memref<100000x128xf32, #tpu.memory_space<hbm>> -> memref<100000x128xf32, #tpu.memory_space<hbm>>
        tpu.enqueue_indirect_dma source(%dma_start3A_652 : memref<100000x128xf32, #tpu.memory_space<hbm>>) target(%dma_start3A_642 : memref<50x128xf32, #tpu.memory_space<vmem>>) offsets(%dma_start3A_649 : memref<50xi32, #tpu.memory_space<vmem>>) semaphore(%arg13 : memref<!tpu.dma_semaphore, #tpu.memory_space<semaphore_mem>>)
        %dma_start3A_653 = arith.constant 2 : i32
        %dma_start3A_654 = arith.constant 2 : i32
        %dma_start3A_655 = arith.constant 0 : i32
        %dma_start3A_656 = arith.constant 0 : i32
        %dma_start3A_657 = tpu.memref_slice %arg10[%dma_start3A_654, %dma_start3A_655, %dma_start3A_656] : memref<4x50x128xf32, #tpu.memory_space<vmem>> -> memref<1x50x128xf32, #tpu.memory_space<vmem>>
        %dma_start3A_658 = tpu.memref_squeeze %dma_start3A_657 : memref<1x50x128xf32, #tpu.memory_space<vmem>> -> memref<50x128xf32, #tpu.memory_space<vmem>>
        %dma_start3A_659 = arith.constant 0 : i32
        %dma_start3A_660 = arith.constant 0 : i32
        %dma_start3A_661 = tpu.memref_slice %run_scoped3A_294[%rem3A_560, %dma_start3A_659, %dma_start3A_660] : memref<2x4x50xi32, #tpu.memory_space<vmem>> -> memref<1x4x50xi32, #tpu.memory_space<vmem>>
        %dma_start3A_662 = tpu.memref_squeeze %dma_start3A_661 : memref<1x4x50xi32, #tpu.memory_space<vmem>> -> memref<4x50xi32, #tpu.memory_space<vmem>>
        %dma_start3A_663 = arith.constant 0 : i32
        %dma_start3A_664 = tpu.memref_slice %dma_start3A_662[%dma_start3A_653, %dma_start3A_663] : memref<4x50xi32, #tpu.memory_space<vmem>> -> memref<1x50xi32, #tpu.memory_space<vmem>>
        %dma_start3A_665 = tpu.memref_squeeze %dma_start3A_664 : memref<1x50xi32, #tpu.memory_space<vmem>> -> memref<50xi32, #tpu.memory_space<vmem>>
        %dma_start3A_666 = arith.constant 0 : i32
        %dma_start3A_667 = arith.constant 0 : i32
        %dma_start3A_668 = tpu.memref_slice %arg3[%dma_start3A_666, %dma_start3A_667] : memref<1000x128xf32, #tpu.memory_space<hbm>> -> memref<1000x128xf32, #tpu.memory_space<hbm>>
        tpu.enqueue_indirect_dma source(%dma_start3A_668 : memref<1000x128xf32, #tpu.memory_space<hbm>>) target(%dma_start3A_658 : memref<50x128xf32, #tpu.memory_space<vmem>>) offsets(%dma_start3A_665 : memref<50xi32, #tpu.memory_space<vmem>>) semaphore(%arg13 : memref<!tpu.dma_semaphore, #tpu.memory_space<semaphore_mem>>)
        %dma_start3A_669 = arith.constant 3 : i32
        %dma_start3A_670 = arith.constant 3 : i32
        %dma_start3A_671 = arith.constant 0 : i32
        %dma_start3A_672 = arith.constant 0 : i32
        %dma_start3A_673 = tpu.memref_slice %arg9[%dma_start3A_670, %dma_start3A_671, %dma_start3A_672] : memref<4x50x128xf32, #tpu.memory_space<vmem>> -> memref<1x50x128xf32, #tpu.memory_space<vmem>>
        %dma_start3A_674 = tpu.memref_squeeze %dma_start3A_673 : memref<1x50x128xf32, #tpu.memory_space<vmem>> -> memref<50x128xf32, #tpu.memory_space<vmem>>
        %dma_start3A_675 = arith.constant 0 : i32
        %dma_start3A_676 = arith.constant 0 : i32
        %dma_start3A_677 = tpu.memref_slice %run_scoped3A[%rem3A_558, %dma_start3A_675, %dma_start3A_676] : memref<2x4x50xi32, #tpu.memory_space<vmem>> -> memref<1x4x50xi32, #tpu.memory_space<vmem>>
        %dma_start3A_678 = tpu.memref_squeeze %dma_start3A_677 : memref<1x4x50xi32, #tpu.memory_space<vmem>> -> memref<4x50xi32, #tpu.memory_space<vmem>>
        %dma_start3A_679 = arith.constant 0 : i32
        %dma_start3A_680 = tpu.memref_slice %dma_start3A_678[%dma_start3A_669, %dma_start3A_679] : memref<4x50xi32, #tpu.memory_space<vmem>> -> memref<1x50xi32, #tpu.memory_space<vmem>>
        %dma_start3A_681 = tpu.memref_squeeze %dma_start3A_680 : memref<1x50xi32, #tpu.memory_space<vmem>> -> memref<50xi32, #tpu.memory_space<vmem>>
        %dma_start3A_682 = arith.constant 0 : i32
        %dma_start3A_683 = arith.constant 0 : i32
        %dma_start3A_684 = tpu.memref_slice %arg2[%dma_start3A_682, %dma_start3A_683] : memref<100000x128xf32, #tpu.memory_space<hbm>> -> memref<100000x128xf32, #tpu.memory_space<hbm>>
        tpu.enqueue_indirect_dma source(%dma_start3A_684 : memref<100000x128xf32, #tpu.memory_space<hbm>>) target(%dma_start3A_674 : memref<50x128xf32, #tpu.memory_space<vmem>>) offsets(%dma_start3A_681 : memref<50xi32, #tpu.memory_space<vmem>>) semaphore(%arg13 : memref<!tpu.dma_semaphore, #tpu.memory_space<semaphore_mem>>)
        %dma_start3A_685 = arith.constant 3 : i32
        %dma_start3A_686 = arith.constant 3 : i32
        %dma_start3A_687 = arith.constant 0 : i32
        %dma_start3A_688 = arith.constant 0 : i32
        %dma_start3A_689 = tpu.memref_slice %arg10[%dma_start3A_686, %dma_start3A_687, %dma_start3A_688] : memref<4x50x128xf32, #tpu.memory_space<vmem>> -> memref<1x50x128xf32, #tpu.memory_space<vmem>>
        %dma_start3A_690 = tpu.memref_squeeze %dma_start3A_689 : memref<1x50x128xf32, #tpu.memory_space<vmem>> -> memref<50x128xf32, #tpu.memory_space<vmem>>
        %dma_start3A_691 = arith.constant 0 : i32
        %dma_start3A_692 = arith.constant 0 : i32
        %dma_start3A_693 = tpu.memref_slice %run_scoped3A_294[%rem3A_560, %dma_start3A_691, %dma_start3A_692] : memref<2x4x50xi32, #tpu.memory_space<vmem>> -> memref<1x4x50xi32, #tpu.memory_space<vmem>>
        %dma_start3A_694 = tpu.memref_squeeze %dma_start3A_693 : memref<1x4x50xi32, #tpu.memory_space<vmem>> -> memref<4x50xi32, #tpu.memory_space<vmem>>
        %dma_start3A_695 = arith.constant 0 : i32
        %dma_start3A_696 = tpu.memref_slice %dma_start3A_694[%dma_start3A_685, %dma_start3A_695] : memref<4x50xi32, #tpu.memory_space<vmem>> -> memref<1x50xi32, #tpu.memory_space<vmem>>
        %dma_start3A_697 = tpu.memref_squeeze %dma_start3A_696 : memref<1x50xi32, #tpu.memory_space<vmem>> -> memref<50xi32, #tpu.memory_space<vmem>>
        %dma_start3A_698 = arith.constant 0 : i32
        %dma_start3A_699 = arith.constant 0 : i32
        %dma_start3A_700 = tpu.memref_slice %arg3[%dma_start3A_698, %dma_start3A_699] : memref<1000x128xf32, #tpu.memory_space<hbm>> -> memref<1000x128xf32, #tpu.memory_space<hbm>>
        tpu.enqueue_indirect_dma source(%dma_start3A_700 : memref<1000x128xf32, #tpu.memory_space<hbm>>) target(%dma_start3A_690 : memref<50x128xf32, #tpu.memory_space<vmem>>) offsets(%dma_start3A_697 : memref<50xi32, #tpu.memory_space<vmem>>) semaphore(%arg13 : memref<!tpu.dma_semaphore, #tpu.memory_space<semaphore_mem>>)
        %dma_wait3A_701 = arith.constant 0 : i32
        %dma_wait3A_702 = arith.constant 0 : i32
        %dma_wait3A_703 = arith.constant 0 : i32
        %dma_wait3A_704 = arith.constant 0 : i32
        %dma_wait3A_705 = tpu.memref_slice %arg9[%dma_wait3A_702, %dma_wait3A_703, %dma_wait3A_704] : memref<4x50x128xf32, #tpu.memory_space<vmem>> -> memref<1x50x128xf32, #tpu.memory_space<vmem>>
        %dma_wait3A_706 = tpu.memref_squeeze %dma_wait3A_705 : memref<1x50x128xf32, #tpu.memory_space<vmem>> -> memref<50x128xf32, #tpu.memory_space<vmem>>
        %dma_wait3A_707 = arith.constant 0 : i32
        %dma_wait3A_708 = arith.constant 0 : i32
        %dma_wait3A_709 = tpu.memref_slice %run_scoped3A[%rem3A_558, %dma_wait3A_707, %dma_wait3A_708] : memref<2x4x50xi32, #tpu.memory_space<vmem>> -> memref<1x4x50xi32, #tpu.memory_space<vmem>>
        %dma_wait3A_710 = tpu.memref_squeeze %dma_wait3A_709 : memref<1x4x50xi32, #tpu.memory_space<vmem>> -> memref<4x50xi32, #tpu.memory_space<vmem>>
        %dma_wait3A_711 = arith.constant 0 : i32
        %dma_wait3A_712 = tpu.memref_slice %dma_wait3A_710[%dma_wait3A_701, %dma_wait3A_711] : memref<4x50xi32, #tpu.memory_space<vmem>> -> memref<1x50xi32, #tpu.memory_space<vmem>>
        %dma_wait3A_713 = tpu.memref_squeeze %dma_wait3A_712 : memref<1x50xi32, #tpu.memory_space<vmem>> -> memref<50xi32, #tpu.memory_space<vmem>>
        %dma_wait3A_714 = arith.constant 0 : i32
        %dma_wait3A_715 = arith.constant 0 : i32
        %dma_wait3A_716 = tpu.memref_slice %arg2[%dma_wait3A_714, %dma_wait3A_715] : memref<100000x128xf32, #tpu.memory_space<hbm>> -> memref<100000x128xf32, #tpu.memory_space<hbm>>
        tpu.wait_indirect_dma semaphore(%arg13 : memref<!tpu.dma_semaphore, #tpu.memory_space<semaphore_mem>>) src(%dma_wait3A_716 : memref<100000x128xf32, #tpu.memory_space<hbm>>) dst(%dma_wait3A_706 : memref<50x128xf32, #tpu.memory_space<vmem>>)
        %dma_wait3A_717 = arith.constant 0 : i32
        %dma_wait3A_718 = arith.constant 0 : i32
        %dma_wait3A_719 = arith.constant 0 : i32
        %dma_wait3A_720 = arith.constant 0 : i32
        %dma_wait3A_721 = tpu.memref_slice %arg10[%dma_wait3A_718, %dma_wait3A_719, %dma_wait3A_720] : memref<4x50x128xf32, #tpu.memory_space<vmem>> -> memref<1x50x128xf32, #tpu.memory_space<vmem>>
        %dma_wait3A_722 = tpu.memref_squeeze %dma_wait3A_721 : memref<1x50x128xf32, #tpu.memory_space<vmem>> -> memref<50x128xf32, #tpu.memory_space<vmem>>
        %dma_wait3A_723 = arith.constant 0 : i32
        %dma_wait3A_724 = arith.constant 0 : i32
        %dma_wait3A_725 = tpu.memref_slice %run_scoped3A_294[%rem3A_560, %dma_wait3A_723, %dma_wait3A_724] : memref<2x4x50xi32, #tpu.memory_space<vmem>> -> memref<1x4x50xi32, #tpu.memory_space<vmem>>
        %dma_wait3A_726 = tpu.memref_squeeze %dma_wait3A_725 : memref<1x4x50xi32, #tpu.memory_space<vmem>> -> memref<4x50xi32, #tpu.memory_space<vmem>>
        %dma_wait3A_727 = arith.constant 0 : i32
        %dma_wait3A_728 = tpu.memref_slice %dma_wait3A_726[%dma_wait3A_717, %dma_wait3A_727] : memref<4x50xi32, #tpu.memory_space<vmem>> -> memref<1x50xi32, #tpu.memory_space<vmem>>
        %dma_wait3A_729 = tpu.memref_squeeze %dma_wait3A_728 : memref<1x50xi32, #tpu.memory_space<vmem>> -> memref<50xi32, #tpu.memory_space<vmem>>
        %dma_wait3A_730 = arith.constant 0 : i32
        %dma_wait3A_731 = arith.constant 0 : i32
        %dma_wait3A_732 = tpu.memref_slice %arg3[%dma_wait3A_730, %dma_wait3A_731] : memref<1000x128xf32, #tpu.memory_space<hbm>> -> memref<1000x128xf32, #tpu.memory_space<hbm>>
        tpu.wait_indirect_dma semaphore(%arg13 : memref<!tpu.dma_semaphore, #tpu.memory_space<semaphore_mem>>) src(%dma_wait3A_732 : memref<1000x128xf32, #tpu.memory_space<hbm>>) dst(%dma_wait3A_722 : memref<50x128xf32, #tpu.memory_space<vmem>>)
        %dma_wait3A_733 = arith.constant 1 : i32
        %dma_wait3A_734 = arith.constant 1 : i32
        %dma_wait3A_735 = arith.constant 0 : i32
        %dma_wait3A_736 = arith.constant 0 : i32
        %dma_wait3A_737 = tpu.memref_slice %arg9[%dma_wait3A_734, %dma_wait3A_735, %dma_wait3A_736] : memref<4x50x128xf32, #tpu.memory_space<vmem>> -> memref<1x50x128xf32, #tpu.memory_space<vmem>>
        %dma_wait3A_738 = tpu.memref_squeeze %dma_wait3A_737 : memref<1x50x128xf32, #tpu.memory_space<vmem>> -> memref<50x128xf32, #tpu.memory_space<vmem>>
        %dma_wait3A_739 = arith.constant 0 : i32
        %dma_wait3A_740 = arith.constant 0 : i32
        %dma_wait3A_741 = tpu.memref_slice %run_scoped3A[%rem3A_558, %dma_wait3A_739, %dma_wait3A_740] : memref<2x4x50xi32, #tpu.memory_space<vmem>> -> memref<1x4x50xi32, #tpu.memory_space<vmem>>
        %dma_wait3A_742 = tpu.memref_squeeze %dma_wait3A_741 : memref<1x4x50xi32, #tpu.memory_space<vmem>> -> memref<4x50xi32, #tpu.memory_space<vmem>>
        %dma_wait3A_743 = arith.constant 0 : i32
        %dma_wait3A_744 = tpu.memref_slice %dma_wait3A_742[%dma_wait3A_733, %dma_wait3A_743] : memref<4x50xi32, #tpu.memory_space<vmem>> -> memref<1x50xi32, #tpu.memory_space<vmem>>
        %dma_wait3A_745 = tpu.memref_squeeze %dma_wait3A_744 : memref<1x50xi32, #tpu.memory_space<vmem>> -> memref<50xi32, #tpu.memory_space<vmem>>
        %dma_wait3A_746 = arith.constant 0 : i32
        %dma_wait3A_747 = arith.constant 0 : i32
        %dma_wait3A_748 = tpu.memref_slice %arg2[%dma_wait3A_746, %dma_wait3A_747] : memref<100000x128xf32, #tpu.memory_space<hbm>> -> memref<100000x128xf32, #tpu.memory_space<hbm>>
        tpu.wait_indirect_dma semaphore(%arg13 : memref<!tpu.dma_semaphore, #tpu.memory_space<semaphore_mem>>) src(%dma_wait3A_748 : memref<100000x128xf32, #tpu.memory_space<hbm>>) dst(%dma_wait3A_738 : memref<50x128xf32, #tpu.memory_space<vmem>>)
        %dma_wait3A_749 = arith.constant 1 : i32
        %dma_wait3A_750 = arith.constant 1 : i32
        %dma_wait3A_751 = arith.constant 0 : i32
        %dma_wait3A_752 = arith.constant 0 : i32
        %dma_wait3A_753 = tpu.memref_slice %arg10[%dma_wait3A_750, %dma_wait3A_751, %dma_wait3A_752] : memref<4x50x128xf32, #tpu.memory_space<vmem>> -> memref<1x50x128xf32, #tpu.memory_space<vmem>>
        %dma_wait3A_754 = tpu.memref_squeeze %dma_wait3A_753 : memref<1x50x128xf32, #tpu.memory_space<vmem>> -> memref<50x128xf32, #tpu.memory_space<vmem>>
        %dma_wait3A_755 = arith.constant 0 : i32
        %dma_wait3A_756 = arith.constant 0 : i32
        %dma_wait3A_757 = tpu.memref_slice %run_scoped3A_294[%rem3A_560, %dma_wait3A_755, %dma_wait3A_756] : memref<2x4x50xi32, #tpu.memory_space<vmem>> -> memref<1x4x50xi32, #tpu.memory_space<vmem>>
        %dma_wait3A_758 = tpu.memref_squeeze %dma_wait3A_757 : memref<1x4x50xi32, #tpu.memory_space<vmem>> -> memref<4x50xi32, #tpu.memory_space<vmem>>
        %dma_wait3A_759 = arith.constant 0 : i32
        %dma_wait3A_760 = tpu.memref_slice %dma_wait3A_758[%dma_wait3A_749, %dma_wait3A_759] : memref<4x50xi32, #tpu.memory_space<vmem>> -> memref<1x50xi32, #tpu.memory_space<vmem>>
        %dma_wait3A_761 = tpu.memref_squeeze %dma_wait3A_760 : memref<1x50xi32, #tpu.memory_space<vmem>> -> memref<50xi32, #tpu.memory_space<vmem>>
        %dma_wait3A_762 = arith.constant 0 : i32
        %dma_wait3A_763 = arith.constant 0 : i32
        %dma_wait3A_764 = tpu.memref_slice %arg3[%dma_wait3A_762, %dma_wait3A_763] : memref<1000x128xf32, #tpu.memory_space<hbm>> -> memref<1000x128xf32, #tpu.memory_space<hbm>>
        tpu.wait_indirect_dma semaphore(%arg13 : memref<!tpu.dma_semaphore, #tpu.memory_space<semaphore_mem>>) src(%dma_wait3A_764 : memref<1000x128xf32, #tpu.memory_space<hbm>>) dst(%dma_wait3A_754 : memref<50x128xf32, #tpu.memory_space<vmem>>)
        %dma_wait3A_765 = arith.constant 2 : i32
        %dma_wait3A_766 = arith.constant 2 : i32
        %dma_wait3A_767 = arith.constant 0 : i32
        %dma_wait3A_768 = arith.constant 0 : i32
        %dma_wait3A_769 = tpu.memref_slice %arg9[%dma_wait3A_766, %dma_wait3A_767, %dma_wait3A_768] : memref<4x50x128xf32, #tpu.memory_space<vmem>> -> memref<1x50x128xf32, #tpu.memory_space<vmem>>
        %dma_wait3A_770 = tpu.memref_squeeze %dma_wait3A_769 : memref<1x50x128xf32, #tpu.memory_space<vmem>> -> memref<50x128xf32, #tpu.memory_space<vmem>>
        %dma_wait3A_771 = arith.constant 0 : i32
        %dma_wait3A_772 = arith.constant 0 : i32
        %dma_wait3A_773 = tpu.memref_slice %run_scoped3A[%rem3A_558, %dma_wait3A_771, %dma_wait3A_772] : memref<2x4x50xi32, #tpu.memory_space<vmem>> -> memref<1x4x50xi32, #tpu.memory_space<vmem>>
        %dma_wait3A_774 = tpu.memref_squeeze %dma_wait3A_773 : memref<1x4x50xi32, #tpu.memory_space<vmem>> -> memref<4x50xi32, #tpu.memory_space<vmem>>
        %dma_wait3A_775 = arith.constant 0 : i32
        %dma_wait3A_776 = tpu.memref_slice %dma_wait3A_774[%dma_wait3A_765, %dma_wait3A_775] : memref<4x50xi32, #tpu.memory_space<vmem>> -> memref<1x50xi32, #tpu.memory_space<vmem>>
        %dma_wait3A_777 = tpu.memref_squeeze %dma_wait3A_776 : memref<1x50xi32, #tpu.memory_space<vmem>> -> memref<50xi32, #tpu.memory_space<vmem>>
        %dma_wait3A_778 = arith.constant 0 : i32
        %dma_wait3A_779 = arith.constant 0 : i32
        %dma_wait3A_780 = tpu.memref_slice %arg2[%dma_wait3A_778, %dma_wait3A_779] : memref<100000x128xf32, #tpu.memory_space<hbm>> -> memref<100000x128xf32, #tpu.memory_space<hbm>>
        tpu.wait_indirect_dma semaphore(%arg13 : memref<!tpu.dma_semaphore, #tpu.memory_space<semaphore_mem>>) src(%dma_wait3A_780 : memref<100000x128xf32, #tpu.memory_space<hbm>>) dst(%dma_wait3A_770 : memref<50x128xf32, #tpu.memory_space<vmem>>)
        %dma_wait3A_781 = arith.constant 2 : i32
        %dma_wait3A_782 = arith.constant 2 : i32
        %dma_wait3A_783 = arith.constant 0 : i32
        %dma_wait3A_784 = arith.constant 0 : i32
        %dma_wait3A_785 = tpu.memref_slice %arg10[%dma_wait3A_782, %dma_wait3A_783, %dma_wait3A_784] : memref<4x50x128xf32, #tpu.memory_space<vmem>> -> memref<1x50x128xf32, #tpu.memory_space<vmem>>
        %dma_wait3A_786 = tpu.memref_squeeze %dma_wait3A_785 : memref<1x50x128xf32, #tpu.memory_space<vmem>> -> memref<50x128xf32, #tpu.memory_space<vmem>>
        %dma_wait3A_787 = arith.constant 0 : i32
        %dma_wait3A_788 = arith.constant 0 : i32
        %dma_wait3A_789 = tpu.memref_slice %run_scoped3A_294[%rem3A_560, %dma_wait3A_787, %dma_wait3A_788] : memref<2x4x50xi32, #tpu.memory_space<vmem>> -> memref<1x4x50xi32, #tpu.memory_space<vmem>>
        %dma_wait3A_790 = tpu.memref_squeeze %dma_wait3A_789 : memref<1x4x50xi32, #tpu.memory_space<vmem>> -> memref<4x50xi32, #tpu.memory_space<vmem>>
        %dma_wait3A_791 = arith.constant 0 : i32
        %dma_wait3A_792 = tpu.memref_slice %dma_wait3A_790[%dma_wait3A_781, %dma_wait3A_791] : memref<4x50xi32, #tpu.memory_space<vmem>> -> memref<1x50xi32, #tpu.memory_space<vmem>>
        %dma_wait3A_793 = tpu.memref_squeeze %dma_wait3A_792 : memref<1x50xi32, #tpu.memory_space<vmem>> -> memref<50xi32, #tpu.memory_space<vmem>>
        %dma_wait3A_794 = arith.constant 0 : i32
        %dma_wait3A_795 = arith.constant 0 : i32
        %dma_wait3A_796 = tpu.memref_slice %arg3[%dma_wait3A_794, %dma_wait3A_795] : memref<1000x128xf32, #tpu.memory_space<hbm>> -> memref<1000x128xf32, #tpu.memory_space<hbm>>
        tpu.wait_indirect_dma semaphore(%arg13 : memref<!tpu.dma_semaphore, #tpu.memory_space<semaphore_mem>>) src(%dma_wait3A_796 : memref<1000x128xf32, #tpu.memory_space<hbm>>) dst(%dma_wait3A_786 : memref<50x128xf32, #tpu.memory_space<vmem>>)
        %dma_wait3A_797 = arith.constant 3 : i32
        %dma_wait3A_798 = arith.constant 3 : i32
        %dma_wait3A_799 = arith.constant 0 : i32
        %dma_wait3A_800 = arith.constant 0 : i32
        %dma_wait3A_801 = tpu.memref_slice %arg9[%dma_wait3A_798, %dma_wait3A_799, %dma_wait3A_800] : memref<4x50x128xf32, #tpu.memory_space<vmem>> -> memref<1x50x128xf32, #tpu.memory_space<vmem>>
        %dma_wait3A_802 = tpu.memref_squeeze %dma_wait3A_801 : memref<1x50x128xf32, #tpu.memory_space<vmem>> -> memref<50x128xf32, #tpu.memory_space<vmem>>
        %dma_wait3A_803 = arith.constant 0 : i32
        %dma_wait3A_804 = arith.constant 0 : i32
        %dma_wait3A_805 = tpu.memref_slice %run_scoped3A[%rem3A_558, %dma_wait3A_803, %dma_wait3A_804] : memref<2x4x50xi32, #tpu.memory_space<vmem>> -> memref<1x4x50xi32, #tpu.memory_space<vmem>>
        %dma_wait3A_806 = tpu.memref_squeeze %dma_wait3A_805 : memref<1x4x50xi32, #tpu.memory_space<vmem>> -> memref<4x50xi32, #tpu.memory_space<vmem>>
        %dma_wait3A_807 = arith.constant 0 : i32
        %dma_wait3A_808 = tpu.memref_slice %dma_wait3A_806[%dma_wait3A_797, %dma_wait3A_807] : memref<4x50xi32, #tpu.memory_space<vmem>> -> memref<1x50xi32, #tpu.memory_space<vmem>>
        %dma_wait3A_809 = tpu.memref_squeeze %dma_wait3A_808 : memref<1x50xi32, #tpu.memory_space<vmem>> -> memref<50xi32, #tpu.memory_space<vmem>>
        %dma_wait3A_810 = arith.constant 0 : i32
        %dma_wait3A_811 = arith.constant 0 : i32
        %dma_wait3A_812 = tpu.memref_slice %arg2[%dma_wait3A_810, %dma_wait3A_811] : memref<100000x128xf32, #tpu.memory_space<hbm>> -> memref<100000x128xf32, #tpu.memory_space<hbm>>
        tpu.wait_indirect_dma semaphore(%arg13 : memref<!tpu.dma_semaphore, #tpu.memory_space<semaphore_mem>>) src(%dma_wait3A_812 : memref<100000x128xf32, #tpu.memory_space<hbm>>) dst(%dma_wait3A_802 : memref<50x128xf32, #tpu.memory_space<vmem>>)
        %dma_wait3A_813 = arith.constant 3 : i32
        %dma_wait3A_814 = arith.constant 3 : i32
        %dma_wait3A_815 = arith.constant 0 : i32
        %dma_wait3A_816 = arith.constant 0 : i32
        %dma_wait3A_817 = tpu.memref_slice %arg10[%dma_wait3A_814, %dma_wait3A_815, %dma_wait3A_816] : memref<4x50x128xf32, #tpu.memory_space<vmem>> -> memref<1x50x128xf32, #tpu.memory_space<vmem>>
        %dma_wait3A_818 = tpu.memref_squeeze %dma_wait3A_817 : memref<1x50x128xf32, #tpu.memory_space<vmem>> -> memref<50x128xf32, #tpu.memory_space<vmem>>
        %dma_wait3A_819 = arith.constant 0 : i32
        %dma_wait3A_820 = arith.constant 0 : i32
        %dma_wait3A_821 = tpu.memref_slice %run_scoped3A_294[%rem3A_560, %dma_wait3A_819, %dma_wait3A_820] : memref<2x4x50xi32, #tpu.memory_space<vmem>> -> memref<1x4x50xi32, #tpu.memory_space<vmem>>
        %dma_wait3A_822 = tpu.memref_squeeze %dma_wait3A_821 : memref<1x4x50xi32, #tpu.memory_space<vmem>> -> memref<4x50xi32, #tpu.memory_space<vmem>>
        %dma_wait3A_823 = arith.constant 0 : i32
        %dma_wait3A_824 = tpu.memref_slice %dma_wait3A_822[%dma_wait3A_813, %dma_wait3A_823] : memref<4x50xi32, #tpu.memory_space<vmem>> -> memref<1x50xi32, #tpu.memory_space<vmem>>
        %dma_wait3A_825 = tpu.memref_squeeze %dma_wait3A_824 : memref<1x50xi32, #tpu.memory_space<vmem>> -> memref<50xi32, #tpu.memory_space<vmem>>
        %dma_wait3A_826 = arith.constant 0 : i32
        %dma_wait3A_827 = arith.constant 0 : i32
        %dma_wait3A_828 = tpu.memref_slice %arg3[%dma_wait3A_826, %dma_wait3A_827] : memref<1000x128xf32, #tpu.memory_space<hbm>> -> memref<1000x128xf32, #tpu.memory_space<hbm>>
        tpu.wait_indirect_dma semaphore(%arg13 : memref<!tpu.dma_semaphore, #tpu.memory_space<semaphore_mem>>) src(%dma_wait3A_828 : memref<1000x128xf32, #tpu.memory_space<hbm>>) dst(%dma_wait3A_818 : memref<50x128xf32, #tpu.memory_space<vmem>>)
        %dma_wait3A_829 = arith.constant 0 : i32
        %dma_wait3A_830 = arith.constant 0 : i32
        %dma_wait3A_831 = arith.constant 0 : i32
        %dma_wait3A_832 = arith.constant 0 : i32
        %dma_wait3A_833 = tpu.memref_slice %arg11[%dma_wait3A_829, %dma_wait3A_831, %dma_wait3A_832] : memref<4x50x100xf32, #tpu.memory_space<vmem>> -> memref<1x50x100xf32, #tpu.memory_space<vmem>>
        %dma_wait3A_834 = tpu.memref_squeeze %dma_wait3A_833 : memref<1x50x100xf32, #tpu.memory_space<vmem>> -> memref<50x100xf32, #tpu.memory_space<vmem>>
        %dma_wait3A_835 = arith.constant 0 : i32
        %dma_wait3A_836 = arith.constant 0 : i32
        %dma_wait3A_837 = tpu.memref_slice %arg7[%dma_wait3A_830, %dma_wait3A_835, %dma_wait3A_836] : memref<4096x50x100xf32, #tpu.memory_space<hbm>> -> memref<1x50x100xf32, #tpu.memory_space<hbm>>
        %dma_wait3A_838 = tpu.memref_squeeze %dma_wait3A_837 : memref<1x50x100xf32, #tpu.memory_space<hbm>> -> memref<50x100xf32, #tpu.memory_space<hbm>>
        %dma_wait3A_839 = arith.constant 0 : i32
        %dma_wait3A_840 = arith.constant 0 : i32
        %dma_wait3A_841 = tpu.memref_slice %arg7[%dma_wait3A_830, %dma_wait3A_839, %dma_wait3A_840] : memref<4096x50x100xf32, #tpu.memory_space<hbm>> -> memref<1x50x100xf32, #tpu.memory_space<hbm>>
        %dma_wait3A_842 = tpu.memref_squeeze %dma_wait3A_841 : memref<1x50x100xf32, #tpu.memory_space<hbm>> -> memref<50x100xf32, #tpu.memory_space<hbm>>
        %dma_wait3A_843 = arith.constant 0 : i32
        %dma_wait3A_844 = arith.constant 0 : i32
        %dma_wait3A_845 = tpu.memref_slice %arg11[%dma_wait3A_829, %dma_wait3A_843, %dma_wait3A_844] : memref<4x50x100xf32, #tpu.memory_space<vmem>> -> memref<1x50x100xf32, #tpu.memory_space<vmem>>
        %dma_wait3A_846 = tpu.memref_squeeze %dma_wait3A_845 : memref<1x50x100xf32, #tpu.memory_space<vmem>> -> memref<50x100xf32, #tpu.memory_space<vmem>>
        tpu.wait_dma2 semaphore(%arg14 : memref<!tpu.dma_semaphore, #tpu.memory_space<semaphore_mem>>) src(%dma_wait3A_846 : memref<50x100xf32, #tpu.memory_space<vmem>>) dst(%dma_wait3A_842 : memref<50x100xf32, #tpu.memory_space<hbm>>)
        %dma_wait3A_847 = arith.constant 0 : i32
        %dma_wait3A_848 = arith.constant 0 : i32
        %dma_wait3A_849 = arith.constant 0 : i32
        %dma_wait3A_850 = arith.constant 0 : i32
        %dma_wait3A_851 = tpu.memref_slice %arg12[%dma_wait3A_847, %dma_wait3A_849, %dma_wait3A_850] : memref<4x50x100xf32, #tpu.memory_space<vmem>> -> memref<1x50x100xf32, #tpu.memory_space<vmem>>
        %dma_wait3A_852 = tpu.memref_squeeze %dma_wait3A_851 : memref<1x50x100xf32, #tpu.memory_space<vmem>> -> memref<50x100xf32, #tpu.memory_space<vmem>>
        %dma_wait3A_853 = arith.constant 0 : i32
        %dma_wait3A_854 = arith.constant 0 : i32
        %dma_wait3A_855 = tpu.memref_slice %arg8[%dma_wait3A_848, %dma_wait3A_853, %dma_wait3A_854] : memref<4096x50x100xf32, #tpu.memory_space<hbm>> -> memref<1x50x100xf32, #tpu.memory_space<hbm>>
        %dma_wait3A_856 = tpu.memref_squeeze %dma_wait3A_855 : memref<1x50x100xf32, #tpu.memory_space<hbm>> -> memref<50x100xf32, #tpu.memory_space<hbm>>
        %dma_wait3A_857 = arith.constant 0 : i32
        %dma_wait3A_858 = arith.constant 0 : i32
        %dma_wait3A_859 = tpu.memref_slice %arg8[%dma_wait3A_848, %dma_wait3A_857, %dma_wait3A_858] : memref<4096x50x100xf32, #tpu.memory_space<hbm>> -> memref<1x50x100xf32, #tpu.memory_space<hbm>>
        %dma_wait3A_860 = tpu.memref_squeeze %dma_wait3A_859 : memref<1x50x100xf32, #tpu.memory_space<hbm>> -> memref<50x100xf32, #tpu.memory_space<hbm>>
        %dma_wait3A_861 = arith.constant 0 : i32
        %dma_wait3A_862 = arith.constant 0 : i32
        %dma_wait3A_863 = tpu.memref_slice %arg12[%dma_wait3A_847, %dma_wait3A_861, %dma_wait3A_862] : memref<4x50x100xf32, #tpu.memory_space<vmem>> -> memref<1x50x100xf32, #tpu.memory_space<vmem>>
        %dma_wait3A_864 = tpu.memref_squeeze %dma_wait3A_863 : memref<1x50x100xf32, #tpu.memory_space<vmem>> -> memref<50x100xf32, #tpu.memory_space<vmem>>
        tpu.wait_dma2 semaphore(%arg14 : memref<!tpu.dma_semaphore, #tpu.memory_space<semaphore_mem>>) src(%dma_wait3A_864 : memref<50x100xf32, #tpu.memory_space<vmem>>) dst(%dma_wait3A_860 : memref<50x100xf32, #tpu.memory_space<hbm>>)
        %dma_wait3A_865 = arith.constant 1 : i32
        %dma_wait3A_866 = arith.constant 1 : i32
        %dma_wait3A_867 = arith.constant 0 : i32
        %dma_wait3A_868 = arith.constant 0 : i32
        %dma_wait3A_869 = tpu.memref_slice %arg11[%dma_wait3A_865, %dma_wait3A_867, %dma_wait3A_868] : memref<4x50x100xf32, #tpu.memory_space<vmem>> -> memref<1x50x100xf32, #tpu.memory_space<vmem>>
        %dma_wait3A_870 = tpu.memref_squeeze %dma_wait3A_869 : memref<1x50x100xf32, #tpu.memory_space<vmem>> -> memref<50x100xf32, #tpu.memory_space<vmem>>
        %dma_wait3A_871 = arith.constant 0 : i32
        %dma_wait3A_872 = arith.constant 0 : i32
        %dma_wait3A_873 = tpu.memref_slice %arg7[%dma_wait3A_866, %dma_wait3A_871, %dma_wait3A_872] : memref<4096x50x100xf32, #tpu.memory_space<hbm>> -> memref<1x50x100xf32, #tpu.memory_space<hbm>>
        %dma_wait3A_874 = tpu.memref_squeeze %dma_wait3A_873 : memref<1x50x100xf32, #tpu.memory_space<hbm>> -> memref<50x100xf32, #tpu.memory_space<hbm>>
        %dma_wait3A_875 = arith.constant 0 : i32
        %dma_wait3A_876 = arith.constant 0 : i32
        %dma_wait3A_877 = tpu.memref_slice %arg7[%dma_wait3A_866, %dma_wait3A_875, %dma_wait3A_876] : memref<4096x50x100xf32, #tpu.memory_space<hbm>> -> memref<1x50x100xf32, #tpu.memory_space<hbm>>
        %dma_wait3A_878 = tpu.memref_squeeze %dma_wait3A_877 : memref<1x50x100xf32, #tpu.memory_space<hbm>> -> memref<50x100xf32, #tpu.memory_space<hbm>>
        %dma_wait3A_879 = arith.constant 0 : i32
        %dma_wait3A_880 = arith.constant 0 : i32
        %dma_wait3A_881 = tpu.memref_slice %arg11[%dma_wait3A_865, %dma_wait3A_879, %dma_wait3A_880] : memref<4x50x100xf32, #tpu.memory_space<vmem>> -> memref<1x50x100xf32, #tpu.memory_space<vmem>>
        %dma_wait3A_882 = tpu.memref_squeeze %dma_wait3A_881 : memref<1x50x100xf32, #tpu.memory_space<vmem>> -> memref<50x100xf32, #tpu.memory_space<vmem>>
        tpu.wait_dma2 semaphore(%arg14 : memref<!tpu.dma_semaphore, #tpu.memory_space<semaphore_mem>>) src(%dma_wait3A_882 : memref<50x100xf32, #tpu.memory_space<vmem>>) dst(%dma_wait3A_878 : memref<50x100xf32, #tpu.memory_space<hbm>>)
        %dma_wait3A_883 = arith.constant 1 : i32
        %dma_wait3A_884 = arith.constant 1 : i32
        %dma_wait3A_885 = arith.constant 0 : i32
        %dma_wait3A_886 = arith.constant 0 : i32
        %dma_wait3A_887 = tpu.memref_slice %arg12[%dma_wait3A_883, %dma_wait3A_885, %dma_wait3A_886] : memref<4x50x100xf32, #tpu.memory_space<vmem>> -> memref<1x50x100xf32, #tpu.memory_space<vmem>>
        %dma_wait3A_888 = tpu.memref_squeeze %dma_wait3A_887 : memref<1x50x100xf32, #tpu.memory_space<vmem>> -> memref<50x100xf32, #tpu.memory_space<vmem>>
        %dma_wait3A_889 = arith.constant 0 : i32
        %dma_wait3A_890 = arith.constant 0 : i32
        %dma_wait3A_891 = tpu.memref_slice %arg8[%dma_wait3A_884, %dma_wait3A_889, %dma_wait3A_890] : memref<4096x50x100xf32, #tpu.memory_space<hbm>> -> memref<1x50x100xf32, #tpu.memory_space<hbm>>
        %dma_wait3A_892 = tpu.memref_squeeze %dma_wait3A_891 : memref<1x50x100xf32, #tpu.memory_space<hbm>> -> memref<50x100xf32, #tpu.memory_space<hbm>>
        %dma_wait3A_893 = arith.constant 0 : i32
        %dma_wait3A_894 = arith.constant 0 : i32
        %dma_wait3A_895 = tpu.memref_slice %arg8[%dma_wait3A_884, %dma_wait3A_893, %dma_wait3A_894] : memref<4096x50x100xf32, #tpu.memory_space<hbm>> -> memref<1x50x100xf32, #tpu.memory_space<hbm>>
        %dma_wait3A_896 = tpu.memref_squeeze %dma_wait3A_895 : memref<1x50x100xf32, #tpu.memory_space<hbm>> -> memref<50x100xf32, #tpu.memory_space<hbm>>
        %dma_wait3A_897 = arith.constant 0 : i32
        %dma_wait3A_898 = arith.constant 0 : i32
        %dma_wait3A_899 = tpu.memref_slice %arg12[%dma_wait3A_883, %dma_wait3A_897, %dma_wait3A_898] : memref<4x50x100xf32, #tpu.memory_space<vmem>> -> memref<1x50x100xf32, #tpu.memory_space<vmem>>
        %dma_wait3A_900 = tpu.memref_squeeze %dma_wait3A_899 : memref<1x50x100xf32, #tpu.memory_space<vmem>> -> memref<50x100xf32, #tpu.memory_space<vmem>>
        tpu.wait_dma2 semaphore(%arg14 : memref<!tpu.dma_semaphore, #tpu.memory_space<semaphore_mem>>) src(%dma_wait3A_900 : memref<50x100xf32, #tpu.memory_space<vmem>>) dst(%dma_wait3A_896 : memref<50x100xf32, #tpu.memory_space<hbm>>)
        %dma_wait3A_901 = arith.constant 2 : i32
        %dma_wait3A_902 = arith.constant 2 : i32
        %dma_wait3A_903 = arith.constant 0 : i32
        %dma_wait3A_904 = arith.constant 0 : i32
        %dma_wait3A_905 = tpu.memref_slice %arg11[%dma_wait3A_901, %dma_wait3A_903, %dma_wait3A_904] : memref<4x50x100xf32, #tpu.memory_space<vmem>> -> memref<1x50x100xf32, #tpu.memory_space<vmem>>
        %dma_wait3A_906 = tpu.memref_squeeze %dma_wait3A_905 : memref<1x50x100xf32, #tpu.memory_space<vmem>> -> memref<50x100xf32, #tpu.memory_space<vmem>>
        %dma_wait3A_907 = arith.constant 0 : i32
        %dma_wait3A_908 = arith.constant 0 : i32
        %dma_wait3A_909 = tpu.memref_slice %arg7[%dma_wait3A_902, %dma_wait3A_907, %dma_wait3A_908] : memref<4096x50x100xf32, #tpu.memory_space<hbm>> -> memref<1x50x100xf32, #tpu.memory_space<hbm>>
        %dma_wait3A_910 = tpu.memref_squeeze %dma_wait3A_909 : memref<1x50x100xf32, #tpu.memory_space<hbm>> -> memref<50x100xf32, #tpu.memory_space<hbm>>
        %dma_wait3A_911 = arith.constant 0 : i32
        %dma_wait3A_912 = arith.constant 0 : i32
        %dma_wait3A_913 = tpu.memref_slice %arg7[%dma_wait3A_902, %dma_wait3A_911, %dma_wait3A_912] : memref<4096x50x100xf32, #tpu.memory_space<hbm>> -> memref<1x50x100xf32, #tpu.memory_space<hbm>>
        %dma_wait3A_914 = tpu.memref_squeeze %dma_wait3A_913 : memref<1x50x100xf32, #tpu.memory_space<hbm>> -> memref<50x100xf32, #tpu.memory_space<hbm>>
        %dma_wait3A_915 = arith.constant 0 : i32
        %dma_wait3A_916 = arith.constant 0 : i32
        %dma_wait3A_917 = tpu.memref_slice %arg11[%dma_wait3A_901, %dma_wait3A_915, %dma_wait3A_916] : memref<4x50x100xf32, #tpu.memory_space<vmem>> -> memref<1x50x100xf32, #tpu.memory_space<vmem>>
        %dma_wait3A_918 = tpu.memref_squeeze %dma_wait3A_917 : memref<1x50x100xf32, #tpu.memory_space<vmem>> -> memref<50x100xf32, #tpu.memory_space<vmem>>
        tpu.wait_dma2 semaphore(%arg14 : memref<!tpu.dma_semaphore, #tpu.memory_space<semaphore_mem>>) src(%dma_wait3A_918 : memref<50x100xf32, #tpu.memory_space<vmem>>) dst(%dma_wait3A_914 : memref<50x100xf32, #tpu.memory_space<hbm>>)
        %dma_wait3A_919 = arith.constant 2 : i32
        %dma_wait3A_920 = arith.constant 2 : i32
        %dma_wait3A_921 = arith.constant 0 : i32
        %dma_wait3A_922 = arith.constant 0 : i32
        %dma_wait3A_923 = tpu.memref_slice %arg12[%dma_wait3A_919, %dma_wait3A_921, %dma_wait3A_922] : memref<4x50x100xf32, #tpu.memory_space<vmem>> -> memref<1x50x100xf32, #tpu.memory_space<vmem>>
        %dma_wait3A_924 = tpu.memref_squeeze %dma_wait3A_923 : memref<1x50x100xf32, #tpu.memory_space<vmem>> -> memref<50x100xf32, #tpu.memory_space<vmem>>
        %dma_wait3A_925 = arith.constant 0 : i32
        %dma_wait3A_926 = arith.constant 0 : i32
        %dma_wait3A_927 = tpu.memref_slice %arg8[%dma_wait3A_920, %dma_wait3A_925, %dma_wait3A_926] : memref<4096x50x100xf32, #tpu.memory_space<hbm>> -> memref<1x50x100xf32, #tpu.memory_space<hbm>>
        %dma_wait3A_928 = tpu.memref_squeeze %dma_wait3A_927 : memref<1x50x100xf32, #tpu.memory_space<hbm>> -> memref<50x100xf32, #tpu.memory_space<hbm>>
        %dma_wait3A_929 = arith.constant 0 : i32
        %dma_wait3A_930 = arith.constant 0 : i32
        %dma_wait3A_931 = tpu.memref_slice %arg8[%dma_wait3A_920, %dma_wait3A_929, %dma_wait3A_930] : memref<4096x50x100xf32, #tpu.memory_space<hbm>> -> memref<1x50x100xf32, #tpu.memory_space<hbm>>
        %dma_wait3A_932 = tpu.memref_squeeze %dma_wait3A_931 : memref<1x50x100xf32, #tpu.memory_space<hbm>> -> memref<50x100xf32, #tpu.memory_space<hbm>>
        %dma_wait3A_933 = arith.constant 0 : i32
        %dma_wait3A_934 = arith.constant 0 : i32
        %dma_wait3A_935 = tpu.memref_slice %arg12[%dma_wait3A_919, %dma_wait3A_933, %dma_wait3A_934] : memref<4x50x100xf32, #tpu.memory_space<vmem>> -> memref<1x50x100xf32, #tpu.memory_space<vmem>>
        %dma_wait3A_936 = tpu.memref_squeeze %dma_wait3A_935 : memref<1x50x100xf32, #tpu.memory_space<vmem>> -> memref<50x100xf32, #tpu.memory_space<vmem>>
        tpu.wait_dma2 semaphore(%arg14 : memref<!tpu.dma_semaphore, #tpu.memory_space<semaphore_mem>>) src(%dma_wait3A_936 : memref<50x100xf32, #tpu.memory_space<vmem>>) dst(%dma_wait3A_932 : memref<50x100xf32, #tpu.memory_space<hbm>>)
        %dma_wait3A_937 = arith.constant 3 : i32
        %dma_wait3A_938 = arith.constant 3 : i32
        %dma_wait3A_939 = arith.constant 0 : i32
        %dma_wait3A_940 = arith.constant 0 : i32
        %dma_wait3A_941 = tpu.memref_slice %arg11[%dma_wait3A_937, %dma_wait3A_939, %dma_wait3A_940] : memref<4x50x100xf32, #tpu.memory_space<vmem>> -> memref<1x50x100xf32, #tpu.memory_space<vmem>>
        %dma_wait3A_942 = tpu.memref_squeeze %dma_wait3A_941 : memref<1x50x100xf32, #tpu.memory_space<vmem>> -> memref<50x100xf32, #tpu.memory_space<vmem>>
        %dma_wait3A_943 = arith.constant 0 : i32
        %dma_wait3A_944 = arith.constant 0 : i32
        %dma_wait3A_945 = tpu.memref_slice %arg7[%dma_wait3A_938, %dma_wait3A_943, %dma_wait3A_944] : memref<4096x50x100xf32, #tpu.memory_space<hbm>> -> memref<1x50x100xf32, #tpu.memory_space<hbm>>
        %dma_wait3A_946 = tpu.memref_squeeze %dma_wait3A_945 : memref<1x50x100xf32, #tpu.memory_space<hbm>> -> memref<50x100xf32, #tpu.memory_space<hbm>>
        %dma_wait3A_947 = arith.constant 0 : i32
        %dma_wait3A_948 = arith.constant 0 : i32
        %dma_wait3A_949 = tpu.memref_slice %arg7[%dma_wait3A_938, %dma_wait3A_947, %dma_wait3A_948] : memref<4096x50x100xf32, #tpu.memory_space<hbm>> -> memref<1x50x100xf32, #tpu.memory_space<hbm>>
        %dma_wait3A_950 = tpu.memref_squeeze %dma_wait3A_949 : memref<1x50x100xf32, #tpu.memory_space<hbm>> -> memref<50x100xf32, #tpu.memory_space<hbm>>
        %dma_wait3A_951 = arith.constant 0 : i32
        %dma_wait3A_952 = arith.constant 0 : i32
        %dma_wait3A_953 = tpu.memref_slice %arg11[%dma_wait3A_937, %dma_wait3A_951, %dma_wait3A_952] : memref<4x50x100xf32, #tpu.memory_space<vmem>> -> memref<1x50x100xf32, #tpu.memory_space<vmem>>
        %dma_wait3A_954 = tpu.memref_squeeze %dma_wait3A_953 : memref<1x50x100xf32, #tpu.memory_space<vmem>> -> memref<50x100xf32, #tpu.memory_space<vmem>>
        tpu.wait_dma2 semaphore(%arg14 : memref<!tpu.dma_semaphore, #tpu.memory_space<semaphore_mem>>) src(%dma_wait3A_954 : memref<50x100xf32, #tpu.memory_space<vmem>>) dst(%dma_wait3A_950 : memref<50x100xf32, #tpu.memory_space<hbm>>)
        %dma_wait3A_955 = arith.constant 3 : i32
        %dma_wait3A_956 = arith.constant 3 : i32
        %dma_wait3A_957 = arith.constant 0 : i32
        %dma_wait3A_958 = arith.constant 0 : i32
        %dma_wait3A_959 = tpu.memref_slice %arg12[%dma_wait3A_955, %dma_wait3A_957, %dma_wait3A_958] : memref<4x50x100xf32, #tpu.memory_space<vmem>> -> memref<1x50x100xf32, #tpu.memory_space<vmem>>
        %dma_wait3A_960 = tpu.memref_squeeze %dma_wait3A_959 : memref<1x50x100xf32, #tpu.memory_space<vmem>> -> memref<50x100xf32, #tpu.memory_space<vmem>>
        %dma_wait3A_961 = arith.constant 0 : i32
        %dma_wait3A_962 = arith.constant 0 : i32
        %dma_wait3A_963 = tpu.memref_slice %arg8[%dma_wait3A_956, %dma_wait3A_961, %dma_wait3A_962] : memref<4096x50x100xf32, #tpu.memory_space<hbm>> -> memref<1x50x100xf32, #tpu.memory_space<hbm>>
        %dma_wait3A_964 = tpu.memref_squeeze %dma_wait3A_963 : memref<1x50x100xf32, #tpu.memory_space<hbm>> -> memref<50x100xf32, #tpu.memory_space<hbm>>
        %dma_wait3A_965 = arith.constant 0 : i32
        %dma_wait3A_966 = arith.constant 0 : i32
        %dma_wait3A_967 = tpu.memref_slice %arg8[%dma_wait3A_956, %dma_wait3A_965, %dma_wait3A_966] : memref<4096x50x100xf32, #tpu.memory_space<hbm>> -> memref<1x50x100xf32, #tpu.memory_space<hbm>>
        %dma_wait3A_968 = tpu.memref_squeeze %dma_wait3A_967 : memref<1x50x100xf32, #tpu.memory_space<hbm>> -> memref<50x100xf32, #tpu.memory_space<hbm>>
        %dma_wait3A_969 = arith.constant 0 : i32
        %dma_wait3A_970 = arith.constant 0 : i32
        %dma_wait3A_971 = tpu.memref_slice %arg12[%dma_wait3A_955, %dma_wait3A_969, %dma_wait3A_970] : memref<4x50x100xf32, #tpu.memory_space<vmem>> -> memref<1x50x100xf32, #tpu.memory_space<vmem>>
        %dma_wait3A_972 = tpu.memref_squeeze %dma_wait3A_971 : memref<1x50x100xf32, #tpu.memory_space<vmem>> -> memref<50x100xf32, #tpu.memory_space<vmem>>
        tpu.wait_dma2 semaphore(%arg14 : memref<!tpu.dma_semaphore, #tpu.memory_space<semaphore_mem>>) src(%dma_wait3A_972 : memref<50x100xf32, #tpu.memory_space<vmem>>) dst(%dma_wait3A_968 : memref<50x100xf32, #tpu.memory_space<hbm>>)
        %scan3A_973 = arith.constant 0 : i32
        %scan3A_974 = arith.constant 50 : i32
        %scan3A_975 = arith.addi %scan3A_973, %scan3A_974 : i32
        %scan3A_976 = arith.constant 1 : i32
        scf.for %scan3A_1237 = %scan3A_973 to %scan3A_975 step %scan3A_976  : i32 {
          %mul3A_1238 = arith.constant 1 : i32
          %mul3A_1239 = arith.muli %scan3A_1237, %mul3A_1238 : i32
          %add3A_1240 = arith.constant 0 : i32
          %add3A_1241 = arith.addi %add3A_1240, %mul3A_1239 : i32
          %get3A_1242 = arith.constant 0 : i32
          %get3A_1243 = arith.index_cast %get3A_1242 : i32 to index
          %get3A_1244 = arith.index_cast %add3A_1241 : i32 to index
          %get3A_1245 = arith.constant 0 : index
          %get3A_1246 = tpu.vector_load %arg9[%get3A_1243, %get3A_1244, %get3A_1245] {strides = array<i32>} : memref<4x50x128xf32, #tpu.memory_space<vmem>>, vector<1x1x16xf32>,
          %get3A_1247 = vector.shape_cast %get3A_1246 : vector<1x1x16xf32> to vector<16xf32>
          %swap3A = arith.constant 0 : i32
          %swap3A_1248 = arith.index_cast %swap3A : i32 to index
          %swap3A_1249 = arith.index_cast %add3A_1241 : i32 to index
          %swap3A_1250 = arith.constant 0 : index
          %swap3A_1251 = tpu.vector_load %arg11[%swap3A_1248, %swap3A_1249, %swap3A_1250] {strides = array<i32>} : memref<4x50x100xf32, #tpu.memory_space<vmem>>, vector<1x1x16xf32>,
          %swap3A_1252 = vector.shape_cast %swap3A_1251 : vector<1x1x16xf32> to vector<16xf32>
          %swap3A_1253 = vector.shape_cast %get3A_1247 : vector<16xf32> to vector<1x1x16xf32>
          tpu.vector_store %arg11[%swap3A_1248, %swap3A_1249, %swap3A_1250], %swap3A_1253 {strides = array<i32>} : memref<4x50x100xf32, #tpu.memory_space<vmem>>, vector<1x1x16xf32>,
          %get3A_1254 = arith.constant 0 : i32
          %get3A_1255 = arith.index_cast %get3A_1254 : i32 to index
          %get3A_1256 = arith.index_cast %add3A_1241 : i32 to index
          %get3A_1257 = arith.constant 0 : index
          %get3A_1258 = tpu.vector_load %arg10[%get3A_1255, %get3A_1256, %get3A_1257] {strides = array<i32>} : memref<4x50x128xf32, #tpu.memory_space<vmem>>, vector<1x1x16xf32>,
          %get3A_1259 = vector.shape_cast %get3A_1258 : vector<1x1x16xf32> to vector<16xf32>
          %swap3A_1260 = arith.constant 0 : i32
          %swap3A_1261 = arith.index_cast %swap3A_1260 : i32 to index
          %swap3A_1262 = arith.index_cast %add3A_1241 : i32 to index
          %swap3A_1263 = arith.constant 0 : index
          %swap3A_1264 = tpu.vector_load %arg12[%swap3A_1261, %swap3A_1262, %swap3A_1263] {strides = array<i32>} : memref<4x50x100xf32, #tpu.memory_space<vmem>>, vector<1x1x16xf32>,
          %swap3A_1265 = vector.shape_cast %swap3A_1264 : vector<1x1x16xf32> to vector<16xf32>
          %swap3A_1266 = vector.shape_cast %get3A_1259 : vector<16xf32> to vector<1x1x16xf32>
          tpu.vector_store %arg12[%swap3A_1261, %swap3A_1262, %swap3A_1263], %swap3A_1266 {strides = array<i32>} : memref<4x50x100xf32, #tpu.memory_space<vmem>>, vector<1x1x16xf32>,
          %get3A_1267 = arith.constant 0 : i32
          %get3A_1268 = arith.index_cast %get3A_1267 : i32 to index
          %get3A_1269 = arith.index_cast %add3A_1241 : i32 to index
          %get3A_1270 = arith.constant 16 : index
          %get3A_1271 = tpu.vector_load %arg9[%get3A_1268, %get3A_1269, %get3A_1270] {strides = array<i32>} : memref<4x50x128xf32, #tpu.memory_space<vmem>>, vector<1x1x16xf32>,
          %get3A_1272 = vector.shape_cast %get3A_1271 : vector<1x1x16xf32> to vector<16xf32>
          %swap3A_1273 = arith.constant 0 : i32
          %swap3A_1274 = arith.index_cast %swap3A_1273 : i32 to index
          %swap3A_1275 = arith.index_cast %add3A_1241 : i32 to index
          %swap3A_1276 = arith.constant 16 : index
          %swap3A_1277 = tpu.vector_load %arg11[%swap3A_1274, %swap3A_1275, %swap3A_1276] {strides = array<i32>} : memref<4x50x100xf32, #tpu.memory_space<vmem>>, vector<1x1x16xf32>,
          %swap3A_1278 = vector.shape_cast %swap3A_1277 : vector<1x1x16xf32> to vector<16xf32>
          %swap3A_1279 = vector.shape_cast %get3A_1272 : vector<16xf32> to vector<1x1x16xf32>
          tpu.vector_store %arg11[%swap3A_1274, %swap3A_1275, %swap3A_1276], %swap3A_1279 {strides = array<i32>} : memref<4x50x100xf32, #tpu.memory_space<vmem>>, vector<1x1x16xf32>,
          %get3A_1280 = arith.constant 0 : i32
          %get3A_1281 = arith.index_cast %get3A_1280 : i32 to index
          %get3A_1282 = arith.index_cast %add3A_1241 : i32 to index
          %get3A_1283 = arith.constant 16 : index
          %get3A_1284 = tpu.vector_load %arg10[%get3A_1281, %get3A_1282, %get3A_1283] {strides = array<i32>} : memref<4x50x128xf32, #tpu.memory_space<vmem>>, vector<1x1x16xf32>,
          %get3A_1285 = vector.shape_cast %get3A_1284 : vector<1x1x16xf32> to vector<16xf32>
          %swap3A_1286 = arith.constant 0 : i32
          %swap3A_1287 = arith.index_cast %swap3A_1286 : i32 to index
          %swap3A_1288 = arith.index_cast %add3A_1241 : i32 to index
          %swap3A_1289 = arith.constant 16 : index
          %swap3A_1290 = tpu.vector_load %arg12[%swap3A_1287, %swap3A_1288, %swap3A_1289] {strides = array<i32>} : memref<4x50x100xf32, #tpu.memory_space<vmem>>, vector<1x1x16xf32>,
          %swap3A_1291 = vector.shape_cast %swap3A_1290 : vector<1x1x16xf32> to vector<16xf32>
          %swap3A_1292 = vector.shape_cast %get3A_1285 : vector<16xf32> to vector<1x1x16xf32>
          tpu.vector_store %arg12[%swap3A_1287, %swap3A_1288, %swap3A_1289], %swap3A_1292 {strides = array<i32>} : memref<4x50x100xf32, #tpu.memory_space<vmem>>, vector<1x1x16xf32>,
          %get3A_1293 = arith.constant 0 : i32
          %get3A_1294 = arith.index_cast %get3A_1293 : i32 to index
          %get3A_1295 = arith.index_cast %add3A_1241 : i32 to index
          %get3A_1296 = arith.constant 32 : index
          %get3A_1297 = tpu.vector_load %arg9[%get3A_1294, %get3A_1295, %get3A_1296] {strides = array<i32>} : memref<4x50x128xf32, #tpu.memory_space<vmem>>, vector<1x1x16xf32>,
          %get3A_1298 = vector.shape_cast %get3A_1297 : vector<1x1x16xf32> to vector<16xf32>
          %swap3A_1299 = arith.constant 0 : i32
          %swap3A_1300 = arith.index_cast %swap3A_1299 : i32 to index
          %swap3A_1301 = arith.index_cast %add3A_1241 : i32 to index
          %swap3A_1302 = arith.constant 32 : index
          %swap3A_1303 = tpu.vector_load %arg11[%swap3A_1300, %swap3A_1301, %swap3A_1302] {strides = array<i32>} : memref<4x50x100xf32, #tpu.memory_space<vmem>>, vector<1x1x16xf32>,
          %swap3A_1304 = vector.shape_cast %swap3A_1303 : vector<1x1x16xf32> to vector<16xf32>
          %swap3A_1305 = vector.shape_cast %get3A_1298 : vector<16xf32> to vector<1x1x16xf32>
          tpu.vector_store %arg11[%swap3A_1300, %swap3A_1301, %swap3A_1302], %swap3A_1305 {strides = array<i32>} : memref<4x50x100xf32, #tpu.memory_space<vmem>>, vector<1x1x16xf32>,
          %get3A_1306 = arith.constant 0 : i32
          %get3A_1307 = arith.index_cast %get3A_1306 : i32 to index
          %get3A_1308 = arith.index_cast %add3A_1241 : i32 to index
          %get3A_1309 = arith.constant 32 : index
          %get3A_1310 = tpu.vector_load %arg10[%get3A_1307, %get3A_1308, %get3A_1309] {strides = array<i32>} : memref<4x50x128xf32, #tpu.memory_space<vmem>>, vector<1x1x16xf32>,
          %get3A_1311 = vector.shape_cast %get3A_1310 : vector<1x1x16xf32> to vector<16xf32>
          %swap3A_1312 = arith.constant 0 : i32
          %swap3A_1313 = arith.index_cast %swap3A_1312 : i32 to index
          %swap3A_1314 = arith.index_cast %add3A_1241 : i32 to index
          %swap3A_1315 = arith.constant 32 : index
          %swap3A_1316 = tpu.vector_load %arg12[%swap3A_1313, %swap3A_1314, %swap3A_1315] {strides = array<i32>} : memref<4x50x100xf32, #tpu.memory_space<vmem>>, vector<1x1x16xf32>,
          %swap3A_1317 = vector.shape_cast %swap3A_1316 : vector<1x1x16xf32> to vector<16xf32>
          %swap3A_1318 = vector.shape_cast %get3A_1311 : vector<16xf32> to vector<1x1x16xf32>
          tpu.vector_store %arg12[%swap3A_1313, %swap3A_1314, %swap3A_1315], %swap3A_1318 {strides = array<i32>} : memref<4x50x100xf32, #tpu.memory_space<vmem>>, vector<1x1x16xf32>,
          %get3A_1319 = arith.constant 0 : i32
          %get3A_1320 = arith.index_cast %get3A_1319 : i32 to index
          %get3A_1321 = arith.index_cast %add3A_1241 : i32 to index
          %get3A_1322 = arith.constant 48 : index
          %get3A_1323 = tpu.vector_load %arg9[%get3A_1320, %get3A_1321, %get3A_1322] {strides = array<i32>} : memref<4x50x128xf32, #tpu.memory_space<vmem>>, vector<1x1x16xf32>,
          %get3A_1324 = vector.shape_cast %get3A_1323 : vector<1x1x16xf32> to vector<16xf32>
          %swap3A_1325 = arith.constant 0 : i32
          %swap3A_1326 = arith.index_cast %swap3A_1325 : i32 to index
          %swap3A_1327 = arith.index_cast %add3A_1241 : i32 to index
          %swap3A_1328 = arith.constant 48 : index
          %swap3A_1329 = tpu.vector_load %arg11[%swap3A_1326, %swap3A_1327, %swap3A_1328] {strides = array<i32>} : memref<4x50x100xf32, #tpu.memory_space<vmem>>, vector<1x1x16xf32>,
          %swap3A_1330 = vector.shape_cast %swap3A_1329 : vector<1x1x16xf32> to vector<16xf32>
          %swap3A_1331 = vector.shape_cast %get3A_1324 : vector<16xf32> to vector<1x1x16xf32>
          tpu.vector_store %arg11[%swap3A_1326, %swap3A_1327, %swap3A_1328], %swap3A_1331 {strides = array<i32>} : memref<4x50x100xf32, #tpu.memory_space<vmem>>, vector<1x1x16xf32>,
          %get3A_1332 = arith.constant 0 : i32
          %get3A_1333 = arith.index_cast %get3A_1332 : i32 to index
          %get3A_1334 = arith.index_cast %add3A_1241 : i32 to index
          %get3A_1335 = arith.constant 48 : index
          %get3A_1336 = tpu.vector_load %arg10[%get3A_1333, %get3A_1334, %get3A_1335] {strides = array<i32>} : memref<4x50x128xf32, #tpu.memory_space<vmem>>, vector<1x1x16xf32>,
          %get3A_1337 = vector.shape_cast %get3A_1336 : vector<1x1x16xf32> to vector<16xf32>
          %swap3A_1338 = arith.constant 0 : i32
          %swap3A_1339 = arith.index_cast %swap3A_1338 : i32 to index
          %swap3A_1340 = arith.index_cast %add3A_1241 : i32 to index
          %swap3A_1341 = arith.constant 48 : index
          %swap3A_1342 = tpu.vector_load %arg12[%swap3A_1339, %swap3A_1340, %swap3A_1341] {strides = array<i32>} : memref<4x50x100xf32, #tpu.memory_space<vmem>>, vector<1x1x16xf32>,
          %swap3A_1343 = vector.shape_cast %swap3A_1342 : vector<1x1x16xf32> to vector<16xf32>
          %swap3A_1344 = vector.shape_cast %get3A_1337 : vector<16xf32> to vector<1x1x16xf32>
          tpu.vector_store %arg12[%swap3A_1339, %swap3A_1340, %swap3A_1341], %swap3A_1344 {strides = array<i32>} : memref<4x50x100xf32, #tpu.memory_space<vmem>>, vector<1x1x16xf32>,
          %get3A_1345 = arith.constant 0 : i32
          %get3A_1346 = arith.index_cast %get3A_1345 : i32 to index
          %get3A_1347 = arith.index_cast %add3A_1241 : i32 to index
          %get3A_1348 = arith.constant 64 : index
          %get3A_1349 = tpu.vector_load %arg9[%get3A_1346, %get3A_1347, %get3A_1348] {strides = array<i32>} : memref<4x50x128xf32, #tpu.memory_space<vmem>>, vector<1x1x16xf32>,
          %get3A_1350 = vector.shape_cast %get3A_1349 : vector<1x1x16xf32> to vector<16xf32>
          %swap3A_1351 = arith.constant 0 : i32
          %swap3A_1352 = arith.index_cast %swap3A_1351 : i32 to index
          %swap3A_1353 = arith.index_cast %add3A_1241 : i32 to index
          %swap3A_1354 = arith.constant 64 : index
          %swap3A_1355 = tpu.vector_load %arg11[%swap3A_1352, %swap3A_1353, %swap3A_1354] {strides = array<i32>} : memref<4x50x100xf32, #tpu.memory_space<vmem>>, vector<1x1x16xf32>,
          %swap3A_1356 = vector.shape_cast %swap3A_1355 : vector<1x1x16xf32> to vector<16xf32>
          %swap3A_1357 = vector.shape_cast %get3A_1350 : vector<16xf32> to vector<1x1x16xf32>
          tpu.vector_store %arg11[%swap3A_1352, %swap3A_1353, %swap3A_1354], %swap3A_1357 {strides = array<i32>} : memref<4x50x100xf32, #tpu.memory_space<vmem>>, vector<1x1x16xf32>,
          %get3A_1358 = arith.constant 0 : i32
          %get3A_1359 = arith.index_cast %get3A_1358 : i32 to index
          %get3A_1360 = arith.index_cast %add3A_1241 : i32 to index
          %get3A_1361 = arith.constant 64 : index
          %get3A_1362 = tpu.vector_load %arg10[%get3A_1359, %get3A_1360, %get3A_1361] {strides = array<i32>} : memref<4x50x128xf32, #tpu.memory_space<vmem>>, vector<1x1x16xf32>,
          %get3A_1363 = vector.shape_cast %get3A_1362 : vector<1x1x16xf32> to vector<16xf32>
          %swap3A_1364 = arith.constant 0 : i32
          %swap3A_1365 = arith.index_cast %swap3A_1364 : i32 to index
          %swap3A_1366 = arith.index_cast %add3A_1241 : i32 to index
          %swap3A_1367 = arith.constant 64 : index
          %swap3A_1368 = tpu.vector_load %arg12[%swap3A_1365, %swap3A_1366, %swap3A_1367] {strides = array<i32>} : memref<4x50x100xf32, #tpu.memory_space<vmem>>, vector<1x1x16xf32>,
          %swap3A_1369 = vector.shape_cast %swap3A_1368 : vector<1x1x16xf32> to vector<16xf32>
          %swap3A_1370 = vector.shape_cast %get3A_1363 : vector<16xf32> to vector<1x1x16xf32>
          tpu.vector_store %arg12[%swap3A_1365, %swap3A_1366, %swap3A_1367], %swap3A_1370 {strides = array<i32>} : memref<4x50x100xf32, #tpu.memory_space<vmem>>, vector<1x1x16xf32>,
          %get3A_1371 = arith.constant 0 : i32
          %get3A_1372 = arith.index_cast %get3A_1371 : i32 to index
          %get3A_1373 = arith.index_cast %add3A_1241 : i32 to index
          %get3A_1374 = arith.constant 80 : index
          %get3A_1375 = tpu.vector_load %arg9[%get3A_1372, %get3A_1373, %get3A_1374] {strides = array<i32>} : memref<4x50x128xf32, #tpu.memory_space<vmem>>, vector<1x1x16xf32>,
          %get3A_1376 = vector.shape_cast %get3A_1375 : vector<1x1x16xf32> to vector<16xf32>
          %swap3A_1377 = arith.constant 0 : i32
          %swap3A_1378 = arith.index_cast %swap3A_1377 : i32 to index
          %swap3A_1379 = arith.index_cast %add3A_1241 : i32 to index
          %swap3A_1380 = arith.constant 80 : index
          %swap3A_1381 = tpu.vector_load %arg11[%swap3A_1378, %swap3A_1379, %swap3A_1380] {strides = array<i32>} : memref<4x50x100xf32, #tpu.memory_space<vmem>>, vector<1x1x16xf32>,
          %swap3A_1382 = vector.shape_cast %swap3A_1381 : vector<1x1x16xf32> to vector<16xf32>
          %swap3A_1383 = vector.shape_cast %get3A_1376 : vector<16xf32> to vector<1x1x16xf32>
          tpu.vector_store %arg11[%swap3A_1378, %swap3A_1379, %swap3A_1380], %swap3A_1383 {strides = array<i32>} : memref<4x50x100xf32, #tpu.memory_space<vmem>>, vector<1x1x16xf32>,
          %get3A_1384 = arith.constant 0 : i32
          %get3A_1385 = arith.index_cast %get3A_1384 : i32 to index
          %get3A_1386 = arith.index_cast %add3A_1241 : i32 to index
          %get3A_1387 = arith.constant 80 : index
          %get3A_1388 = tpu.vector_load %arg10[%get3A_1385, %get3A_1386, %get3A_1387] {strides = array<i32>} : memref<4x50x128xf32, #tpu.memory_space<vmem>>, vector<1x1x16xf32>,
          %get3A_1389 = vector.shape_cast %get3A_1388 : vector<1x1x16xf32> to vector<16xf32>
          %swap3A_1390 = arith.constant 0 : i32
          %swap3A_1391 = arith.index_cast %swap3A_1390 : i32 to index
          %swap3A_1392 = arith.index_cast %add3A_1241 : i32 to index
          %swap3A_1393 = arith.constant 80 : index
          %swap3A_1394 = tpu.vector_load %arg12[%swap3A_1391, %swap3A_1392, %swap3A_1393] {strides = array<i32>} : memref<4x50x100xf32, #tpu.memory_space<vmem>>, vector<1x1x16xf32>,
          %swap3A_1395 = vector.shape_cast %swap3A_1394 : vector<1x1x16xf32> to vector<16xf32>
          %swap3A_1396 = vector.shape_cast %get3A_1389 : vector<16xf32> to vector<1x1x16xf32>
          tpu.vector_store %arg12[%swap3A_1391, %swap3A_1392, %swap3A_1393], %swap3A_1396 {strides = array<i32>} : memref<4x50x100xf32, #tpu.memory_space<vmem>>, vector<1x1x16xf32>,
          %get3A_1397 = arith.constant 0 : i32
          %get3A_1398 = arith.index_cast %get3A_1397 : i32 to index
          %get3A_1399 = arith.index_cast %add3A_1241 : i32 to index
          %get3A_1400 = arith.constant 84 : index
          %get3A_1401 = tpu.vector_load %arg9[%get3A_1398, %get3A_1399, %get3A_1400] {strides = array<i32>} : memref<4x50x128xf32, #tpu.memory_space<vmem>>, vector<1x1x16xf32>,
          %get3A_1402 = vector.shape_cast %get3A_1401 : vector<1x1x16xf32> to vector<16xf32>
          %swap3A_1403 = arith.constant 0 : i32
          %swap3A_1404 = arith.index_cast %swap3A_1403 : i32 to index
          %swap3A_1405 = arith.index_cast %add3A_1241 : i32 to index
          %swap3A_1406 = arith.constant 84 : index
          %swap3A_1407 = tpu.vector_load %arg11[%swap3A_1404, %swap3A_1405, %swap3A_1406] {strides = array<i32>} : memref<4x50x100xf32, #tpu.memory_space<vmem>>, vector<1x1x16xf32>,
          %swap3A_1408 = vector.shape_cast %swap3A_1407 : vector<1x1x16xf32> to vector<16xf32>
          %swap3A_1409 = vector.shape_cast %get3A_1402 : vector<16xf32> to vector<1x1x16xf32>
          tpu.vector_store %arg11[%swap3A_1404, %swap3A_1405, %swap3A_1406], %swap3A_1409 {strides = array<i32>} : memref<4x50x100xf32, #tpu.memory_space<vmem>>, vector<1x1x16xf32>,
          %get3A_1410 = arith.constant 0 : i32
          %get3A_1411 = arith.index_cast %get3A_1410 : i32 to index
          %get3A_1412 = arith.index_cast %add3A_1241 : i32 to index
          %get3A_1413 = arith.constant 84 : index
          %get3A_1414 = tpu.vector_load %arg10[%get3A_1411, %get3A_1412, %get3A_1413] {strides = array<i32>} : memref<4x50x128xf32, #tpu.memory_space<vmem>>, vector<1x1x16xf32>,
          %get3A_1415 = vector.shape_cast %get3A_1414 : vector<1x1x16xf32> to vector<16xf32>
          %swap3A_1416 = arith.constant 0 : i32
          %swap3A_1417 = arith.index_cast %swap3A_1416 : i32 to index
          %swap3A_1418 = arith.index_cast %add3A_1241 : i32 to index
          %swap3A_1419 = arith.constant 84 : index
          %swap3A_1420 = tpu.vector_load %arg12[%swap3A_1417, %swap3A_1418, %swap3A_1419] {strides = array<i32>} : memref<4x50x100xf32, #tpu.memory_space<vmem>>, vector<1x1x16xf32>,
          %swap3A_1421 = vector.shape_cast %swap3A_1420 : vector<1x1x16xf32> to vector<16xf32>
          %swap3A_1422 = vector.shape_cast %get3A_1415 : vector<16xf32> to vector<1x1x16xf32>
          tpu.vector_store %arg12[%swap3A_1417, %swap3A_1418, %swap3A_1419], %swap3A_1422 {strides = array<i32>} : memref<4x50x100xf32, #tpu.memory_space<vmem>>, vector<1x1x16xf32>,
          %get3A_1423 = arith.constant 1 : i32
          %get3A_1424 = arith.index_cast %get3A_1423 : i32 to index
          %get3A_1425 = arith.index_cast %add3A_1241 : i32 to index
          %get3A_1426 = arith.constant 0 : index
          %get3A_1427 = tpu.vector_load %arg9[%get3A_1424, %get3A_1425, %get3A_1426] {strides = array<i32>} : memref<4x50x128xf32, #tpu.memory_space<vmem>>, vector<1x1x16xf32>,
          %get3A_1428 = vector.shape_cast %get3A_1427 : vector<1x1x16xf32> to vector<16xf32>
          %swap3A_1429 = arith.constant 1 : i32
          %swap3A_1430 = arith.index_cast %swap3A_1429 : i32 to index
          %swap3A_1431 = arith.index_cast %add3A_1241 : i32 to index
          %swap3A_1432 = arith.constant 0 : index
          %swap3A_1433 = tpu.vector_load %arg11[%swap3A_1430, %swap3A_1431, %swap3A_1432] {strides = array<i32>} : memref<4x50x100xf32, #tpu.memory_space<vmem>>, vector<1x1x16xf32>,
          %swap3A_1434 = vector.shape_cast %swap3A_1433 : vector<1x1x16xf32> to vector<16xf32>
          %swap3A_1435 = vector.shape_cast %get3A_1428 : vector<16xf32> to vector<1x1x16xf32>
          tpu.vector_store %arg11[%swap3A_1430, %swap3A_1431, %swap3A_1432], %swap3A_1435 {strides = array<i32>} : memref<4x50x100xf32, #tpu.memory_space<vmem>>, vector<1x1x16xf32>,
          %get3A_1436 = arith.constant 1 : i32
          %get3A_1437 = arith.index_cast %get3A_1436 : i32 to index
          %get3A_1438 = arith.index_cast %add3A_1241 : i32 to index
          %get3A_1439 = arith.constant 0 : index
          %get3A_1440 = tpu.vector_load %arg10[%get3A_1437, %get3A_1438, %get3A_1439] {strides = array<i32>} : memref<4x50x128xf32, #tpu.memory_space<vmem>>, vector<1x1x16xf32>,
          %get3A_1441 = vector.shape_cast %get3A_1440 : vector<1x1x16xf32> to vector<16xf32>
          %swap3A_1442 = arith.constant 1 : i32
          %swap3A_1443 = arith.index_cast %swap3A_1442 : i32 to index
          %swap3A_1444 = arith.index_cast %add3A_1241 : i32 to index
          %swap3A_1445 = arith.constant 0 : index
          %swap3A_1446 = tpu.vector_load %arg12[%swap3A_1443, %swap3A_1444, %swap3A_1445] {strides = array<i32>} : memref<4x50x100xf32, #tpu.memory_space<vmem>>, vector<1x1x16xf32>,
          %swap3A_1447 = vector.shape_cast %swap3A_1446 : vector<1x1x16xf32> to vector<16xf32>
          %swap3A_1448 = vector.shape_cast %get3A_1441 : vector<16xf32> to vector<1x1x16xf32>
          tpu.vector_store %arg12[%swap3A_1443, %swap3A_1444, %swap3A_1445], %swap3A_1448 {strides = array<i32>} : memref<4x50x100xf32, #tpu.memory_space<vmem>>, vector<1x1x16xf32>,
          %get3A_1449 = arith.constant 1 : i32
          %get3A_1450 = arith.index_cast %get3A_1449 : i32 to index
          %get3A_1451 = arith.index_cast %add3A_1241 : i32 to index
          %get3A_1452 = arith.constant 16 : index
          %get3A_1453 = tpu.vector_load %arg9[%get3A_1450, %get3A_1451, %get3A_1452] {strides = array<i32>} : memref<4x50x128xf32, #tpu.memory_space<vmem>>, vector<1x1x16xf32>,
          %get3A_1454 = vector.shape_cast %get3A_1453 : vector<1x1x16xf32> to vector<16xf32>
          %swap3A_1455 = arith.constant 1 : i32
          %swap3A_1456 = arith.index_cast %swap3A_1455 : i32 to index
          %swap3A_1457 = arith.index_cast %add3A_1241 : i32 to index
          %swap3A_1458 = arith.constant 16 : index
          %swap3A_1459 = tpu.vector_load %arg11[%swap3A_1456, %swap3A_1457, %swap3A_1458] {strides = array<i32>} : memref<4x50x100xf32, #tpu.memory_space<vmem>>, vector<1x1x16xf32>,
          %swap3A_1460 = vector.shape_cast %swap3A_1459 : vector<1x1x16xf32> to vector<16xf32>
          %swap3A_1461 = vector.shape_cast %get3A_1454 : vector<16xf32> to vector<1x1x16xf32>
          tpu.vector_store %arg11[%swap3A_1456, %swap3A_1457, %swap3A_1458], %swap3A_1461 {strides = array<i32>} : memref<4x50x100xf32, #tpu.memory_space<vmem>>, vector<1x1x16xf32>,
          %get3A_1462 = arith.constant 1 : i32
          %get3A_1463 = arith.index_cast %get3A_1462 : i32 to index
          %get3A_1464 = arith.index_cast %add3A_1241 : i32 to index
          %get3A_1465 = arith.constant 16 : index
          %get3A_1466 = tpu.vector_load %arg10[%get3A_1463, %get3A_1464, %get3A_1465] {strides = array<i32>} : memref<4x50x128xf32, #tpu.memory_space<vmem>>, vector<1x1x16xf32>,
          %get3A_1467 = vector.shape_cast %get3A_1466 : vector<1x1x16xf32> to vector<16xf32>
          %swap3A_1468 = arith.constant 1 : i32
          %swap3A_1469 = arith.index_cast %swap3A_1468 : i32 to index
          %swap3A_1470 = arith.index_cast %add3A_1241 : i32 to index
          %swap3A_1471 = arith.constant 16 : index
          %swap3A_1472 = tpu.vector_load %arg12[%swap3A_1469, %swap3A_1470, %swap3A_1471] {strides = array<i32>} : memref<4x50x100xf32, #tpu.memory_space<vmem>>, vector<1x1x16xf32>,
          %swap3A_1473 = vector.shape_cast %swap3A_1472 : vector<1x1x16xf32> to vector<16xf32>
          %swap3A_1474 = vector.shape_cast %get3A_1467 : vector<16xf32> to vector<1x1x16xf32>
          tpu.vector_store %arg12[%swap3A_1469, %swap3A_1470, %swap3A_1471], %swap3A_1474 {strides = array<i32>} : memref<4x50x100xf32, #tpu.memory_space<vmem>>, vector<1x1x16xf32>,
          %get3A_1475 = arith.constant 1 : i32
          %get3A_1476 = arith.index_cast %get3A_1475 : i32 to index
          %get3A_1477 = arith.index_cast %add3A_1241 : i32 to index
          %get3A_1478 = arith.constant 32 : index
          %get3A_1479 = tpu.vector_load %arg9[%get3A_1476, %get3A_1477, %get3A_1478] {strides = array<i32>} : memref<4x50x128xf32, #tpu.memory_space<vmem>>, vector<1x1x16xf32>,
          %get3A_1480 = vector.shape_cast %get3A_1479 : vector<1x1x16xf32> to vector<16xf32>
          %swap3A_1481 = arith.constant 1 : i32
          %swap3A_1482 = arith.index_cast %swap3A_1481 : i32 to index
          %swap3A_1483 = arith.index_cast %add3A_1241 : i32 to index
          %swap3A_1484 = arith.constant 32 : index
          %swap3A_1485 = tpu.vector_load %arg11[%swap3A_1482, %swap3A_1483, %swap3A_1484] {strides = array<i32>} : memref<4x50x100xf32, #tpu.memory_space<vmem>>, vector<1x1x16xf32>,
          %swap3A_1486 = vector.shape_cast %swap3A_1485 : vector<1x1x16xf32> to vector<16xf32>
          %swap3A_1487 = vector.shape_cast %get3A_1480 : vector<16xf32> to vector<1x1x16xf32>
          tpu.vector_store %arg11[%swap3A_1482, %swap3A_1483, %swap3A_1484], %swap3A_1487 {strides = array<i32>} : memref<4x50x100xf32, #tpu.memory_space<vmem>>, vector<1x1x16xf32>,
          %get3A_1488 = arith.constant 1 : i32
          %get3A_1489 = arith.index_cast %get3A_1488 : i32 to index
          %get3A_1490 = arith.index_cast %add3A_1241 : i32 to index
          %get3A_1491 = arith.constant 32 : index
          %get3A_1492 = tpu.vector_load %arg10[%get3A_1489, %get3A_1490, %get3A_1491] {strides = array<i32>} : memref<4x50x128xf32, #tpu.memory_space<vmem>>, vector<1x1x16xf32>,
          %get3A_1493 = vector.shape_cast %get3A_1492 : vector<1x1x16xf32> to vector<16xf32>
          %swap3A_1494 = arith.constant 1 : i32
          %swap3A_1495 = arith.index_cast %swap3A_1494 : i32 to index
          %swap3A_1496 = arith.index_cast %add3A_1241 : i32 to index
          %swap3A_1497 = arith.constant 32 : index
          %swap3A_1498 = tpu.vector_load %arg12[%swap3A_1495, %swap3A_1496, %swap3A_1497] {strides = array<i32>} : memref<4x50x100xf32, #tpu.memory_space<vmem>>, vector<1x1x16xf32>,
          %swap3A_1499 = vector.shape_cast %swap3A_1498 : vector<1x1x16xf32> to vector<16xf32>
          %swap3A_1500 = vector.shape_cast %get3A_1493 : vector<16xf32> to vector<1x1x16xf32>
          tpu.vector_store %arg12[%swap3A_1495, %swap3A_1496, %swap3A_1497], %swap3A_1500 {strides = array<i32>} : memref<4x50x100xf32, #tpu.memory_space<vmem>>, vector<1x1x16xf32>,
          %get3A_1501 = arith.constant 1 : i32
          %get3A_1502 = arith.index_cast %get3A_1501 : i32 to index
          %get3A_1503 = arith.index_cast %add3A_1241 : i32 to index
          %get3A_1504 = arith.constant 48 : index
          %get3A_1505 = tpu.vector_load %arg9[%get3A_1502, %get3A_1503, %get3A_1504] {strides = array<i32>} : memref<4x50x128xf32, #tpu.memory_space<vmem>>, vector<1x1x16xf32>,
          %get3A_1506 = vector.shape_cast %get3A_1505 : vector<1x1x16xf32> to vector<16xf32>
          %swap3A_1507 = arith.constant 1 : i32
          %swap3A_1508 = arith.index_cast %swap3A_1507 : i32 to index
          %swap3A_1509 = arith.index_cast %add3A_1241 : i32 to index
          %swap3A_1510 = arith.constant 48 : index
          %swap3A_1511 = tpu.vector_load %arg11[%swap3A_1508, %swap3A_1509, %swap3A_1510] {strides = array<i32>} : memref<4x50x100xf32, #tpu.memory_space<vmem>>, vector<1x1x16xf32>,
          %swap3A_1512 = vector.shape_cast %swap3A_1511 : vector<1x1x16xf32> to vector<16xf32>
          %swap3A_1513 = vector.shape_cast %get3A_1506 : vector<16xf32> to vector<1x1x16xf32>
          tpu.vector_store %arg11[%swap3A_1508, %swap3A_1509, %swap3A_1510], %swap3A_1513 {strides = array<i32>} : memref<4x50x100xf32, #tpu.memory_space<vmem>>, vector<1x1x16xf32>,
          %get3A_1514 = arith.constant 1 : i32
          %get3A_1515 = arith.index_cast %get3A_1514 : i32 to index
          %get3A_1516 = arith.index_cast %add3A_1241 : i32 to index
          %get3A_1517 = arith.constant 48 : index
          %get3A_1518 = tpu.vector_load %arg10[%get3A_1515, %get3A_1516, %get3A_1517] {strides = array<i32>} : memref<4x50x128xf32, #tpu.memory_space<vmem>>, vector<1x1x16xf32>,
          %get3A_1519 = vector.shape_cast %get3A_1518 : vector<1x1x16xf32> to vector<16xf32>
          %swap3A_1520 = arith.constant 1 : i32
          %swap3A_1521 = arith.index_cast %swap3A_1520 : i32 to index
          %swap3A_1522 = arith.index_cast %add3A_1241 : i32 to index
          %swap3A_1523 = arith.constant 48 : index
          %swap3A_1524 = tpu.vector_load %arg12[%swap3A_1521, %swap3A_1522, %swap3A_1523] {strides = array<i32>} : memref<4x50x100xf32, #tpu.memory_space<vmem>>, vector<1x1x16xf32>,
          %swap3A_1525 = vector.shape_cast %swap3A_1524 : vector<1x1x16xf32> to vector<16xf32>
          %swap3A_1526 = vector.shape_cast %get3A_1519 : vector<16xf32> to vector<1x1x16xf32>
          tpu.vector_store %arg12[%swap3A_1521, %swap3A_1522, %swap3A_1523], %swap3A_1526 {strides = array<i32>} : memref<4x50x100xf32, #tpu.memory_space<vmem>>, vector<1x1x16xf32>,
          %get3A_1527 = arith.constant 1 : i32
          %get3A_1528 = arith.index_cast %get3A_1527 : i32 to index
          %get3A_1529 = arith.index_cast %add3A_1241 : i32 to index
          %get3A_1530 = arith.constant 64 : index
          %get3A_1531 = tpu.vector_load %arg9[%get3A_1528, %get3A_1529, %get3A_1530] {strides = array<i32>} : memref<4x50x128xf32, #tpu.memory_space<vmem>>, vector<1x1x16xf32>,
          %get3A_1532 = vector.shape_cast %get3A_1531 : vector<1x1x16xf32> to vector<16xf32>
          %swap3A_1533 = arith.constant 1 : i32
          %swap3A_1534 = arith.index_cast %swap3A_1533 : i32 to index
          %swap3A_1535 = arith.index_cast %add3A_1241 : i32 to index
          %swap3A_1536 = arith.constant 64 : index
          %swap3A_1537 = tpu.vector_load %arg11[%swap3A_1534, %swap3A_1535, %swap3A_1536] {strides = array<i32>} : memref<4x50x100xf32, #tpu.memory_space<vmem>>, vector<1x1x16xf32>,
          %swap3A_1538 = vector.shape_cast %swap3A_1537 : vector<1x1x16xf32> to vector<16xf32>
          %swap3A_1539 = vector.shape_cast %get3A_1532 : vector<16xf32> to vector<1x1x16xf32>
          tpu.vector_store %arg11[%swap3A_1534, %swap3A_1535, %swap3A_1536], %swap3A_1539 {strides = array<i32>} : memref<4x50x100xf32, #tpu.memory_space<vmem>>, vector<1x1x16xf32>,
          %get3A_1540 = arith.constant 1 : i32
          %get3A_1541 = arith.index_cast %get3A_1540 : i32 to index
          %get3A_1542 = arith.index_cast %add3A_1241 : i32 to index
          %get3A_1543 = arith.constant 64 : index
          %get3A_1544 = tpu.vector_load %arg10[%get3A_1541, %get3A_1542, %get3A_1543] {strides = array<i32>} : memref<4x50x128xf32, #tpu.memory_space<vmem>>, vector<1x1x16xf32>,
          %get3A_1545 = vector.shape_cast %get3A_1544 : vector<1x1x16xf32> to vector<16xf32>
          %swap3A_1546 = arith.constant 1 : i32
          %swap3A_1547 = arith.index_cast %swap3A_1546 : i32 to index
          %swap3A_1548 = arith.index_cast %add3A_1241 : i32 to index
          %swap3A_1549 = arith.constant 64 : index
          %swap3A_1550 = tpu.vector_load %arg12[%swap3A_1547, %swap3A_1548, %swap3A_1549] {strides = array<i32>} : memref<4x50x100xf32, #tpu.memory_space<vmem>>, vector<1x1x16xf32>,
          %swap3A_1551 = vector.shape_cast %swap3A_1550 : vector<1x1x16xf32> to vector<16xf32>
          %swap3A_1552 = vector.shape_cast %get3A_1545 : vector<16xf32> to vector<1x1x16xf32>
          tpu.vector_store %arg12[%swap3A_1547, %swap3A_1548, %swap3A_1549], %swap3A_1552 {strides = array<i32>} : memref<4x50x100xf32, #tpu.memory_space<vmem>>, vector<1x1x16xf32>,
          %get3A_1553 = arith.constant 1 : i32
          %get3A_1554 = arith.index_cast %get3A_1553 : i32 to index
          %get3A_1555 = arith.index_cast %add3A_1241 : i32 to index
          %get3A_1556 = arith.constant 80 : index
          %get3A_1557 = tpu.vector_load %arg9[%get3A_1554, %get3A_1555, %get3A_1556] {strides = array<i32>} : memref<4x50x128xf32, #tpu.memory_space<vmem>>, vector<1x1x16xf32>,
          %get3A_1558 = vector.shape_cast %get3A_1557 : vector<1x1x16xf32> to vector<16xf32>
          %swap3A_1559 = arith.constant 1 : i32
          %swap3A_1560 = arith.index_cast %swap3A_1559 : i32 to index
          %swap3A_1561 = arith.index_cast %add3A_1241 : i32 to index
          %swap3A_1562 = arith.constant 80 : index
          %swap3A_1563 = tpu.vector_load %arg11[%swap3A_1560, %swap3A_1561, %swap3A_1562] {strides = array<i32>} : memref<4x50x100xf32, #tpu.memory_space<vmem>>, vector<1x1x16xf32>,
          %swap3A_1564 = vector.shape_cast %swap3A_1563 : vector<1x1x16xf32> to vector<16xf32>
          %swap3A_1565 = vector.shape_cast %get3A_1558 : vector<16xf32> to vector<1x1x16xf32>
          tpu.vector_store %arg11[%swap3A_1560, %swap3A_1561, %swap3A_1562], %swap3A_1565 {strides = array<i32>} : memref<4x50x100xf32, #tpu.memory_space<vmem>>, vector<1x1x16xf32>,
          %get3A_1566 = arith.constant 1 : i32
          %get3A_1567 = arith.index_cast %get3A_1566 : i32 to index
          %get3A_1568 = arith.index_cast %add3A_1241 : i32 to index
          %get3A_1569 = arith.constant 80 : index
          %get3A_1570 = tpu.vector_load %arg10[%get3A_1567, %get3A_1568, %get3A_1569] {strides = array<i32>} : memref<4x50x128xf32, #tpu.memory_space<vmem>>, vector<1x1x16xf32>,
          %get3A_1571 = vector.shape_cast %get3A_1570 : vector<1x1x16xf32> to vector<16xf32>
          %swap3A_1572 = arith.constant 1 : i32
          %swap3A_1573 = arith.index_cast %swap3A_1572 : i32 to index
          %swap3A_1574 = arith.index_cast %add3A_1241 : i32 to index
          %swap3A_1575 = arith.constant 80 : index
          %swap3A_1576 = tpu.vector_load %arg12[%swap3A_1573, %swap3A_1574, %swap3A_1575] {strides = array<i32>} : memref<4x50x100xf32, #tpu.memory_space<vmem>>, vector<1x1x16xf32>,
          %swap3A_1577 = vector.shape_cast %swap3A_1576 : vector<1x1x16xf32> to vector<16xf32>
          %swap3A_1578 = vector.shape_cast %get3A_1571 : vector<16xf32> to vector<1x1x16xf32>
          tpu.vector_store %arg12[%swap3A_1573, %swap3A_1574, %swap3A_1575], %swap3A_1578 {strides = array<i32>} : memref<4x50x100xf32, #tpu.memory_space<vmem>>, vector<1x1x16xf32>,
          %get3A_1579 = arith.constant 1 : i32
          %get3A_1580 = arith.index_cast %get3A_1579 : i32 to index
          %get3A_1581 = arith.index_cast %add3A_1241 : i32 to index
          %get3A_1582 = arith.constant 84 : index
          %get3A_1583 = tpu.vector_load %arg9[%get3A_1580, %get3A_1581, %get3A_1582] {strides = array<i32>} : memref<4x50x128xf32, #tpu.memory_space<vmem>>, vector<1x1x16xf32>,
          %get3A_1584 = vector.shape_cast %get3A_1583 : vector<1x1x16xf32> to vector<16xf32>
          %swap3A_1585 = arith.constant 1 : i32
          %swap3A_1586 = arith.index_cast %swap3A_1585 : i32 to index
          %swap3A_1587 = arith.index_cast %add3A_1241 : i32 to index
          %swap3A_1588 = arith.constant 84 : index
          %swap3A_1589 = tpu.vector_load %arg11[%swap3A_1586, %swap3A_1587, %swap3A_1588] {strides = array<i32>} : memref<4x50x100xf32, #tpu.memory_space<vmem>>, vector<1x1x16xf32>,
          %swap3A_1590 = vector.shape_cast %swap3A_1589 : vector<1x1x16xf32> to vector<16xf32>
          %swap3A_1591 = vector.shape_cast %get3A_1584 : vector<16xf32> to vector<1x1x16xf32>
          tpu.vector_store %arg11[%swap3A_1586, %swap3A_1587, %swap3A_1588], %swap3A_1591 {strides = array<i32>} : memref<4x50x100xf32, #tpu.memory_space<vmem>>, vector<1x1x16xf32>,
          %get3A_1592 = arith.constant 1 : i32
          %get3A_1593 = arith.index_cast %get3A_1592 : i32 to index
          %get3A_1594 = arith.index_cast %add3A_1241 : i32 to index
          %get3A_1595 = arith.constant 84 : index
          %get3A_1596 = tpu.vector_load %arg10[%get3A_1593, %get3A_1594, %get3A_1595] {strides = array<i32>} : memref<4x50x128xf32, #tpu.memory_space<vmem>>, vector<1x1x16xf32>,
          %get3A_1597 = vector.shape_cast %get3A_1596 : vector<1x1x16xf32> to vector<16xf32>
          %swap3A_1598 = arith.constant 1 : i32
          %swap3A_1599 = arith.index_cast %swap3A_1598 : i32 to index
          %swap3A_1600 = arith.index_cast %add3A_1241 : i32 to index
          %swap3A_1601 = arith.constant 84 : index
          %swap3A_1602 = tpu.vector_load %arg12[%swap3A_1599, %swap3A_1600, %swap3A_1601] {strides = array<i32>} : memref<4x50x100xf32, #tpu.memory_space<vmem>>, vector<1x1x16xf32>,
          %swap3A_1603 = vector.shape_cast %swap3A_1602 : vector<1x1x16xf32> to vector<16xf32>
          %swap3A_1604 = vector.shape_cast %get3A_1597 : vector<16xf32> to vector<1x1x16xf32>
          tpu.vector_store %arg12[%swap3A_1599, %swap3A_1600, %swap3A_1601], %swap3A_1604 {strides = array<i32>} : memref<4x50x100xf32, #tpu.memory_space<vmem>>, vector<1x1x16xf32>,
          %get3A_1605 = arith.constant 2 : i32
          %get3A_1606 = arith.index_cast %get3A_1605 : i32 to index
          %get3A_1607 = arith.index_cast %add3A_1241 : i32 to index
          %get3A_1608 = arith.constant 0 : index
          %get3A_1609 = tpu.vector_load %arg9[%get3A_1606, %get3A_1607, %get3A_1608] {strides = array<i32>} : memref<4x50x128xf32, #tpu.memory_space<vmem>>, vector<1x1x16xf32>,
          %get3A_1610 = vector.shape_cast %get3A_1609 : vector<1x1x16xf32> to vector<16xf32>
          %swap3A_1611 = arith.constant 2 : i32
          %swap3A_1612 = arith.index_cast %swap3A_1611 : i32 to index
          %swap3A_1613 = arith.index_cast %add3A_1241 : i32 to index
          %swap3A_1614 = arith.constant 0 : index
          %swap3A_1615 = tpu.vector_load %arg11[%swap3A_1612, %swap3A_1613, %swap3A_1614] {strides = array<i32>} : memref<4x50x100xf32, #tpu.memory_space<vmem>>, vector<1x1x16xf32>,
          %swap3A_1616 = vector.shape_cast %swap3A_1615 : vector<1x1x16xf32> to vector<16xf32>
          %swap3A_1617 = vector.shape_cast %get3A_1610 : vector<16xf32> to vector<1x1x16xf32>
          tpu.vector_store %arg11[%swap3A_1612, %swap3A_1613, %swap3A_1614], %swap3A_1617 {strides = array<i32>} : memref<4x50x100xf32, #tpu.memory_space<vmem>>, vector<1x1x16xf32>,
          %get3A_1618 = arith.constant 2 : i32
          %get3A_1619 = arith.index_cast %get3A_1618 : i32 to index
          %get3A_1620 = arith.index_cast %add3A_1241 : i32 to index
          %get3A_1621 = arith.constant 0 : index
          %get3A_1622 = tpu.vector_load %arg10[%get3A_1619, %get3A_1620, %get3A_1621] {strides = array<i32>} : memref<4x50x128xf32, #tpu.memory_space<vmem>>, vector<1x1x16xf32>,
          %get3A_1623 = vector.shape_cast %get3A_1622 : vector<1x1x16xf32> to vector<16xf32>
          %swap3A_1624 = arith.constant 2 : i32
          %swap3A_1625 = arith.index_cast %swap3A_1624 : i32 to index
          %swap3A_1626 = arith.index_cast %add3A_1241 : i32 to index
          %swap3A_1627 = arith.constant 0 : index
          %swap3A_1628 = tpu.vector_load %arg12[%swap3A_1625, %swap3A_1626, %swap3A_1627] {strides = array<i32>} : memref<4x50x100xf32, #tpu.memory_space<vmem>>, vector<1x1x16xf32>,
          %swap3A_1629 = vector.shape_cast %swap3A_1628 : vector<1x1x16xf32> to vector<16xf32>
          %swap3A_1630 = vector.shape_cast %get3A_1623 : vector<16xf32> to vector<1x1x16xf32>
          tpu.vector_store %arg12[%swap3A_1625, %swap3A_1626, %swap3A_1627], %swap3A_1630 {strides = array<i32>} : memref<4x50x100xf32, #tpu.memory_space<vmem>>, vector<1x1x16xf32>,
          %get3A_1631 = arith.constant 2 : i32
          %get3A_1632 = arith.index_cast %get3A_1631 : i32 to index
          %get3A_1633 = arith.index_cast %add3A_1241 : i32 to index
          %get3A_1634 = arith.constant 16 : index
          %get3A_1635 = tpu.vector_load %arg9[%get3A_1632, %get3A_1633, %get3A_1634] {strides = array<i32>} : memref<4x50x128xf32, #tpu.memory_space<vmem>>, vector<1x1x16xf32>,
          %get3A_1636 = vector.shape_cast %get3A_1635 : vector<1x1x16xf32> to vector<16xf32>
          %swap3A_1637 = arith.constant 2 : i32
          %swap3A_1638 = arith.index_cast %swap3A_1637 : i32 to index
          %swap3A_1639 = arith.index_cast %add3A_1241 : i32 to index
          %swap3A_1640 = arith.constant 16 : index
          %swap3A_1641 = tpu.vector_load %arg11[%swap3A_1638, %swap3A_1639, %swap3A_1640] {strides = array<i32>} : memref<4x50x100xf32, #tpu.memory_space<vmem>>, vector<1x1x16xf32>,
          %swap3A_1642 = vector.shape_cast %swap3A_1641 : vector<1x1x16xf32> to vector<16xf32>
          %swap3A_1643 = vector.shape_cast %get3A_1636 : vector<16xf32> to vector<1x1x16xf32>
          tpu.vector_store %arg11[%swap3A_1638, %swap3A_1639, %swap3A_1640], %swap3A_1643 {strides = array<i32>} : memref<4x50x100xf32, #tpu.memory_space<vmem>>, vector<1x1x16xf32>,
          %get3A_1644 = arith.constant 2 : i32
          %get3A_1645 = arith.index_cast %get3A_1644 : i32 to index
          %get3A_1646 = arith.index_cast %add3A_1241 : i32 to index
          %get3A_1647 = arith.constant 16 : index
          %get3A_1648 = tpu.vector_load %arg10[%get3A_1645, %get3A_1646, %get3A_1647] {strides = array<i32>} : memref<4x50x128xf32, #tpu.memory_space<vmem>>, vector<1x1x16xf32>,
          %get3A_1649 = vector.shape_cast %get3A_1648 : vector<1x1x16xf32> to vector<16xf32>
          %swap3A_1650 = arith.constant 2 : i32
          %swap3A_1651 = arith.index_cast %swap3A_1650 : i32 to index
          %swap3A_1652 = arith.index_cast %add3A_1241 : i32 to index
          %swap3A_1653 = arith.constant 16 : index
          %swap3A_1654 = tpu.vector_load %arg12[%swap3A_1651, %swap3A_1652, %swap3A_1653] {strides = array<i32>} : memref<4x50x100xf32, #tpu.memory_space<vmem>>, vector<1x1x16xf32>,
          %swap3A_1655 = vector.shape_cast %swap3A_1654 : vector<1x1x16xf32> to vector<16xf32>
          %swap3A_1656 = vector.shape_cast %get3A_1649 : vector<16xf32> to vector<1x1x16xf32>
          tpu.vector_store %arg12[%swap3A_1651, %swap3A_1652, %swap3A_1653], %swap3A_1656 {strides = array<i32>} : memref<4x50x100xf32, #tpu.memory_space<vmem>>, vector<1x1x16xf32>,
          %get3A_1657 = arith.constant 2 : i32
          %get3A_1658 = arith.index_cast %get3A_1657 : i32 to index
          %get3A_1659 = arith.index_cast %add3A_1241 : i32 to index
          %get3A_1660 = arith.constant 32 : index
          %get3A_1661 = tpu.vector_load %arg9[%get3A_1658, %get3A_1659, %get3A_1660] {strides = array<i32>} : memref<4x50x128xf32, #tpu.memory_space<vmem>>, vector<1x1x16xf32>,
          %get3A_1662 = vector.shape_cast %get3A_1661 : vector<1x1x16xf32> to vector<16xf32>
          %swap3A_1663 = arith.constant 2 : i32
          %swap3A_1664 = arith.index_cast %swap3A_1663 : i32 to index
          %swap3A_1665 = arith.index_cast %add3A_1241 : i32 to index
          %swap3A_1666 = arith.constant 32 : index
          %swap3A_1667 = tpu.vector_load %arg11[%swap3A_1664, %swap3A_1665, %swap3A_1666] {strides = array<i32>} : memref<4x50x100xf32, #tpu.memory_space<vmem>>, vector<1x1x16xf32>,
          %swap3A_1668 = vector.shape_cast %swap3A_1667 : vector<1x1x16xf32> to vector<16xf32>
          %swap3A_1669 = vector.shape_cast %get3A_1662 : vector<16xf32> to vector<1x1x16xf32>
          tpu.vector_store %arg11[%swap3A_1664, %swap3A_1665, %swap3A_1666], %swap3A_1669 {strides = array<i32>} : memref<4x50x100xf32, #tpu.memory_space<vmem>>, vector<1x1x16xf32>,
          %get3A_1670 = arith.constant 2 : i32
          %get3A_1671 = arith.index_cast %get3A_1670 : i32 to index
          %get3A_1672 = arith.index_cast %add3A_1241 : i32 to index
          %get3A_1673 = arith.constant 32 : index
          %get3A_1674 = tpu.vector_load %arg10[%get3A_1671, %get3A_1672, %get3A_1673] {strides = array<i32>} : memref<4x50x128xf32, #tpu.memory_space<vmem>>, vector<1x1x16xf32>,
          %get3A_1675 = vector.shape_cast %get3A_1674 : vector<1x1x16xf32> to vector<16xf32>
          %swap3A_1676 = arith.constant 2 : i32
          %swap3A_1677 = arith.index_cast %swap3A_1676 : i32 to index
          %swap3A_1678 = arith.index_cast %add3A_1241 : i32 to index
          %swap3A_1679 = arith.constant 32 : index
          %swap3A_1680 = tpu.vector_load %arg12[%swap3A_1677, %swap3A_1678, %swap3A_1679] {strides = array<i32>} : memref<4x50x100xf32, #tpu.memory_space<vmem>>, vector<1x1x16xf32>,
          %swap3A_1681 = vector.shape_cast %swap3A_1680 : vector<1x1x16xf32> to vector<16xf32>
          %swap3A_1682 = vector.shape_cast %get3A_1675 : vector<16xf32> to vector<1x1x16xf32>
          tpu.vector_store %arg12[%swap3A_1677, %swap3A_1678, %swap3A_1679], %swap3A_1682 {strides = array<i32>} : memref<4x50x100xf32, #tpu.memory_space<vmem>>, vector<1x1x16xf32>,
          %get3A_1683 = arith.constant 2 : i32
          %get3A_1684 = arith.index_cast %get3A_1683 : i32 to index
          %get3A_1685 = arith.index_cast %add3A_1241 : i32 to index
          %get3A_1686 = arith.constant 48 : index
          %get3A_1687 = tpu.vector_load %arg9[%get3A_1684, %get3A_1685, %get3A_1686] {strides = array<i32>} : memref<4x50x128xf32, #tpu.memory_space<vmem>>, vector<1x1x16xf32>,
          %get3A_1688 = vector.shape_cast %get3A_1687 : vector<1x1x16xf32> to vector<16xf32>
          %swap3A_1689 = arith.constant 2 : i32
          %swap3A_1690 = arith.index_cast %swap3A_1689 : i32 to index
          %swap3A_1691 = arith.index_cast %add3A_1241 : i32 to index
          %swap3A_1692 = arith.constant 48 : index
          %swap3A_1693 = tpu.vector_load %arg11[%swap3A_1690, %swap3A_1691, %swap3A_1692] {strides = array<i32>} : memref<4x50x100xf32, #tpu.memory_space<vmem>>, vector<1x1x16xf32>,
          %swap3A_1694 = vector.shape_cast %swap3A_1693 : vector<1x1x16xf32> to vector<16xf32>
          %swap3A_1695 = vector.shape_cast %get3A_1688 : vector<16xf32> to vector<1x1x16xf32>
          tpu.vector_store %arg11[%swap3A_1690, %swap3A_1691, %swap3A_1692], %swap3A_1695 {strides = array<i32>} : memref<4x50x100xf32, #tpu.memory_space<vmem>>, vector<1x1x16xf32>,
          %get3A_1696 = arith.constant 2 : i32
          %get3A_1697 = arith.index_cast %get3A_1696 : i32 to index
          %get3A_1698 = arith.index_cast %add3A_1241 : i32 to index
          %get3A_1699 = arith.constant 48 : index
          %get3A_1700 = tpu.vector_load %arg10[%get3A_1697, %get3A_1698, %get3A_1699] {strides = array<i32>} : memref<4x50x128xf32, #tpu.memory_space<vmem>>, vector<1x1x16xf32>,
          %get3A_1701 = vector.shape_cast %get3A_1700 : vector<1x1x16xf32> to vector<16xf32>
          %swap3A_1702 = arith.constant 2 : i32
          %swap3A_1703 = arith.index_cast %swap3A_1702 : i32 to index
          %swap3A_1704 = arith.index_cast %add3A_1241 : i32 to index
          %swap3A_1705 = arith.constant 48 : index
          %swap3A_1706 = tpu.vector_load %arg12[%swap3A_1703, %swap3A_1704, %swap3A_1705] {strides = array<i32>} : memref<4x50x100xf32, #tpu.memory_space<vmem>>, vector<1x1x16xf32>,
          %swap3A_1707 = vector.shape_cast %swap3A_1706 : vector<1x1x16xf32> to vector<16xf32>
          %swap3A_1708 = vector.shape_cast %get3A_1701 : vector<16xf32> to vector<1x1x16xf32>
          tpu.vector_store %arg12[%swap3A_1703, %swap3A_1704, %swap3A_1705], %swap3A_1708 {strides = array<i32>} : memref<4x50x100xf32, #tpu.memory_space<vmem>>, vector<1x1x16xf32>,
          %get3A_1709 = arith.constant 2 : i32
          %get3A_1710 = arith.index_cast %get3A_1709 : i32 to index
          %get3A_1711 = arith.index_cast %add3A_1241 : i32 to index
          %get3A_1712 = arith.constant 64 : index
          %get3A_1713 = tpu.vector_load %arg9[%get3A_1710, %get3A_1711, %get3A_1712] {strides = array<i32>} : memref<4x50x128xf32, #tpu.memory_space<vmem>>, vector<1x1x16xf32>,
          %get3A_1714 = vector.shape_cast %get3A_1713 : vector<1x1x16xf32> to vector<16xf32>
          %swap3A_1715 = arith.constant 2 : i32
          %swap3A_1716 = arith.index_cast %swap3A_1715 : i32 to index
          %swap3A_1717 = arith.index_cast %add3A_1241 : i32 to index
          %swap3A_1718 = arith.constant 64 : index
          %swap3A_1719 = tpu.vector_load %arg11[%swap3A_1716, %swap3A_1717, %swap3A_1718] {strides = array<i32>} : memref<4x50x100xf32, #tpu.memory_space<vmem>>, vector<1x1x16xf32>,
          %swap3A_1720 = vector.shape_cast %swap3A_1719 : vector<1x1x16xf32> to vector<16xf32>
          %swap3A_1721 = vector.shape_cast %get3A_1714 : vector<16xf32> to vector<1x1x16xf32>
          tpu.vector_store %arg11[%swap3A_1716, %swap3A_1717, %swap3A_1718], %swap3A_1721 {strides = array<i32>} : memref<4x50x100xf32, #tpu.memory_space<vmem>>, vector<1x1x16xf32>,
          %get3A_1722 = arith.constant 2 : i32
          %get3A_1723 = arith.index_cast %get3A_1722 : i32 to index
          %get3A_1724 = arith.index_cast %add3A_1241 : i32 to index
          %get3A_1725 = arith.constant 64 : index
          %get3A_1726 = tpu.vector_load %arg10[%get3A_1723, %get3A_1724, %get3A_1725] {strides = array<i32>} : memref<4x50x128xf32, #tpu.memory_space<vmem>>, vector<1x1x16xf32>,
          %get3A_1727 = vector.shape_cast %get3A_1726 : vector<1x1x16xf32> to vector<16xf32>
          %swap3A_1728 = arith.constant 2 : i32
          %swap3A_1729 = arith.index_cast %swap3A_1728 : i32 to index
          %swap3A_1730 = arith.index_cast %add3A_1241 : i32 to index
          %swap3A_1731 = arith.constant 64 : index
          %swap3A_1732 = tpu.vector_load %arg12[%swap3A_1729, %swap3A_1730, %swap3A_1731] {strides = array<i32>} : memref<4x50x100xf32, #tpu.memory_space<vmem>>, vector<1x1x16xf32>,
          %swap3A_1733 = vector.shape_cast %swap3A_1732 : vector<1x1x16xf32> to vector<16xf32>
          %swap3A_1734 = vector.shape_cast %get3A_1727 : vector<16xf32> to vector<1x1x16xf32>
          tpu.vector_store %arg12[%swap3A_1729, %swap3A_1730, %swap3A_1731], %swap3A_1734 {strides = array<i32>} : memref<4x50x100xf32, #tpu.memory_space<vmem>>, vector<1x1x16xf32>,
          %get3A_1735 = arith.constant 2 : i32
          %get3A_1736 = arith.index_cast %get3A_1735 : i32 to index
          %get3A_1737 = arith.index_cast %add3A_1241 : i32 to index
          %get3A_1738 = arith.constant 80 : index
          %get3A_1739 = tpu.vector_load %arg9[%get3A_1736, %get3A_1737, %get3A_1738] {strides = array<i32>} : memref<4x50x128xf32, #tpu.memory_space<vmem>>, vector<1x1x16xf32>,
          %get3A_1740 = vector.shape_cast %get3A_1739 : vector<1x1x16xf32> to vector<16xf32>
          %swap3A_1741 = arith.constant 2 : i32
          %swap3A_1742 = arith.index_cast %swap3A_1741 : i32 to index
          %swap3A_1743 = arith.index_cast %add3A_1241 : i32 to index
          %swap3A_1744 = arith.constant 80 : index
          %swap3A_1745 = tpu.vector_load %arg11[%swap3A_1742, %swap3A_1743, %swap3A_1744] {strides = array<i32>} : memref<4x50x100xf32, #tpu.memory_space<vmem>>, vector<1x1x16xf32>,
          %swap3A_1746 = vector.shape_cast %swap3A_1745 : vector<1x1x16xf32> to vector<16xf32>
          %swap3A_1747 = vector.shape_cast %get3A_1740 : vector<16xf32> to vector<1x1x16xf32>
          tpu.vector_store %arg11[%swap3A_1742, %swap3A_1743, %swap3A_1744], %swap3A_1747 {strides = array<i32>} : memref<4x50x100xf32, #tpu.memory_space<vmem>>, vector<1x1x16xf32>,
          %get3A_1748 = arith.constant 2 : i32
          %get3A_1749 = arith.index_cast %get3A_1748 : i32 to index
          %get3A_1750 = arith.index_cast %add3A_1241 : i32 to index
          %get3A_1751 = arith.constant 80 : index
          %get3A_1752 = tpu.vector_load %arg10[%get3A_1749, %get3A_1750, %get3A_1751] {strides = array<i32>} : memref<4x50x128xf32, #tpu.memory_space<vmem>>, vector<1x1x16xf32>,
          %get3A_1753 = vector.shape_cast %get3A_1752 : vector<1x1x16xf32> to vector<16xf32>
          %swap3A_1754 = arith.constant 2 : i32
          %swap3A_1755 = arith.index_cast %swap3A_1754 : i32 to index
          %swap3A_1756 = arith.index_cast %add3A_1241 : i32 to index
          %swap3A_1757 = arith.constant 80 : index
          %swap3A_1758 = tpu.vector_load %arg12[%swap3A_1755, %swap3A_1756, %swap3A_1757] {strides = array<i32>} : memref<4x50x100xf32, #tpu.memory_space<vmem>>, vector<1x1x16xf32>,
          %swap3A_1759 = vector.shape_cast %swap3A_1758 : vector<1x1x16xf32> to vector<16xf32>
          %swap3A_1760 = vector.shape_cast %get3A_1753 : vector<16xf32> to vector<1x1x16xf32>
          tpu.vector_store %arg12[%swap3A_1755, %swap3A_1756, %swap3A_1757], %swap3A_1760 {strides = array<i32>} : memref<4x50x100xf32, #tpu.memory_space<vmem>>, vector<1x1x16xf32>,
          %get3A_1761 = arith.constant 2 : i32
          %get3A_1762 = arith.index_cast %get3A_1761 : i32 to index
          %get3A_1763 = arith.index_cast %add3A_1241 : i32 to index
          %get3A_1764 = arith.constant 84 : index
          %get3A_1765 = tpu.vector_load %arg9[%get3A_1762, %get3A_1763, %get3A_1764] {strides = array<i32>} : memref<4x50x128xf32, #tpu.memory_space<vmem>>, vector<1x1x16xf32>,
          %get3A_1766 = vector.shape_cast %get3A_1765 : vector<1x1x16xf32> to vector<16xf32>
          %swap3A_1767 = arith.constant 2 : i32
          %swap3A_1768 = arith.index_cast %swap3A_1767 : i32 to index
          %swap3A_1769 = arith.index_cast %add3A_1241 : i32 to index
          %swap3A_1770 = arith.constant 84 : index
          %swap3A_1771 = tpu.vector_load %arg11[%swap3A_1768, %swap3A_1769, %swap3A_1770] {strides = array<i32>} : memref<4x50x100xf32, #tpu.memory_space<vmem>>, vector<1x1x16xf32>,
          %swap3A_1772 = vector.shape_cast %swap3A_1771 : vector<1x1x16xf32> to vector<16xf32>
          %swap3A_1773 = vector.shape_cast %get3A_1766 : vector<16xf32> to vector<1x1x16xf32>
          tpu.vector_store %arg11[%swap3A_1768, %swap3A_1769, %swap3A_1770], %swap3A_1773 {strides = array<i32>} : memref<4x50x100xf32, #tpu.memory_space<vmem>>, vector<1x1x16xf32>,
          %get3A_1774 = arith.constant 2 : i32
          %get3A_1775 = arith.index_cast %get3A_1774 : i32 to index
          %get3A_1776 = arith.index_cast %add3A_1241 : i32 to index
          %get3A_1777 = arith.constant 84 : index
          %get3A_1778 = tpu.vector_load %arg10[%get3A_1775, %get3A_1776, %get3A_1777] {strides = array<i32>} : memref<4x50x128xf32, #tpu.memory_space<vmem>>, vector<1x1x16xf32>,
          %get3A_1779 = vector.shape_cast %get3A_1778 : vector<1x1x16xf32> to vector<16xf32>
          %swap3A_1780 = arith.constant 2 : i32
          %swap3A_1781 = arith.index_cast %swap3A_1780 : i32 to index
          %swap3A_1782 = arith.index_cast %add3A_1241 : i32 to index
          %swap3A_1783 = arith.constant 84 : index
          %swap3A_1784 = tpu.vector_load %arg12[%swap3A_1781, %swap3A_1782, %swap3A_1783] {strides = array<i32>} : memref<4x50x100xf32, #tpu.memory_space<vmem>>, vector<1x1x16xf32>,
          %swap3A_1785 = vector.shape_cast %swap3A_1784 : vector<1x1x16xf32> to vector<16xf32>
          %swap3A_1786 = vector.shape_cast %get3A_1779 : vector<16xf32> to vector<1x1x16xf32>
          tpu.vector_store %arg12[%swap3A_1781, %swap3A_1782, %swap3A_1783], %swap3A_1786 {strides = array<i32>} : memref<4x50x100xf32, #tpu.memory_space<vmem>>, vector<1x1x16xf32>,
          %get3A_1787 = arith.constant 3 : i32
          %get3A_1788 = arith.index_cast %get3A_1787 : i32 to index
          %get3A_1789 = arith.index_cast %add3A_1241 : i32 to index
          %get3A_1790 = arith.constant 0 : index
          %get3A_1791 = tpu.vector_load %arg9[%get3A_1788, %get3A_1789, %get3A_1790] {strides = array<i32>} : memref<4x50x128xf32, #tpu.memory_space<vmem>>, vector<1x1x16xf32>,
          %get3A_1792 = vector.shape_cast %get3A_1791 : vector<1x1x16xf32> to vector<16xf32>
          %swap3A_1793 = arith.constant 3 : i32
          %swap3A_1794 = arith.index_cast %swap3A_1793 : i32 to index
          %swap3A_1795 = arith.index_cast %add3A_1241 : i32 to index
          %swap3A_1796 = arith.constant 0 : index
          %swap3A_1797 = tpu.vector_load %arg11[%swap3A_1794, %swap3A_1795, %swap3A_1796] {strides = array<i32>} : memref<4x50x100xf32, #tpu.memory_space<vmem>>, vector<1x1x16xf32>,
          %swap3A_1798 = vector.shape_cast %swap3A_1797 : vector<1x1x16xf32> to vector<16xf32>
          %swap3A_1799 = vector.shape_cast %get3A_1792 : vector<16xf32> to vector<1x1x16xf32>
          tpu.vector_store %arg11[%swap3A_1794, %swap3A_1795, %swap3A_1796], %swap3A_1799 {strides = array<i32>} : memref<4x50x100xf32, #tpu.memory_space<vmem>>, vector<1x1x16xf32>,
          %get3A_1800 = arith.constant 3 : i32
          %get3A_1801 = arith.index_cast %get3A_1800 : i32 to index
          %get3A_1802 = arith.index_cast %add3A_1241 : i32 to index
          %get3A_1803 = arith.constant 0 : index
          %get3A_1804 = tpu.vector_load %arg10[%get3A_1801, %get3A_1802, %get3A_1803] {strides = array<i32>} : memref<4x50x128xf32, #tpu.memory_space<vmem>>, vector<1x1x16xf32>,
          %get3A_1805 = vector.shape_cast %get3A_1804 : vector<1x1x16xf32> to vector<16xf32>
          %swap3A_1806 = arith.constant 3 : i32
          %swap3A_1807 = arith.index_cast %swap3A_1806 : i32 to index
          %swap3A_1808 = arith.index_cast %add3A_1241 : i32 to index
          %swap3A_1809 = arith.constant 0 : index
          %swap3A_1810 = tpu.vector_load %arg12[%swap3A_1807, %swap3A_1808, %swap3A_1809] {strides = array<i32>} : memref<4x50x100xf32, #tpu.memory_space<vmem>>, vector<1x1x16xf32>,
          %swap3A_1811 = vector.shape_cast %swap3A_1810 : vector<1x1x16xf32> to vector<16xf32>
          %swap3A_1812 = vector.shape_cast %get3A_1805 : vector<16xf32> to vector<1x1x16xf32>
          tpu.vector_store %arg12[%swap3A_1807, %swap3A_1808, %swap3A_1809], %swap3A_1812 {strides = array<i32>} : memref<4x50x100xf32, #tpu.memory_space<vmem>>, vector<1x1x16xf32>,
          %get3A_1813 = arith.constant 3 : i32
          %get3A_1814 = arith.index_cast %get3A_1813 : i32 to index
          %get3A_1815 = arith.index_cast %add3A_1241 : i32 to index
          %get3A_1816 = arith.constant 16 : index
          %get3A_1817 = tpu.vector_load %arg9[%get3A_1814, %get3A_1815, %get3A_1816] {strides = array<i32>} : memref<4x50x128xf32, #tpu.memory_space<vmem>>, vector<1x1x16xf32>,
          %get3A_1818 = vector.shape_cast %get3A_1817 : vector<1x1x16xf32> to vector<16xf32>
          %swap3A_1819 = arith.constant 3 : i32
          %swap3A_1820 = arith.index_cast %swap3A_1819 : i32 to index
          %swap3A_1821 = arith.index_cast %add3A_1241 : i32 to index
          %swap3A_1822 = arith.constant 16 : index
          %swap3A_1823 = tpu.vector_load %arg11[%swap3A_1820, %swap3A_1821, %swap3A_1822] {strides = array<i32>} : memref<4x50x100xf32, #tpu.memory_space<vmem>>, vector<1x1x16xf32>,
          %swap3A_1824 = vector.shape_cast %swap3A_1823 : vector<1x1x16xf32> to vector<16xf32>
          %swap3A_1825 = vector.shape_cast %get3A_1818 : vector<16xf32> to vector<1x1x16xf32>
          tpu.vector_store %arg11[%swap3A_1820, %swap3A_1821, %swap3A_1822], %swap3A_1825 {strides = array<i32>} : memref<4x50x100xf32, #tpu.memory_space<vmem>>, vector<1x1x16xf32>,
          %get3A_1826 = arith.constant 3 : i32
          %get3A_1827 = arith.index_cast %get3A_1826 : i32 to index
          %get3A_1828 = arith.index_cast %add3A_1241 : i32 to index
          %get3A_1829 = arith.constant 16 : index
          %get3A_1830 = tpu.vector_load %arg10[%get3A_1827, %get3A_1828, %get3A_1829] {strides = array<i32>} : memref<4x50x128xf32, #tpu.memory_space<vmem>>, vector<1x1x16xf32>,
          %get3A_1831 = vector.shape_cast %get3A_1830 : vector<1x1x16xf32> to vector<16xf32>
          %swap3A_1832 = arith.constant 3 : i32
          %swap3A_1833 = arith.index_cast %swap3A_1832 : i32 to index
          %swap3A_1834 = arith.index_cast %add3A_1241 : i32 to index
          %swap3A_1835 = arith.constant 16 : index
          %swap3A_1836 = tpu.vector_load %arg12[%swap3A_1833, %swap3A_1834, %swap3A_1835] {strides = array<i32>} : memref<4x50x100xf32, #tpu.memory_space<vmem>>, vector<1x1x16xf32>,
          %swap3A_1837 = vector.shape_cast %swap3A_1836 : vector<1x1x16xf32> to vector<16xf32>
          %swap3A_1838 = vector.shape_cast %get3A_1831 : vector<16xf32> to vector<1x1x16xf32>
          tpu.vector_store %arg12[%swap3A_1833, %swap3A_1834, %swap3A_1835], %swap3A_1838 {strides = array<i32>} : memref<4x50x100xf32, #tpu.memory_space<vmem>>, vector<1x1x16xf32>,
          %get3A_1839 = arith.constant 3 : i32
          %get3A_1840 = arith.index_cast %get3A_1839 : i32 to index
          %get3A_1841 = arith.index_cast %add3A_1241 : i32 to index
          %get3A_1842 = arith.constant 32 : index
          %get3A_1843 = tpu.vector_load %arg9[%get3A_1840, %get3A_1841, %get3A_1842] {strides = array<i32>} : memref<4x50x128xf32, #tpu.memory_space<vmem>>, vector<1x1x16xf32>,
          %get3A_1844 = vector.shape_cast %get3A_1843 : vector<1x1x16xf32> to vector<16xf32>
          %swap3A_1845 = arith.constant 3 : i32
          %swap3A_1846 = arith.index_cast %swap3A_1845 : i32 to index
          %swap3A_1847 = arith.index_cast %add3A_1241 : i32 to index
          %swap3A_1848 = arith.constant 32 : index
          %swap3A_1849 = tpu.vector_load %arg11[%swap3A_1846, %swap3A_1847, %swap3A_1848] {strides = array<i32>} : memref<4x50x100xf32, #tpu.memory_space<vmem>>, vector<1x1x16xf32>,
          %swap3A_1850 = vector.shape_cast %swap3A_1849 : vector<1x1x16xf32> to vector<16xf32>
          %swap3A_1851 = vector.shape_cast %get3A_1844 : vector<16xf32> to vector<1x1x16xf32>
          tpu.vector_store %arg11[%swap3A_1846, %swap3A_1847, %swap3A_1848], %swap3A_1851 {strides = array<i32>} : memref<4x50x100xf32, #tpu.memory_space<vmem>>, vector<1x1x16xf32>,
          %get3A_1852 = arith.constant 3 : i32
          %get3A_1853 = arith.index_cast %get3A_1852 : i32 to index
          %get3A_1854 = arith.index_cast %add3A_1241 : i32 to index
          %get3A_1855 = arith.constant 32 : index
          %get3A_1856 = tpu.vector_load %arg10[%get3A_1853, %get3A_1854, %get3A_1855] {strides = array<i32>} : memref<4x50x128xf32, #tpu.memory_space<vmem>>, vector<1x1x16xf32>,
          %get3A_1857 = vector.shape_cast %get3A_1856 : vector<1x1x16xf32> to vector<16xf32>
          %swap3A_1858 = arith.constant 3 : i32
          %swap3A_1859 = arith.index_cast %swap3A_1858 : i32 to index
          %swap3A_1860 = arith.index_cast %add3A_1241 : i32 to index
          %swap3A_1861 = arith.constant 32 : index
          %swap3A_1862 = tpu.vector_load %arg12[%swap3A_1859, %swap3A_1860, %swap3A_1861] {strides = array<i32>} : memref<4x50x100xf32, #tpu.memory_space<vmem>>, vector<1x1x16xf32>,
          %swap3A_1863 = vector.shape_cast %swap3A_1862 : vector<1x1x16xf32> to vector<16xf32>
          %swap3A_1864 = vector.shape_cast %get3A_1857 : vector<16xf32> to vector<1x1x16xf32>
          tpu.vector_store %arg12[%swap3A_1859, %swap3A_1860, %swap3A_1861], %swap3A_1864 {strides = array<i32>} : memref<4x50x100xf32, #tpu.memory_space<vmem>>, vector<1x1x16xf32>,
          %get3A_1865 = arith.constant 3 : i32
          %get3A_1866 = arith.index_cast %get3A_1865 : i32 to index
          %get3A_1867 = arith.index_cast %add3A_1241 : i32 to index
          %get3A_1868 = arith.constant 48 : index
          %get3A_1869 = tpu.vector_load %arg9[%get3A_1866, %get3A_1867, %get3A_1868] {strides = array<i32>} : memref<4x50x128xf32, #tpu.memory_space<vmem>>, vector<1x1x16xf32>,
          %get3A_1870 = vector.shape_cast %get3A_1869 : vector<1x1x16xf32> to vector<16xf32>
          %swap3A_1871 = arith.constant 3 : i32
          %swap3A_1872 = arith.index_cast %swap3A_1871 : i32 to index
          %swap3A_1873 = arith.index_cast %add3A_1241 : i32 to index
          %swap3A_1874 = arith.constant 48 : index
          %swap3A_1875 = tpu.vector_load %arg11[%swap3A_1872, %swap3A_1873, %swap3A_1874] {strides = array<i32>} : memref<4x50x100xf32, #tpu.memory_space<vmem>>, vector<1x1x16xf32>,
          %swap3A_1876 = vector.shape_cast %swap3A_1875 : vector<1x1x16xf32> to vector<16xf32>
          %swap3A_1877 = vector.shape_cast %get3A_1870 : vector<16xf32> to vector<1x1x16xf32>
          tpu.vector_store %arg11[%swap3A_1872, %swap3A_1873, %swap3A_1874], %swap3A_1877 {strides = array<i32>} : memref<4x50x100xf32, #tpu.memory_space<vmem>>, vector<1x1x16xf32>,
          %get3A_1878 = arith.constant 3 : i32
          %get3A_1879 = arith.index_cast %get3A_1878 : i32 to index
          %get3A_1880 = arith.index_cast %add3A_1241 : i32 to index
          %get3A_1881 = arith.constant 48 : index
          %get3A_1882 = tpu.vector_load %arg10[%get3A_1879, %get3A_1880, %get3A_1881] {strides = array<i32>} : memref<4x50x128xf32, #tpu.memory_space<vmem>>, vector<1x1x16xf32>,
          %get3A_1883 = vector.shape_cast %get3A_1882 : vector<1x1x16xf32> to vector<16xf32>
          %swap3A_1884 = arith.constant 3 : i32
          %swap3A_1885 = arith.index_cast %swap3A_1884 : i32 to index
          %swap3A_1886 = arith.index_cast %add3A_1241 : i32 to index
          %swap3A_1887 = arith.constant 48 : index
          %swap3A_1888 = tpu.vector_load %arg12[%swap3A_1885, %swap3A_1886, %swap3A_1887] {strides = array<i32>} : memref<4x50x100xf32, #tpu.memory_space<vmem>>, vector<1x1x16xf32>,
          %swap3A_1889 = vector.shape_cast %swap3A_1888 : vector<1x1x16xf32> to vector<16xf32>
          %swap3A_1890 = vector.shape_cast %get3A_1883 : vector<16xf32> to vector<1x1x16xf32>
          tpu.vector_store %arg12[%swap3A_1885, %swap3A_1886, %swap3A_1887], %swap3A_1890 {strides = array<i32>} : memref<4x50x100xf32, #tpu.memory_space<vmem>>, vector<1x1x16xf32>,
          %get3A_1891 = arith.constant 3 : i32
          %get3A_1892 = arith.index_cast %get3A_1891 : i32 to index
          %get3A_1893 = arith.index_cast %add3A_1241 : i32 to index
          %get3A_1894 = arith.constant 64 : index
          %get3A_1895 = tpu.vector_load %arg9[%get3A_1892, %get3A_1893, %get3A_1894] {strides = array<i32>} : memref<4x50x128xf32, #tpu.memory_space<vmem>>, vector<1x1x16xf32>,
          %get3A_1896 = vector.shape_cast %get3A_1895 : vector<1x1x16xf32> to vector<16xf32>
          %swap3A_1897 = arith.constant 3 : i32
          %swap3A_1898 = arith.index_cast %swap3A_1897 : i32 to index
          %swap3A_1899 = arith.index_cast %add3A_1241 : i32 to index
          %swap3A_1900 = arith.constant 64 : index
          %swap3A_1901 = tpu.vector_load %arg11[%swap3A_1898, %swap3A_1899, %swap3A_1900] {strides = array<i32>} : memref<4x50x100xf32, #tpu.memory_space<vmem>>, vector<1x1x16xf32>,
          %swap3A_1902 = vector.shape_cast %swap3A_1901 : vector<1x1x16xf32> to vector<16xf32>
          %swap3A_1903 = vector.shape_cast %get3A_1896 : vector<16xf32> to vector<1x1x16xf32>
          tpu.vector_store %arg11[%swap3A_1898, %swap3A_1899, %swap3A_1900], %swap3A_1903 {strides = array<i32>} : memref<4x50x100xf32, #tpu.memory_space<vmem>>, vector<1x1x16xf32>,
          %get3A_1904 = arith.constant 3 : i32
          %get3A_1905 = arith.index_cast %get3A_1904 : i32 to index
          %get3A_1906 = arith.index_cast %add3A_1241 : i32 to index
          %get3A_1907 = arith.constant 64 : index
          %get3A_1908 = tpu.vector_load %arg10[%get3A_1905, %get3A_1906, %get3A_1907] {strides = array<i32>} : memref<4x50x128xf32, #tpu.memory_space<vmem>>, vector<1x1x16xf32>,
          %get3A_1909 = vector.shape_cast %get3A_1908 : vector<1x1x16xf32> to vector<16xf32>
          %swap3A_1910 = arith.constant 3 : i32
          %swap3A_1911 = arith.index_cast %swap3A_1910 : i32 to index
          %swap3A_1912 = arith.index_cast %add3A_1241 : i32 to index
          %swap3A_1913 = arith.constant 64 : index
          %swap3A_1914 = tpu.vector_load %arg12[%swap3A_1911, %swap3A_1912, %swap3A_1913] {strides = array<i32>} : memref<4x50x100xf32, #tpu.memory_space<vmem>>, vector<1x1x16xf32>,
          %swap3A_1915 = vector.shape_cast %swap3A_1914 : vector<1x1x16xf32> to vector<16xf32>
          %swap3A_1916 = vector.shape_cast %get3A_1909 : vector<16xf32> to vector<1x1x16xf32>
          tpu.vector_store %arg12[%swap3A_1911, %swap3A_1912, %swap3A_1913], %swap3A_1916 {strides = array<i32>} : memref<4x50x100xf32, #tpu.memory_space<vmem>>, vector<1x1x16xf32>,
          %get3A_1917 = arith.constant 3 : i32
          %get3A_1918 = arith.index_cast %get3A_1917 : i32 to index
          %get3A_1919 = arith.index_cast %add3A_1241 : i32 to index
          %get3A_1920 = arith.constant 80 : index
          %get3A_1921 = tpu.vector_load %arg9[%get3A_1918, %get3A_1919, %get3A_1920] {strides = array<i32>} : memref<4x50x128xf32, #tpu.memory_space<vmem>>, vector<1x1x16xf32>,
          %get3A_1922 = vector.shape_cast %get3A_1921 : vector<1x1x16xf32> to vector<16xf32>
          %swap3A_1923 = arith.constant 3 : i32
          %swap3A_1924 = arith.index_cast %swap3A_1923 : i32 to index
          %swap3A_1925 = arith.index_cast %add3A_1241 : i32 to index
          %swap3A_1926 = arith.constant 80 : index
          %swap3A_1927 = tpu.vector_load %arg11[%swap3A_1924, %swap3A_1925, %swap3A_1926] {strides = array<i32>} : memref<4x50x100xf32, #tpu.memory_space<vmem>>, vector<1x1x16xf32>,
          %swap3A_1928 = vector.shape_cast %swap3A_1927 : vector<1x1x16xf32> to vector<16xf32>
          %swap3A_1929 = vector.shape_cast %get3A_1922 : vector<16xf32> to vector<1x1x16xf32>
          tpu.vector_store %arg11[%swap3A_1924, %swap3A_1925, %swap3A_1926], %swap3A_1929 {strides = array<i32>} : memref<4x50x100xf32, #tpu.memory_space<vmem>>, vector<1x1x16xf32>,
          %get3A_1930 = arith.constant 3 : i32
          %get3A_1931 = arith.index_cast %get3A_1930 : i32 to index
          %get3A_1932 = arith.index_cast %add3A_1241 : i32 to index
          %get3A_1933 = arith.constant 80 : index
          %get3A_1934 = tpu.vector_load %arg10[%get3A_1931, %get3A_1932, %get3A_1933] {strides = array<i32>} : memref<4x50x128xf32, #tpu.memory_space<vmem>>, vector<1x1x16xf32>,
          %get3A_1935 = vector.shape_cast %get3A_1934 : vector<1x1x16xf32> to vector<16xf32>
          %swap3A_1936 = arith.constant 3 : i32
          %swap3A_1937 = arith.index_cast %swap3A_1936 : i32 to index
          %swap3A_1938 = arith.index_cast %add3A_1241 : i32 to index
          %swap3A_1939 = arith.constant 80 : index
          %swap3A_1940 = tpu.vector_load %arg12[%swap3A_1937, %swap3A_1938, %swap3A_1939] {strides = array<i32>} : memref<4x50x100xf32, #tpu.memory_space<vmem>>, vector<1x1x16xf32>,
          %swap3A_1941 = vector.shape_cast %swap3A_1940 : vector<1x1x16xf32> to vector<16xf32>
          %swap3A_1942 = vector.shape_cast %get3A_1935 : vector<16xf32> to vector<1x1x16xf32>
          tpu.vector_store %arg12[%swap3A_1937, %swap3A_1938, %swap3A_1939], %swap3A_1942 {strides = array<i32>} : memref<4x50x100xf32, #tpu.memory_space<vmem>>, vector<1x1x16xf32>,
          %get3A_1943 = arith.constant 3 : i32
          %get3A_1944 = arith.index_cast %get3A_1943 : i32 to index
          %get3A_1945 = arith.index_cast %add3A_1241 : i32 to index
          %get3A_1946 = arith.constant 84 : index
          %get3A_1947 = tpu.vector_load %arg9[%get3A_1944, %get3A_1945, %get3A_1946] {strides = array<i32>} : memref<4x50x128xf32, #tpu.memory_space<vmem>>, vector<1x1x16xf32>,
          %get3A_1948 = vector.shape_cast %get3A_1947 : vector<1x1x16xf32> to vector<16xf32>
          %swap3A_1949 = arith.constant 3 : i32
          %swap3A_1950 = arith.index_cast %swap3A_1949 : i32 to index
          %swap3A_1951 = arith.index_cast %add3A_1241 : i32 to index
          %swap3A_1952 = arith.constant 84 : index
          %swap3A_1953 = tpu.vector_load %arg11[%swap3A_1950, %swap3A_1951, %swap3A_1952] {strides = array<i32>} : memref<4x50x100xf32, #tpu.memory_space<vmem>>, vector<1x1x16xf32>,
          %swap3A_1954 = vector.shape_cast %swap3A_1953 : vector<1x1x16xf32> to vector<16xf32>
          %swap3A_1955 = vector.shape_cast %get3A_1948 : vector<16xf32> to vector<1x1x16xf32>
          tpu.vector_store %arg11[%swap3A_1950, %swap3A_1951, %swap3A_1952], %swap3A_1955 {strides = array<i32>} : memref<4x50x100xf32, #tpu.memory_space<vmem>>, vector<1x1x16xf32>,
          %get3A_1956 = arith.constant 3 : i32
          %get3A_1957 = arith.index_cast %get3A_1956 : i32 to index
          %get3A_1958 = arith.index_cast %add3A_1241 : i32 to index
          %get3A_1959 = arith.constant 84 : index
          %get3A_1960 = tpu.vector_load %arg10[%get3A_1957, %get3A_1958, %get3A_1959] {strides = array<i32>} : memref<4x50x128xf32, #tpu.memory_space<vmem>>, vector<1x1x16xf32>,
          %get3A_1961 = vector.shape_cast %get3A_1960 : vector<1x1x16xf32> to vector<16xf32>
          %swap3A_1962 = arith.constant 3 : i32
          %swap3A_1963 = arith.index_cast %swap3A_1962 : i32 to index
          %swap3A_1964 = arith.index_cast %add3A_1241 : i32 to index
          %swap3A_1965 = arith.constant 84 : index
          %swap3A_1966 = tpu.vector_load %arg12[%swap3A_1963, %swap3A_1964, %swap3A_1965] {strides = array<i32>} : memref<4x50x100xf32, #tpu.memory_space<vmem>>, vector<1x1x16xf32>,
          %swap3A_1967 = vector.shape_cast %swap3A_1966 : vector<1x1x16xf32> to vector<16xf32>
          %swap3A_1968 = vector.shape_cast %get3A_1961 : vector<16xf32> to vector<1x1x16xf32>
          tpu.vector_store %arg12[%swap3A_1963, %swap3A_1964, %swap3A_1965], %swap3A_1968 {strides = array<i32>} : memref<4x50x100xf32, #tpu.memory_space<vmem>>, vector<1x1x16xf32>,
        }
        %scan3A_977 = arith.constant 50 : i32
        %add3A_978 = arith.constant 0 : i32
        %add3A_979 = arith.addi %mul3A_572, %add3A_978 : i32
        %add3A_980 = arith.constant 0 : i32
        %add3A_981 = arith.addi %mul3A_572, %add3A_980 : i32
        %add3A_982 = arith.constant 1 : i32
        %add3A_983 = arith.addi %mul3A_572, %add3A_982 : i32
        %add3A_984 = arith.constant 1 : i32
        %add3A_985 = arith.addi %mul3A_572, %add3A_984 : i32
        %add3A_986 = arith.constant 2 : i32
        %add3A_987 = arith.addi %mul3A_572, %add3A_986 : i32
        %add3A_988 = arith.constant 2 : i32
        %add3A_989 = arith.addi %mul3A_572, %add3A_988 : i32
        %add3A_990 = arith.constant 3 : i32
        %add3A_991 = arith.addi %mul3A_572, %add3A_990 : i32
        %add3A_992 = arith.constant 3 : i32
        %add3A_993 = arith.addi %mul3A_572, %add3A_992 : i32
        %dma_start3A_994 = arith.constant 0 : i32
        %dma_start3A_995 = arith.constant 0 : i32
        %dma_start3A_996 = arith.constant 0 : i32
        %dma_start3A_997 = tpu.memref_slice %arg11[%dma_start3A_994, %dma_start3A_995, %dma_start3A_996] : memref<4x50x100xf32, #tpu.memory_space<vmem>> -> memref<1x50x100xf32, #tpu.memory_space<vmem>>
        %dma_start3A_998 = tpu.memref_squeeze %dma_start3A_997 : memref<1x50x100xf32, #tpu.memory_space<vmem>> -> memref<50x100xf32, #tpu.memory_space<vmem>>
        %dma_start3A_999 = arith.constant 0 : i32
        %dma_start3A_1000 = arith.constant 0 : i32
        %dma_start3A_1001 = tpu.memref_slice %arg7[%add3A_979, %dma_start3A_999, %dma_start3A_1000] : memref<4096x50x100xf32, #tpu.memory_space<hbm>> -> memref<1x50x100xf32, #tpu.memory_space<hbm>>
        %dma_start3A_1002 = tpu.memref_squeeze %dma_start3A_1001 : memref<1x50x100xf32, #tpu.memory_space<hbm>> -> memref<50x100xf32, #tpu.memory_space<hbm>>
        %dma_start3A_1003 = arith.constant 0 : i32
        %dma_start3A_1004 = arith.constant 0 : i32
        %dma_start3A_1005 = tpu.memref_slice %arg7[%add3A_979, %dma_start3A_1003, %dma_start3A_1004] : memref<4096x50x100xf32, #tpu.memory_space<hbm>> -> memref<1x50x100xf32, #tpu.memory_space<hbm>>
        %dma_start3A_1006 = tpu.memref_squeeze %dma_start3A_1005 : memref<1x50x100xf32, #tpu.memory_space<hbm>> -> memref<50x100xf32, #tpu.memory_space<hbm>>
        %dma_start3A_1007 = arith.constant 0 : i32
        %dma_start3A_1008 = arith.constant 0 : i32
        %dma_start3A_1009 = tpu.memref_slice %arg11[%dma_start3A_994, %dma_start3A_1007, %dma_start3A_1008] : memref<4x50x100xf32, #tpu.memory_space<vmem>> -> memref<1x50x100xf32, #tpu.memory_space<vmem>>
        %dma_start3A_1010 = tpu.memref_squeeze %dma_start3A_1009 : memref<1x50x100xf32, #tpu.memory_space<vmem>> -> memref<50x100xf32, #tpu.memory_space<vmem>>
        tpu.enqueue_dma source(%dma_start3A_1010 : memref<50x100xf32, #tpu.memory_space<vmem>>) target(%dma_start3A_1006 : memref<50x100xf32, #tpu.memory_space<hbm>>) target_semaphore(%arg14 : memref<!tpu.dma_semaphore, #tpu.memory_space<semaphore_mem>>)
        %dma_start3A_1011 = arith.constant 0 : i32
        %dma_start3A_1012 = arith.constant 0 : i32
        %dma_start3A_1013 = arith.constant 0 : i32
        %dma_start3A_1014 = tpu.memref_slice %arg12[%dma_start3A_1011, %dma_start3A_1012, %dma_start3A_1013] : memref<4x50x100xf32, #tpu.memory_space<vmem>> -> memref<1x50x100xf32, #tpu.memory_space<vmem>>
        %dma_start3A_1015 = tpu.memref_squeeze %dma_start3A_1014 : memref<1x50x100xf32, #tpu.memory_space<vmem>> -> memref<50x100xf32, #tpu.memory_space<vmem>>
        %dma_start3A_1016 = arith.constant 0 : i32
        %dma_start3A_1017 = arith.constant 0 : i32
        %dma_start3A_1018 = tpu.memref_slice %arg8[%add3A_981, %dma_start3A_1016, %dma_start3A_1017] : memref<4096x50x100xf32, #tpu.memory_space<hbm>> -> memref<1x50x100xf32, #tpu.memory_space<hbm>>
        %dma_start3A_1019 = tpu.memref_squeeze %dma_start3A_1018 : memref<1x50x100xf32, #tpu.memory_space<hbm>> -> memref<50x100xf32, #tpu.memory_space<hbm>>
        %dma_start3A_1020 = arith.constant 0 : i32
        %dma_start3A_1021 = arith.constant 0 : i32
        %dma_start3A_1022 = tpu.memref_slice %arg8[%add3A_981, %dma_start3A_1020, %dma_start3A_1021] : memref<4096x50x100xf32, #tpu.memory_space<hbm>> -> memref<1x50x100xf32, #tpu.memory_space<hbm>>
        %dma_start3A_1023 = tpu.memref_squeeze %dma_start3A_1022 : memref<1x50x100xf32, #tpu.memory_space<hbm>> -> memref<50x100xf32, #tpu.memory_space<hbm>>
        %dma_start3A_1024 = arith.constant 0 : i32
        %dma_start3A_1025 = arith.constant 0 : i32
        %dma_start3A_1026 = tpu.memref_slice %arg12[%dma_start3A_1011, %dma_start3A_1024, %dma_start3A_1025] : memref<4x50x100xf32, #tpu.memory_space<vmem>> -> memref<1x50x100xf32, #tpu.memory_space<vmem>>
        %dma_start3A_1027 = tpu.memref_squeeze %dma_start3A_1026 : memref<1x50x100xf32, #tpu.memory_space<vmem>> -> memref<50x100xf32, #tpu.memory_space<vmem>>
        tpu.enqueue_dma source(%dma_start3A_1027 : memref<50x100xf32, #tpu.memory_space<vmem>>) target(%dma_start3A_1023 : memref<50x100xf32, #tpu.memory_space<hbm>>) target_semaphore(%arg14 : memref<!tpu.dma_semaphore, #tpu.memory_space<semaphore_mem>>)
        %dma_start3A_1028 = arith.constant 1 : i32
        %dma_start3A_1029 = arith.constant 0 : i32
        %dma_start3A_1030 = arith.constant 0 : i32
        %dma_start3A_1031 = tpu.memref_slice %arg11[%dma_start3A_1028, %dma_start3A_1029, %dma_start3A_1030] : memref<4x50x100xf32, #tpu.memory_space<vmem>> -> memref<1x50x100xf32, #tpu.memory_space<vmem>>
        %dma_start3A_1032 = tpu.memref_squeeze %dma_start3A_1031 : memref<1x50x100xf32, #tpu.memory_space<vmem>> -> memref<50x100xf32, #tpu.memory_space<vmem>>
        %dma_start3A_1033 = arith.constant 0 : i32
        %dma_start3A_1034 = arith.constant 0 : i32
        %dma_start3A_1035 = tpu.memref_slice %arg7[%add3A_983, %dma_start3A_1033, %dma_start3A_1034] : memref<4096x50x100xf32, #tpu.memory_space<hbm>> -> memref<1x50x100xf32, #tpu.memory_space<hbm>>
        %dma_start3A_1036 = tpu.memref_squeeze %dma_start3A_1035 : memref<1x50x100xf32, #tpu.memory_space<hbm>> -> memref<50x100xf32, #tpu.memory_space<hbm>>
        %dma_start3A_1037 = arith.constant 0 : i32
        %dma_start3A_1038 = arith.constant 0 : i32
        %dma_start3A_1039 = tpu.memref_slice %arg7[%add3A_983, %dma_start3A_1037, %dma_start3A_1038] : memref<4096x50x100xf32, #tpu.memory_space<hbm>> -> memref<1x50x100xf32, #tpu.memory_space<hbm>>
        %dma_start3A_1040 = tpu.memref_squeeze %dma_start3A_1039 : memref<1x50x100xf32, #tpu.memory_space<hbm>> -> memref<50x100xf32, #tpu.memory_space<hbm>>
        %dma_start3A_1041 = arith.constant 0 : i32
        %dma_start3A_1042 = arith.constant 0 : i32
        %dma_start3A_1043 = tpu.memref_slice %arg11[%dma_start3A_1028, %dma_start3A_1041, %dma_start3A_1042] : memref<4x50x100xf32, #tpu.memory_space<vmem>> -> memref<1x50x100xf32, #tpu.memory_space<vmem>>
        %dma_start3A_1044 = tpu.memref_squeeze %dma_start3A_1043 : memref<1x50x100xf32, #tpu.memory_space<vmem>> -> memref<50x100xf32, #tpu.memory_space<vmem>>
        tpu.enqueue_dma source(%dma_start3A_1044 : memref<50x100xf32, #tpu.memory_space<vmem>>) target(%dma_start3A_1040 : memref<50x100xf32, #tpu.memory_space<hbm>>) target_semaphore(%arg14 : memref<!tpu.dma_semaphore, #tpu.memory_space<semaphore_mem>>)
        %dma_start3A_1045 = arith.constant 1 : i32
        %dma_start3A_1046 = arith.constant 0 : i32
        %dma_start3A_1047 = arith.constant 0 : i32
        %dma_start3A_1048 = tpu.memref_slice %arg12[%dma_start3A_1045, %dma_start3A_1046, %dma_start3A_1047] : memref<4x50x100xf32, #tpu.memory_space<vmem>> -> memref<1x50x100xf32, #tpu.memory_space<vmem>>
        %dma_start3A_1049 = tpu.memref_squeeze %dma_start3A_1048 : memref<1x50x100xf32, #tpu.memory_space<vmem>> -> memref<50x100xf32, #tpu.memory_space<vmem>>
        %dma_start3A_1050 = arith.constant 0 : i32
        %dma_start3A_1051 = arith.constant 0 : i32
        %dma_start3A_1052 = tpu.memref_slice %arg8[%add3A_985, %dma_start3A_1050, %dma_start3A_1051] : memref<4096x50x100xf32, #tpu.memory_space<hbm>> -> memref<1x50x100xf32, #tpu.memory_space<hbm>>
        %dma_start3A_1053 = tpu.memref_squeeze %dma_start3A_1052 : memref<1x50x100xf32, #tpu.memory_space<hbm>> -> memref<50x100xf32, #tpu.memory_space<hbm>>
        %dma_start3A_1054 = arith.constant 0 : i32
        %dma_start3A_1055 = arith.constant 0 : i32
        %dma_start3A_1056 = tpu.memref_slice %arg8[%add3A_985, %dma_start3A_1054, %dma_start3A_1055] : memref<4096x50x100xf32, #tpu.memory_space<hbm>> -> memref<1x50x100xf32, #tpu.memory_space<hbm>>
        %dma_start3A_1057 = tpu.memref_squeeze %dma_start3A_1056 : memref<1x50x100xf32, #tpu.memory_space<hbm>> -> memref<50x100xf32, #tpu.memory_space<hbm>>
        %dma_start3A_1058 = arith.constant 0 : i32
        %dma_start3A_1059 = arith.constant 0 : i32
        %dma_start3A_1060 = tpu.memref_slice %arg12[%dma_start3A_1045, %dma_start3A_1058, %dma_start3A_1059] : memref<4x50x100xf32, #tpu.memory_space<vmem>> -> memref<1x50x100xf32, #tpu.memory_space<vmem>>
        %dma_start3A_1061 = tpu.memref_squeeze %dma_start3A_1060 : memref<1x50x100xf32, #tpu.memory_space<vmem>> -> memref<50x100xf32, #tpu.memory_space<vmem>>
        tpu.enqueue_dma source(%dma_start3A_1061 : memref<50x100xf32, #tpu.memory_space<vmem>>) target(%dma_start3A_1057 : memref<50x100xf32, #tpu.memory_space<hbm>>) target_semaphore(%arg14 : memref<!tpu.dma_semaphore, #tpu.memory_space<semaphore_mem>>)
        %dma_start3A_1062 = arith.constant 2 : i32
        %dma_start3A_1063 = arith.constant 0 : i32
        %dma_start3A_1064 = arith.constant 0 : i32
        %dma_start3A_1065 = tpu.memref_slice %arg11[%dma_start3A_1062, %dma_start3A_1063, %dma_start3A_1064] : memref<4x50x100xf32, #tpu.memory_space<vmem>> -> memref<1x50x100xf32, #tpu.memory_space<vmem>>
        %dma_start3A_1066 = tpu.memref_squeeze %dma_start3A_1065 : memref<1x50x100xf32, #tpu.memory_space<vmem>> -> memref<50x100xf32, #tpu.memory_space<vmem>>
        %dma_start3A_1067 = arith.constant 0 : i32
        %dma_start3A_1068 = arith.constant 0 : i32
        %dma_start3A_1069 = tpu.memref_slice %arg7[%add3A_987, %dma_start3A_1067, %dma_start3A_1068] : memref<4096x50x100xf32, #tpu.memory_space<hbm>> -> memref<1x50x100xf32, #tpu.memory_space<hbm>>
        %dma_start3A_1070 = tpu.memref_squeeze %dma_start3A_1069 : memref<1x50x100xf32, #tpu.memory_space<hbm>> -> memref<50x100xf32, #tpu.memory_space<hbm>>
        %dma_start3A_1071 = arith.constant 0 : i32
        %dma_start3A_1072 = arith.constant 0 : i32
        %dma_start3A_1073 = tpu.memref_slice %arg7[%add3A_987, %dma_start3A_1071, %dma_start3A_1072] : memref<4096x50x100xf32, #tpu.memory_space<hbm>> -> memref<1x50x100xf32, #tpu.memory_space<hbm>>
        %dma_start3A_1074 = tpu.memref_squeeze %dma_start3A_1073 : memref<1x50x100xf32, #tpu.memory_space<hbm>> -> memref<50x100xf32, #tpu.memory_space<hbm>>
        %dma_start3A_1075 = arith.constant 0 : i32
        %dma_start3A_1076 = arith.constant 0 : i32
        %dma_start3A_1077 = tpu.memref_slice %arg11[%dma_start3A_1062, %dma_start3A_1075, %dma_start3A_1076] : memref<4x50x100xf32, #tpu.memory_space<vmem>> -> memref<1x50x100xf32, #tpu.memory_space<vmem>>
        %dma_start3A_1078 = tpu.memref_squeeze %dma_start3A_1077 : memref<1x50x100xf32, #tpu.memory_space<vmem>> -> memref<50x100xf32, #tpu.memory_space<vmem>>
        tpu.enqueue_dma source(%dma_start3A_1078 : memref<50x100xf32, #tpu.memory_space<vmem>>) target(%dma_start3A_1074 : memref<50x100xf32, #tpu.memory_space<hbm>>) target_semaphore(%arg14 : memref<!tpu.dma_semaphore, #tpu.memory_space<semaphore_mem>>)
        %dma_start3A_1079 = arith.constant 2 : i32
        %dma_start3A_1080 = arith.constant 0 : i32
        %dma_start3A_1081 = arith.constant 0 : i32
        %dma_start3A_1082 = tpu.memref_slice %arg12[%dma_start3A_1079, %dma_start3A_1080, %dma_start3A_1081] : memref<4x50x100xf32, #tpu.memory_space<vmem>> -> memref<1x50x100xf32, #tpu.memory_space<vmem>>
        %dma_start3A_1083 = tpu.memref_squeeze %dma_start3A_1082 : memref<1x50x100xf32, #tpu.memory_space<vmem>> -> memref<50x100xf32, #tpu.memory_space<vmem>>
        %dma_start3A_1084 = arith.constant 0 : i32
        %dma_start3A_1085 = arith.constant 0 : i32
        %dma_start3A_1086 = tpu.memref_slice %arg8[%add3A_989, %dma_start3A_1084, %dma_start3A_1085] : memref<4096x50x100xf32, #tpu.memory_space<hbm>> -> memref<1x50x100xf32, #tpu.memory_space<hbm>>
        %dma_start3A_1087 = tpu.memref_squeeze %dma_start3A_1086 : memref<1x50x100xf32, #tpu.memory_space<hbm>> -> memref<50x100xf32, #tpu.memory_space<hbm>>
        %dma_start3A_1088 = arith.constant 0 : i32
        %dma_start3A_1089 = arith.constant 0 : i32
        %dma_start3A_1090 = tpu.memref_slice %arg8[%add3A_989, %dma_start3A_1088, %dma_start3A_1089] : memref<4096x50x100xf32, #tpu.memory_space<hbm>> -> memref<1x50x100xf32, #tpu.memory_space<hbm>>
        %dma_start3A_1091 = tpu.memref_squeeze %dma_start3A_1090 : memref<1x50x100xf32, #tpu.memory_space<hbm>> -> memref<50x100xf32, #tpu.memory_space<hbm>>
        %dma_start3A_1092 = arith.constant 0 : i32
        %dma_start3A_1093 = arith.constant 0 : i32
        %dma_start3A_1094 = tpu.memref_slice %arg12[%dma_start3A_1079, %dma_start3A_1092, %dma_start3A_1093] : memref<4x50x100xf32, #tpu.memory_space<vmem>> -> memref<1x50x100xf32, #tpu.memory_space<vmem>>
        %dma_start3A_1095 = tpu.memref_squeeze %dma_start3A_1094 : memref<1x50x100xf32, #tpu.memory_space<vmem>> -> memref<50x100xf32, #tpu.memory_space<vmem>>
        tpu.enqueue_dma source(%dma_start3A_1095 : memref<50x100xf32, #tpu.memory_space<vmem>>) target(%dma_start3A_1091 : memref<50x100xf32, #tpu.memory_space<hbm>>) target_semaphore(%arg14 : memref<!tpu.dma_semaphore, #tpu.memory_space<semaphore_mem>>)
        %dma_start3A_1096 = arith.constant 3 : i32
        %dma_start3A_1097 = arith.constant 0 : i32
        %dma_start3A_1098 = arith.constant 0 : i32
        %dma_start3A_1099 = tpu.memref_slice %arg11[%dma_start3A_1096, %dma_start3A_1097, %dma_start3A_1098] : memref<4x50x100xf32, #tpu.memory_space<vmem>> -> memref<1x50x100xf32, #tpu.memory_space<vmem>>
        %dma_start3A_1100 = tpu.memref_squeeze %dma_start3A_1099 : memref<1x50x100xf32, #tpu.memory_space<vmem>> -> memref<50x100xf32, #tpu.memory_space<vmem>>
        %dma_start3A_1101 = arith.constant 0 : i32
        %dma_start3A_1102 = arith.constant 0 : i32
        %dma_start3A_1103 = tpu.memref_slice %arg7[%add3A_991, %dma_start3A_1101, %dma_start3A_1102] : memref<4096x50x100xf32, #tpu.memory_space<hbm>> -> memref<1x50x100xf32, #tpu.memory_space<hbm>>
        %dma_start3A_1104 = tpu.memref_squeeze %dma_start3A_1103 : memref<1x50x100xf32, #tpu.memory_space<hbm>> -> memref<50x100xf32, #tpu.memory_space<hbm>>
        %dma_start3A_1105 = arith.constant 0 : i32
        %dma_start3A_1106 = arith.constant 0 : i32
        %dma_start3A_1107 = tpu.memref_slice %arg7[%add3A_991, %dma_start3A_1105, %dma_start3A_1106] : memref<4096x50x100xf32, #tpu.memory_space<hbm>> -> memref<1x50x100xf32, #tpu.memory_space<hbm>>
        %dma_start3A_1108 = tpu.memref_squeeze %dma_start3A_1107 : memref<1x50x100xf32, #tpu.memory_space<hbm>> -> memref<50x100xf32, #tpu.memory_space<hbm>>
        %dma_start3A_1109 = arith.constant 0 : i32
        %dma_start3A_1110 = arith.constant 0 : i32
        %dma_start3A_1111 = tpu.memref_slice %arg11[%dma_start3A_1096, %dma_start3A_1109, %dma_start3A_1110] : memref<4x50x100xf32, #tpu.memory_space<vmem>> -> memref<1x50x100xf32, #tpu.memory_space<vmem>>
        %dma_start3A_1112 = tpu.memref_squeeze %dma_start3A_1111 : memref<1x50x100xf32, #tpu.memory_space<vmem>> -> memref<50x100xf32, #tpu.memory_space<vmem>>
        tpu.enqueue_dma source(%dma_start3A_1112 : memref<50x100xf32, #tpu.memory_space<vmem>>) target(%dma_start3A_1108 : memref<50x100xf32, #tpu.memory_space<hbm>>) target_semaphore(%arg14 : memref<!tpu.dma_semaphore, #tpu.memory_space<semaphore_mem>>)
        %dma_start3A_1113 = arith.constant 3 : i32
        %dma_start3A_1114 = arith.constant 0 : i32
        %dma_start3A_1115 = arith.constant 0 : i32
        %dma_start3A_1116 = tpu.memref_slice %arg12[%dma_start3A_1113, %dma_start3A_1114, %dma_start3A_1115] : memref<4x50x100xf32, #tpu.memory_space<vmem>> -> memref<1x50x100xf32, #tpu.memory_space<vmem>>
        %dma_start3A_1117 = tpu.memref_squeeze %dma_start3A_1116 : memref<1x50x100xf32, #tpu.memory_space<vmem>> -> memref<50x100xf32, #tpu.memory_space<vmem>>
        %dma_start3A_1118 = arith.constant 0 : i32
        %dma_start3A_1119 = arith.constant 0 : i32
        %dma_start3A_1120 = tpu.memref_slice %arg8[%add3A_993, %dma_start3A_1118, %dma_start3A_1119] : memref<4096x50x100xf32, #tpu.memory_space<hbm>> -> memref<1x50x100xf32, #tpu.memory_space<hbm>>
        %dma_start3A_1121 = tpu.memref_squeeze %dma_start3A_1120 : memref<1x50x100xf32, #tpu.memory_space<hbm>> -> memref<50x100xf32, #tpu.memory_space<hbm>>
        %dma_start3A_1122 = arith.constant 0 : i32
        %dma_start3A_1123 = arith.constant 0 : i32
        %dma_start3A_1124 = tpu.memref_slice %arg8[%add3A_993, %dma_start3A_1122, %dma_start3A_1123] : memref<4096x50x100xf32, #tpu.memory_space<hbm>> -> memref<1x50x100xf32, #tpu.memory_space<hbm>>
        %dma_start3A_1125 = tpu.memref_squeeze %dma_start3A_1124 : memref<1x50x100xf32, #tpu.memory_space<hbm>> -> memref<50x100xf32, #tpu.memory_space<hbm>>
        %dma_start3A_1126 = arith.constant 0 : i32
        %dma_start3A_1127 = arith.constant 0 : i32
        %dma_start3A_1128 = tpu.memref_slice %arg12[%dma_start3A_1113, %dma_start3A_1126, %dma_start3A_1127] : memref<4x50x100xf32, #tpu.memory_space<vmem>> -> memref<1x50x100xf32, #tpu.memory_space<vmem>>
        %dma_start3A_1129 = tpu.memref_squeeze %dma_start3A_1128 : memref<1x50x100xf32, #tpu.memory_space<vmem>> -> memref<50x100xf32, #tpu.memory_space<vmem>>
        tpu.enqueue_dma source(%dma_start3A_1129 : memref<50x100xf32, #tpu.memory_space<vmem>>) target(%dma_start3A_1125 : memref<50x100xf32, #tpu.memory_space<hbm>>) target_semaphore(%arg14 : memref<!tpu.dma_semaphore, #tpu.memory_space<semaphore_mem>>)
        "tpu.trace_stop"() : () -> ()
        %ne3A_1130 = arith.cmpi ne, %add3A_455, %add3A_473 : i32
        %or3A_1131 = arith.constant false
        %or3A_1132 = arith.ori %or3A_1131, %ne3A_1130 : i1
        %or3A_1133 = arith.constant false
        %or3A_1134 = arith.ori %or3A_1132, %or3A_1133 : i1
        %or3A_1135 = arith.ori %or3A_1134, %eq3A_454 : i1
        %convert_element_type3A_1136 = arith.extui %or3A_1135 : i1 to i32
        %cond3A_1137 = arith.constant 0 : i32
        %cond3A_1138 = arith.cmpi ne, %convert_element_type3A_1136, %cond3A_1137 : i32
        scf.if %cond3A_1138 {
        } else {
        }
        %and3A_1139 = arith.constant false
        %and3A_1140 = arith.andi %or3A_1135, %and3A_1139 : i1
        %ne3A_1141 = arith.cmpi ne, %add3A_455, %add3A_473 : i32
        %or3A_1142 = arith.constant false
        %or3A_1143 = arith.ori %or3A_1142, %ne3A_1141 : i1
        %or3A_1144 = arith.constant false
        %or3A_1145 = arith.ori %or3A_1143, %or3A_1144 : i1
        %or3A_1146 = arith.ori %or3A_1145, %eq3A_454 : i1
        %convert_element_type3A_1147 = arith.extui %or3A_1146 : i1 to i32
        %cond3A_1148 = arith.constant 0 : i32
        %cond3A_1149 = arith.cmpi ne, %convert_element_type3A_1147, %cond3A_1148 : i32
        scf.if %cond3A_1149 {
        } else {
        }
        %and3A_1150 = arith.constant false
        %and3A_1151 = arith.andi %or3A_1146, %and3A_1150 : i1
        %ne3A_1152 = arith.cmpi ne, %add3A_455, %add3A_473 : i32
        %or3A_1153 = arith.constant false
        %or3A_1154 = arith.ori %or3A_1153, %ne3A_1152 : i1
        %or3A_1155 = arith.constant false
        %or3A_1156 = arith.ori %or3A_1154, %or3A_1155 : i1
        %or3A_1157 = arith.ori %or3A_1156, %eq3A_454 : i1
        %convert_element_type3A_1158 = arith.extui %or3A_1157 : i1 to i32
        %cond3A_1159 = arith.constant 0 : i32
        %cond3A_1160 = arith.cmpi ne, %convert_element_type3A_1158, %cond3A_1159 : i32
        scf.if %cond3A_1160 {
        } else {
        }
        %and3A_1161 = arith.constant false
        %and3A_1162 = arith.andi %or3A_1157, %and3A_1161 : i1
        %ne3A_1163 = arith.cmpi ne, %add3A_455, %add3A_464 : i32
        %or3A_1164 = arith.constant false
        %or3A_1165 = arith.ori %or3A_1164, %ne3A_1163 : i1
        %or3A_1166 = arith.constant false
        %or3A_1167 = arith.ori %or3A_1165, %or3A_1166 : i1
        %not3A_1168 = arith.constant true
        %not3A_1169 = arith.xori %eq3A_452, %not3A_1168 : i1
        %and3A_1170 = arith.andi %or3A_1167, %not3A_1169 : i1
        %convert_element_type3A_1171 = arith.extui %and3A_1170 : i1 to i32
        %cond3A_1172 = arith.constant 0 : i32
        %cond3A_1173 = arith.cmpi ne, %convert_element_type3A_1171, %cond3A_1172 : i32
        scf.if %cond3A_1173 {
        } else {
        }
        %and3A_1174 = arith.constant false
        %and3A_1175 = arith.andi %and3A_1170, %and3A_1174 : i1
        %ne3A_1176 = arith.cmpi ne, %add3A_455, %add3A_464 : i32
        %or3A_1177 = arith.constant false
        %or3A_1178 = arith.ori %or3A_1177, %ne3A_1176 : i1
        %or3A_1179 = arith.constant false
        %or3A_1180 = arith.ori %or3A_1178, %or3A_1179 : i1
        %not3A_1181 = arith.constant true
        %not3A_1182 = arith.xori %eq3A_452, %not3A_1181 : i1
        %and3A_1183 = arith.andi %or3A_1180, %not3A_1182 : i1
        %convert_element_type3A_1184 = arith.extui %and3A_1183 : i1 to i32
        %cond3A_1185 = arith.constant 0 : i32
        %cond3A_1186 = arith.cmpi ne, %convert_element_type3A_1184, %cond3A_1185 : i32
        scf.if %cond3A_1186 {
        } else {
        }
        %and3A_1187 = arith.constant false
        %and3A_1188 = arith.andi %and3A_1183, %and3A_1187 : i1
        %ne3A_1189 = arith.cmpi ne, %add3A_455, %add3A_464 : i32
        %or3A_1190 = arith.constant false
        %or3A_1191 = arith.ori %or3A_1190, %ne3A_1189 : i1
        %or3A_1192 = arith.constant false
        %or3A_1193 = arith.ori %or3A_1191, %or3A_1192 : i1
        %not3A_1194 = arith.constant true
        %not3A_1195 = arith.xori %eq3A_452, %not3A_1194 : i1
        %and3A_1196 = arith.andi %or3A_1193, %not3A_1195 : i1
        %convert_element_type3A_1197 = arith.extui %and3A_1196 : i1 to i32
        %cond3A_1198 = arith.constant 0 : i32
        %cond3A_1199 = arith.cmpi ne, %convert_element_type3A_1197, %cond3A_1198 : i32
        scf.if %cond3A_1199 {
        } else {
        }
        %and3A_1200 = arith.constant false
        %and3A_1201 = arith.andi %and3A_1196, %and3A_1200 : i1
        %ne3A_1202 = arith.cmpi ne, %add3A_455, %add3A_473 : i32
        %or3A_1203 = arith.constant false
        %or3A_1204 = arith.ori %or3A_1203, %ne3A_1202 : i1
        %or3A_1205 = arith.constant false
        %or3A_1206 = arith.ori %or3A_1204, %or3A_1205 : i1
        %or3A_1207 = arith.ori %or3A_1206, %eq3A_454 : i1
        %add3A_1208 = arith.constant 1 : i32
        %add3A_1209 = arith.addi %scan3A_445, %add3A_1208 : i32
        %select_n3A_1210 = arith.select %or3A_1207, %add3A_1209, %scan3A_445 : i32
        %ne3A_1211 = arith.cmpi ne, %add3A_455, %add3A_473 : i32
        %or3A_1212 = arith.constant false
        %or3A_1213 = arith.ori %or3A_1212, %ne3A_1211 : i1
        %or3A_1214 = arith.constant false
        %or3A_1215 = arith.ori %or3A_1213, %or3A_1214 : i1
        %or3A_1216 = arith.ori %or3A_1215, %eq3A_454 : i1
        %add3A_1217 = arith.constant 1 : i32
        %add3A_1218 = arith.addi %scan3A_447, %add3A_1217 : i32
        %select_n3A_1219 = arith.select %or3A_1216, %add3A_1218, %scan3A_447 : i32
        %ne3A_1220 = arith.cmpi ne, %add3A_455, %add3A_473 : i32
        %or3A_1221 = arith.constant false
        %or3A_1222 = arith.ori %or3A_1221, %ne3A_1220 : i1
        %or3A_1223 = arith.constant false
        %or3A_1224 = arith.ori %or3A_1222, %or3A_1223 : i1
        %or3A_1225 = arith.ori %or3A_1224, %eq3A_454 : i1
        %add3A_1226 = arith.constant 1 : i32
        %add3A_1227 = arith.addi %scan3A_449, %add3A_1226 : i32
        %select_n3A_1228 = arith.select %or3A_1225, %add3A_1227, %scan3A_449 : i32
        %add3A_1229 = arith.constant 1 : i32
        %add3A_1230 = arith.addi %scan3A_450, %add3A_1229 : i32
        %select_n3A_1231 = arith.constant true
        %select_n3A_1232 = arith.select %select_n3A_1231, %add3A_1230, %scan3A_450 : i32
        %eq3A_1233 = arith.constant 32 : i32
        %eq3A_1234 = arith.cmpi eq, %select_n3A_1232, %eq3A_1233 : i32
        %select_n3A_1235 = arith.constant 0 : i32
        %select_n3A_1236 = arith.select %eq3A_1234, %select_n3A_1235, %select_n3A_1232 : i32
        scf.yield %select_n3A_493, %select_n3A_1210, %select_n3A_511, %select_n3A_1219, %select_n3A_529, %select_n3A_1228, %select_n3A_1236 : i32, i32, i32, i32, i32, i32, i32
      }
      %scan3A_407 = arith.constant 32 : i32
      %sub3A = arith.constant 1 : i32
      %sub3A_408 = arith.subi %scan3A_406#6, %sub3A : i32
      %select_n3A_409 = arith.constant true
      %select_n3A_410 = arith.select %select_n3A_409, %sub3A_408, %scan3A_406#6 : i32
      %eq3A_411 = arith.constant -1 : i32
      %eq3A_412 = arith.cmpi eq, %select_n3A_410, %eq3A_411 : i32
      %select_n3A_413 = arith.constant 31 : i32
      %select_n3A_414 = arith.select %eq3A_412, %select_n3A_413, %select_n3A_410 : i32
      %add3A_415 = arith.addi %select_n3A_414, %mul3A_149 : i32
      %sub3A_416 = arith.constant 1 : i32
      %sub3A_417 = arith.subi %select_n3A_414, %sub3A_416 : i32
      %select_n3A_418 = arith.constant true
      %select_n3A_419 = arith.select %select_n3A_418, %sub3A_417, %select_n3A_414 : i32
      %eq3A_420 = arith.constant -1 : i32
      %eq3A_421 = arith.cmpi eq, %select_n3A_419, %eq3A_420 : i32
      %select_n3A_422 = arith.constant 31 : i32
      %select_n3A_423 = arith.select %eq3A_421, %select_n3A_422, %select_n3A_419 : i32
      %add3A_424 = arith.addi %select_n3A_423, %mul3A_149 : i32
      %add3A_425 = arith.constant 1 : i32
      %add3A_426 = arith.addi %select_n3A_414, %add3A_425 : i32
      %select_n3A_427 = arith.constant true
      %select_n3A_428 = arith.select %select_n3A_427, %add3A_426, %select_n3A_414 : i32
      %eq3A_429 = arith.constant 32 : i32
      %eq3A_430 = arith.cmpi eq, %select_n3A_428, %eq3A_429 : i32
      %select_n3A_431 = arith.constant 0 : i32
      %select_n3A_432 = arith.select %eq3A_430, %select_n3A_431, %select_n3A_428 : i32
      %add3A_433 = arith.addi %select_n3A_432, %mul3A_149 : i32
      %add3A_434 = arith.constant 1 : i32
      %add3A_435 = arith.addi %select_n3A_432, %add3A_434 : i32
      %select_n3A_436 = arith.constant true
      %select_n3A_437 = arith.select %select_n3A_436, %add3A_435, %select_n3A_432 : i32
      %eq3A_438 = arith.constant 32 : i32
      %eq3A_439 = arith.cmpi eq, %select_n3A_437, %eq3A_438 : i32
      %select_n3A_440 = arith.constant 0 : i32
      %select_n3A_441 = arith.select %eq3A_439, %select_n3A_440, %select_n3A_437 : i32
      %add3A_442 = arith.addi %select_n3A_441, %mul3A_149 : i32
      tpu.yield
    }) : () -> ()
    %dma_wait3A = arith.constant 0 : i32
    %dma_wait3A_150 = arith.constant 0 : i32
    %dma_wait3A_151 = arith.constant 0 : i32
    %dma_wait3A_152 = arith.constant 0 : i32
    %dma_wait3A_153 = tpu.memref_slice %arg11[%dma_wait3A, %dma_wait3A_151, %dma_wait3A_152] : memref<4x50x100xf32, #tpu.memory_space<vmem>> -> memref<1x50x100xf32, #tpu.memory_space<vmem>>
    %dma_wait3A_154 = tpu.memref_squeeze %dma_wait3A_153 : memref<1x50x100xf32, #tpu.memory_space<vmem>> -> memref<50x100xf32, #tpu.memory_space<vmem>>
    %dma_wait3A_155 = arith.constant 0 : i32
    %dma_wait3A_156 = arith.constant 0 : i32
    %dma_wait3A_157 = tpu.memref_slice %arg7[%dma_wait3A_150, %dma_wait3A_155, %dma_wait3A_156] : memref<4096x50x100xf32, #tpu.memory_space<hbm>> -> memref<1x50x100xf32, #tpu.memory_space<hbm>>
    %dma_wait3A_158 = tpu.memref_squeeze %dma_wait3A_157 : memref<1x50x100xf32, #tpu.memory_space<hbm>> -> memref<50x100xf32, #tpu.memory_space<hbm>>
    %dma_wait3A_159 = arith.constant 0 : i32
    %dma_wait3A_160 = arith.constant 0 : i32
    %dma_wait3A_161 = tpu.memref_slice %arg7[%dma_wait3A_150, %dma_wait3A_159, %dma_wait3A_160] : memref<4096x50x100xf32, #tpu.memory_space<hbm>> -> memref<1x50x100xf32, #tpu.memory_space<hbm>>
    %dma_wait3A_162 = tpu.memref_squeeze %dma_wait3A_161 : memref<1x50x100xf32, #tpu.memory_space<hbm>> -> memref<50x100xf32, #tpu.memory_space<hbm>>
    %dma_wait3A_163 = arith.constant 0 : i32
    %dma_wait3A_164 = arith.constant 0 : i32
    %dma_wait3A_165 = tpu.memref_slice %arg11[%dma_wait3A, %dma_wait3A_163, %dma_wait3A_164] : memref<4x50x100xf32, #tpu.memory_space<vmem>> -> memref<1x50x100xf32, #tpu.memory_space<vmem>>
    %dma_wait3A_166 = tpu.memref_squeeze %dma_wait3A_165 : memref<1x50x100xf32, #tpu.memory_space<vmem>> -> memref<50x100xf32, #tpu.memory_space<vmem>>
    tpu.wait_dma2 semaphore(%arg14 : memref<!tpu.dma_semaphore, #tpu.memory_space<semaphore_mem>>) src(%dma_wait3A_166 : memref<50x100xf32, #tpu.memory_space<vmem>>) dst(%dma_wait3A_162 : memref<50x100xf32, #tpu.memory_space<hbm>>)
    %dma_wait3A_167 = arith.constant 0 : i32
    %dma_wait3A_168 = arith.constant 0 : i32
    %dma_wait3A_169 = arith.constant 0 : i32
    %dma_wait3A_170 = arith.constant 0 : i32
    %dma_wait3A_171 = tpu.memref_slice %arg12[%dma_wait3A_167, %dma_wait3A_169, %dma_wait3A_170] : memref<4x50x100xf32, #tpu.memory_space<vmem>> -> memref<1x50x100xf32, #tpu.memory_space<vmem>>
    %dma_wait3A_172 = tpu.memref_squeeze %dma_wait3A_171 : memref<1x50x100xf32, #tpu.memory_space<vmem>> -> memref<50x100xf32, #tpu.memory_space<vmem>>
    %dma_wait3A_173 = arith.constant 0 : i32
    %dma_wait3A_174 = arith.constant 0 : i32
    %dma_wait3A_175 = tpu.memref_slice %arg8[%dma_wait3A_168, %dma_wait3A_173, %dma_wait3A_174] : memref<4096x50x100xf32, #tpu.memory_space<hbm>> -> memref<1x50x100xf32, #tpu.memory_space<hbm>>
    %dma_wait3A_176 = tpu.memref_squeeze %dma_wait3A_175 : memref<1x50x100xf32, #tpu.memory_space<hbm>> -> memref<50x100xf32, #tpu.memory_space<hbm>>
    %dma_wait3A_177 = arith.constant 0 : i32
    %dma_wait3A_178 = arith.constant 0 : i32
    %dma_wait3A_179 = tpu.memref_slice %arg8[%dma_wait3A_168, %dma_wait3A_177, %dma_wait3A_178] : memref<4096x50x100xf32, #tpu.memory_space<hbm>> -> memref<1x50x100xf32, #tpu.memory_space<hbm>>
    %dma_wait3A_180 = tpu.memref_squeeze %dma_wait3A_179 : memref<1x50x100xf32, #tpu.memory_space<hbm>> -> memref<50x100xf32, #tpu.memory_space<hbm>>
    %dma_wait3A_181 = arith.constant 0 : i32
    %dma_wait3A_182 = arith.constant 0 : i32
    %dma_wait3A_183 = tpu.memref_slice %arg12[%dma_wait3A_167, %dma_wait3A_181, %dma_wait3A_182] : memref<4x50x100xf32, #tpu.memory_space<vmem>> -> memref<1x50x100xf32, #tpu.memory_space<vmem>>
    %dma_wait3A_184 = tpu.memref_squeeze %dma_wait3A_183 : memref<1x50x100xf32, #tpu.memory_space<vmem>> -> memref<50x100xf32, #tpu.memory_space<vmem>>
    tpu.wait_dma2 semaphore(%arg14 : memref<!tpu.dma_semaphore, #tpu.memory_space<semaphore_mem>>) src(%dma_wait3A_184 : memref<50x100xf32, #tpu.memory_space<vmem>>) dst(%dma_wait3A_180 : memref<50x100xf32, #tpu.memory_space<hbm>>)
    %dma_wait3A_185 = arith.constant 1 : i32
    %dma_wait3A_186 = arith.constant 1 : i32
    %dma_wait3A_187 = arith.constant 0 : i32
    %dma_wait3A_188 = arith.constant 0 : i32
    %dma_wait3A_189 = tpu.memref_slice %arg11[%dma_wait3A_185, %dma_wait3A_187, %dma_wait3A_188] : memref<4x50x100xf32, #tpu.memory_space<vmem>> -> memref<1x50x100xf32, #tpu.memory_space<vmem>>
    %dma_wait3A_190 = tpu.memref_squeeze %dma_wait3A_189 : memref<1x50x100xf32, #tpu.memory_space<vmem>> -> memref<50x100xf32, #tpu.memory_space<vmem>>
    %dma_wait3A_191 = arith.constant 0 : i32
    %dma_wait3A_192 = arith.constant 0 : i32
    %dma_wait3A_193 = tpu.memref_slice %arg7[%dma_wait3A_186, %dma_wait3A_191, %dma_wait3A_192] : memref<4096x50x100xf32, #tpu.memory_space<hbm>> -> memref<1x50x100xf32, #tpu.memory_space<hbm>>
    %dma_wait3A_194 = tpu.memref_squeeze %dma_wait3A_193 : memref<1x50x100xf32, #tpu.memory_space<hbm>> -> memref<50x100xf32, #tpu.memory_space<hbm>>
    %dma_wait3A_195 = arith.constant 0 : i32
    %dma_wait3A_196 = arith.constant 0 : i32
    %dma_wait3A_197 = tpu.memref_slice %arg7[%dma_wait3A_186, %dma_wait3A_195, %dma_wait3A_196] : memref<4096x50x100xf32, #tpu.memory_space<hbm>> -> memref<1x50x100xf32, #tpu.memory_space<hbm>>
    %dma_wait3A_198 = tpu.memref_squeeze %dma_wait3A_197 : memref<1x50x100xf32, #tpu.memory_space<hbm>> -> memref<50x100xf32, #tpu.memory_space<hbm>>
    %dma_wait3A_199 = arith.constant 0 : i32
    %dma_wait3A_200 = arith.constant 0 : i32
    %dma_wait3A_201 = tpu.memref_slice %arg11[%dma_wait3A_185, %dma_wait3A_199, %dma_wait3A_200] : memref<4x50x100xf32, #tpu.memory_space<vmem>> -> memref<1x50x100xf32, #tpu.memory_space<vmem>>
    %dma_wait3A_202 = tpu.memref_squeeze %dma_wait3A_201 : memref<1x50x100xf32, #tpu.memory_space<vmem>> -> memref<50x100xf32, #tpu.memory_space<vmem>>
    tpu.wait_dma2 semaphore(%arg14 : memref<!tpu.dma_semaphore, #tpu.memory_space<semaphore_mem>>) src(%dma_wait3A_202 : memref<50x100xf32, #tpu.memory_space<vmem>>) dst(%dma_wait3A_198 : memref<50x100xf32, #tpu.memory_space<hbm>>)
    %dma_wait3A_203 = arith.constant 1 : i32
    %dma_wait3A_204 = arith.constant 1 : i32
    %dma_wait3A_205 = arith.constant 0 : i32
    %dma_wait3A_206 = arith.constant 0 : i32
    %dma_wait3A_207 = tpu.memref_slice %arg12[%dma_wait3A_203, %dma_wait3A_205, %dma_wait3A_206] : memref<4x50x100xf32, #tpu.memory_space<vmem>> -> memref<1x50x100xf32, #tpu.memory_space<vmem>>
    %dma_wait3A_208 = tpu.memref_squeeze %dma_wait3A_207 : memref<1x50x100xf32, #tpu.memory_space<vmem>> -> memref<50x100xf32, #tpu.memory_space<vmem>>
    %dma_wait3A_209 = arith.constant 0 : i32
    %dma_wait3A_210 = arith.constant 0 : i32
    %dma_wait3A_211 = tpu.memref_slice %arg8[%dma_wait3A_204, %dma_wait3A_209, %dma_wait3A_210] : memref<4096x50x100xf32, #tpu.memory_space<hbm>> -> memref<1x50x100xf32, #tpu.memory_space<hbm>>
    %dma_wait3A_212 = tpu.memref_squeeze %dma_wait3A_211 : memref<1x50x100xf32, #tpu.memory_space<hbm>> -> memref<50x100xf32, #tpu.memory_space<hbm>>
    %dma_wait3A_213 = arith.constant 0 : i32
    %dma_wait3A_214 = arith.constant 0 : i32
    %dma_wait3A_215 = tpu.memref_slice %arg8[%dma_wait3A_204, %dma_wait3A_213, %dma_wait3A_214] : memref<4096x50x100xf32, #tpu.memory_space<hbm>> -> memref<1x50x100xf32, #tpu.memory_space<hbm>>
    %dma_wait3A_216 = tpu.memref_squeeze %dma_wait3A_215 : memref<1x50x100xf32, #tpu.memory_space<hbm>> -> memref<50x100xf32, #tpu.memory_space<hbm>>
    %dma_wait3A_217 = arith.constant 0 : i32
    %dma_wait3A_218 = arith.constant 0 : i32
    %dma_wait3A_219 = tpu.memref_slice %arg12[%dma_wait3A_203, %dma_wait3A_217, %dma_wait3A_218] : memref<4x50x100xf32, #tpu.memory_space<vmem>> -> memref<1x50x100xf32, #tpu.memory_space<vmem>>
    %dma_wait3A_220 = tpu.memref_squeeze %dma_wait3A_219 : memref<1x50x100xf32, #tpu.memory_space<vmem>> -> memref<50x100xf32, #tpu.memory_space<vmem>>
    tpu.wait_dma2 semaphore(%arg14 : memref<!tpu.dma_semaphore, #tpu.memory_space<semaphore_mem>>) src(%dma_wait3A_220 : memref<50x100xf32, #tpu.memory_space<vmem>>) dst(%dma_wait3A_216 : memref<50x100xf32, #tpu.memory_space<hbm>>)
    %dma_wait3A_221 = arith.constant 2 : i32
    %dma_wait3A_222 = arith.constant 2 : i32
    %dma_wait3A_223 = arith.constant 0 : i32
    %dma_wait3A_224 = arith.constant 0 : i32
    %dma_wait3A_225 = tpu.memref_slice %arg11[%dma_wait3A_221, %dma_wait3A_223, %dma_wait3A_224] : memref<4x50x100xf32, #tpu.memory_space<vmem>> -> memref<1x50x100xf32, #tpu.memory_space<vmem>>
    %dma_wait3A_226 = tpu.memref_squeeze %dma_wait3A_225 : memref<1x50x100xf32, #tpu.memory_space<vmem>> -> memref<50x100xf32, #tpu.memory_space<vmem>>
    %dma_wait3A_227 = arith.constant 0 : i32
    %dma_wait3A_228 = arith.constant 0 : i32
    %dma_wait3A_229 = tpu.memref_slice %arg7[%dma_wait3A_222, %dma_wait3A_227, %dma_wait3A_228] : memref<4096x50x100xf32, #tpu.memory_space<hbm>> -> memref<1x50x100xf32, #tpu.memory_space<hbm>>
    %dma_wait3A_230 = tpu.memref_squeeze %dma_wait3A_229 : memref<1x50x100xf32, #tpu.memory_space<hbm>> -> memref<50x100xf32, #tpu.memory_space<hbm>>
    %dma_wait3A_231 = arith.constant 0 : i32
    %dma_wait3A_232 = arith.constant 0 : i32
    %dma_wait3A_233 = tpu.memref_slice %arg7[%dma_wait3A_222, %dma_wait3A_231, %dma_wait3A_232] : memref<4096x50x100xf32, #tpu.memory_space<hbm>> -> memref<1x50x100xf32, #tpu.memory_space<hbm>>
    %dma_wait3A_234 = tpu.memref_squeeze %dma_wait3A_233 : memref<1x50x100xf32, #tpu.memory_space<hbm>> -> memref<50x100xf32, #tpu.memory_space<hbm>>
    %dma_wait3A_235 = arith.constant 0 : i32
    %dma_wait3A_236 = arith.constant 0 : i32
    %dma_wait3A_237 = tpu.memref_slice %arg11[%dma_wait3A_221, %dma_wait3A_235, %dma_wait3A_236] : memref<4x50x100xf32, #tpu.memory_space<vmem>> -> memref<1x50x100xf32, #tpu.memory_space<vmem>>
    %dma_wait3A_238 = tpu.memref_squeeze %dma_wait3A_237 : memref<1x50x100xf32, #tpu.memory_space<vmem>> -> memref<50x100xf32, #tpu.memory_space<vmem>>
    tpu.wait_dma2 semaphore(%arg14 : memref<!tpu.dma_semaphore, #tpu.memory_space<semaphore_mem>>) src(%dma_wait3A_238 : memref<50x100xf32, #tpu.memory_space<vmem>>) dst(%dma_wait3A_234 : memref<50x100xf32, #tpu.memory_space<hbm>>)
    %dma_wait3A_239 = arith.constant 2 : i32
    %dma_wait3A_240 = arith.constant 2 : i32
    %dma_wait3A_241 = arith.constant 0 : i32
    %dma_wait3A_242 = arith.constant 0 : i32
    %dma_wait3A_243 = tpu.memref_slice %arg12[%dma_wait3A_239, %dma_wait3A_241, %dma_wait3A_242] : memref<4x50x100xf32, #tpu.memory_space<vmem>> -> memref<1x50x100xf32, #tpu.memory_space<vmem>>
    %dma_wait3A_244 = tpu.memref_squeeze %dma_wait3A_243 : memref<1x50x100xf32, #tpu.memory_space<vmem>> -> memref<50x100xf32, #tpu.memory_space<vmem>>
    %dma_wait3A_245 = arith.constant 0 : i32
    %dma_wait3A_246 = arith.constant 0 : i32
    %dma_wait3A_247 = tpu.memref_slice %arg8[%dma_wait3A_240, %dma_wait3A_245, %dma_wait3A_246] : memref<4096x50x100xf32, #tpu.memory_space<hbm>> -> memref<1x50x100xf32, #tpu.memory_space<hbm>>
    %dma_wait3A_248 = tpu.memref_squeeze %dma_wait3A_247 : memref<1x50x100xf32, #tpu.memory_space<hbm>> -> memref<50x100xf32, #tpu.memory_space<hbm>>
    %dma_wait3A_249 = arith.constant 0 : i32
    %dma_wait3A_250 = arith.constant 0 : i32
    %dma_wait3A_251 = tpu.memref_slice %arg8[%dma_wait3A_240, %dma_wait3A_249, %dma_wait3A_250] : memref<4096x50x100xf32, #tpu.memory_space<hbm>> -> memref<1x50x100xf32, #tpu.memory_space<hbm>>
    %dma_wait3A_252 = tpu.memref_squeeze %dma_wait3A_251 : memref<1x50x100xf32, #tpu.memory_space<hbm>> -> memref<50x100xf32, #tpu.memory_space<hbm>>
    %dma_wait3A_253 = arith.constant 0 : i32
    %dma_wait3A_254 = arith.constant 0 : i32
    %dma_wait3A_255 = tpu.memref_slice %arg12[%dma_wait3A_239, %dma_wait3A_253, %dma_wait3A_254] : memref<4x50x100xf32, #tpu.memory_space<vmem>> -> memref<1x50x100xf32, #tpu.memory_space<vmem>>
    %dma_wait3A_256 = tpu.memref_squeeze %dma_wait3A_255 : memref<1x50x100xf32, #tpu.memory_space<vmem>> -> memref<50x100xf32, #tpu.memory_space<vmem>>
    tpu.wait_dma2 semaphore(%arg14 : memref<!tpu.dma_semaphore, #tpu.memory_space<semaphore_mem>>) src(%dma_wait3A_256 : memref<50x100xf32, #tpu.memory_space<vmem>>) dst(%dma_wait3A_252 : memref<50x100xf32, #tpu.memory_space<hbm>>)
    %dma_wait3A_257 = arith.constant 3 : i32
    %dma_wait3A_258 = arith.constant 3 : i32
    %dma_wait3A_259 = arith.constant 0 : i32
    %dma_wait3A_260 = arith.constant 0 : i32
    %dma_wait3A_261 = tpu.memref_slice %arg11[%dma_wait3A_257, %dma_wait3A_259, %dma_wait3A_260] : memref<4x50x100xf32, #tpu.memory_space<vmem>> -> memref<1x50x100xf32, #tpu.memory_space<vmem>>
    %dma_wait3A_262 = tpu.memref_squeeze %dma_wait3A_261 : memref<1x50x100xf32, #tpu.memory_space<vmem>> -> memref<50x100xf32, #tpu.memory_space<vmem>>
    %dma_wait3A_263 = arith.constant 0 : i32
    %dma_wait3A_264 = arith.constant 0 : i32
    %dma_wait3A_265 = tpu.memref_slice %arg7[%dma_wait3A_258, %dma_wait3A_263, %dma_wait3A_264] : memref<4096x50x100xf32, #tpu.memory_space<hbm>> -> memref<1x50x100xf32, #tpu.memory_space<hbm>>
    %dma_wait3A_266 = tpu.memref_squeeze %dma_wait3A_265 : memref<1x50x100xf32, #tpu.memory_space<hbm>> -> memref<50x100xf32, #tpu.memory_space<hbm>>
    %dma_wait3A_267 = arith.constant 0 : i32
    %dma_wait3A_268 = arith.constant 0 : i32
    %dma_wait3A_269 = tpu.memref_slice %arg7[%dma_wait3A_258, %dma_wait3A_267, %dma_wait3A_268] : memref<4096x50x100xf32, #tpu.memory_space<hbm>> -> memref<1x50x100xf32, #tpu.memory_space<hbm>>
    %dma_wait3A_270 = tpu.memref_squeeze %dma_wait3A_269 : memref<1x50x100xf32, #tpu.memory_space<hbm>> -> memref<50x100xf32, #tpu.memory_space<hbm>>
    %dma_wait3A_271 = arith.constant 0 : i32
    %dma_wait3A_272 = arith.constant 0 : i32
    %dma_wait3A_273 = tpu.memref_slice %arg11[%dma_wait3A_257, %dma_wait3A_271, %dma_wait3A_272] : memref<4x50x100xf32, #tpu.memory_space<vmem>> -> memref<1x50x100xf32, #tpu.memory_space<vmem>>
    %dma_wait3A_274 = tpu.memref_squeeze %dma_wait3A_273 : memref<1x50x100xf32, #tpu.memory_space<vmem>> -> memref<50x100xf32, #tpu.memory_space<vmem>>
    tpu.wait_dma2 semaphore(%arg14 : memref<!tpu.dma_semaphore, #tpu.memory_space<semaphore_mem>>) src(%dma_wait3A_274 : memref<50x100xf32, #tpu.memory_space<vmem>>) dst(%dma_wait3A_270 : memref<50x100xf32, #tpu.memory_space<hbm>>)
    %dma_wait3A_275 = arith.constant 3 : i32
    %dma_wait3A_276 = arith.constant 3 : i32
    %dma_wait3A_277 = arith.constant 0 : i32
    %dma_wait3A_278 = arith.constant 0 : i32
    %dma_wait3A_279 = tpu.memref_slice %arg12[%dma_wait3A_275, %dma_wait3A_277, %dma_wait3A_278] : memref<4x50x100xf32, #tpu.memory_space<vmem>> -> memref<1x50x100xf32, #tpu.memory_space<vmem>>
    %dma_wait3A_280 = tpu.memref_squeeze %dma_wait3A_279 : memref<1x50x100xf32, #tpu.memory_space<vmem>> -> memref<50x100xf32, #tpu.memory_space<vmem>>
    %dma_wait3A_281 = arith.constant 0 : i32
    %dma_wait3A_282 = arith.constant 0 : i32
    %dma_wait3A_283 = tpu.memref_slice %arg8[%dma_wait3A_276, %dma_wait3A_281, %dma_wait3A_282] : memref<4096x50x100xf32, #tpu.memory_space<hbm>> -> memref<1x50x100xf32, #tpu.memory_space<hbm>>
    %dma_wait3A_284 = tpu.memref_squeeze %dma_wait3A_283 : memref<1x50x100xf32, #tpu.memory_space<hbm>> -> memref<50x100xf32, #tpu.memory_space<hbm>>
    %dma_wait3A_285 = arith.constant 0 : i32
    %dma_wait3A_286 = arith.constant 0 : i32
    %dma_wait3A_287 = tpu.memref_slice %arg8[%dma_wait3A_276, %dma_wait3A_285, %dma_wait3A_286] : memref<4096x50x100xf32, #tpu.memory_space<hbm>> -> memref<1x50x100xf32, #tpu.memory_space<hbm>>
    %dma_wait3A_288 = tpu.memref_squeeze %dma_wait3A_287 : memref<1x50x100xf32, #tpu.memory_space<hbm>> -> memref<50x100xf32, #tpu.memory_space<hbm>>
    %dma_wait3A_289 = arith.constant 0 : i32
    %dma_wait3A_290 = arith.constant 0 : i32
    %dma_wait3A_291 = tpu.memref_slice %arg12[%dma_wait3A_275, %dma_wait3A_289, %dma_wait3A_290] : memref<4x50x100xf32, #tpu.memory_space<vmem>> -> memref<1x50x100xf32, #tpu.memory_space<vmem>>
    %dma_wait3A_292 = tpu.memref_squeeze %dma_wait3A_291 : memref<1x50x100xf32, #tpu.memory_space<vmem>> -> memref<50x100xf32, #tpu.memory_space<vmem>>
    tpu.wait_dma2 semaphore(%arg14 : memref<!tpu.dma_semaphore, #tpu.memory_space<semaphore_mem>>) src(%dma_wait3A_292 : memref<50x100xf32, #tpu.memory_space<vmem>>) dst(%dma_wait3A_288 : memref<50x100xf32, #tpu.memory_space<hbm>>)
    return
  }
}

module attributes {stable_mosaic.version = 14 : i64} {
  func.func @body(%arg0: i32, %arg1: memref<1000x100xf32, #tpu.memory_space<vmem>>, %arg2: memref<1000x128xf32, #tpu.memory_space<vmem>>) attributes {dimension_semantics = [#tpu.dimension_semantics<arbitrary>], iteration_bounds = array<i64: 100>, scalar_prefetch = 0 : i64, scratch_operands = 0 : i64, tpu.core_type = #tpu.core_type<tc>, window_params = [{transform_indices = @transform_0, window_bounds = array<i64: 1000, 100>}, {transform_indices = @transform_1, window_bounds = array<i64: 1000, 128>}]} {
    %get3A = arith.constant 0 : index
    %get3A_0 = arith.constant 0 : index
    %get3A_1 = vector.load %arg1[%get3A, %get3A_0] : memref<1000x100xf32, #tpu.memory_space<vmem>>, vector<1000x100xf32>
    %broadcast_in_dim3A = arith.constant 0.000000e+00 : f32
    %broadcast_in_dim3A_2 = vector.broadcast %broadcast_in_dim3A : f32 to vector<1000x28xf32>
    %concatenate3A = tpu.concatenate %get3A_1, %broadcast_in_dim3A_2 in 1 : vector<1000x100xf32>, vector<1000x28xf32> -> vector<1000x128xf32>
    %swap3A = arith.constant 0 : index
    %swap3A_3 = arith.constant 0 : index
    %swap3A_4 = vector.load %arg2[%swap3A, %swap3A_3] : memref<1000x128xf32, #tpu.memory_space<vmem>>, vector<1000x128xf32>
    tpu.vector_store %arg2[%swap3A, %swap3A_3], %concatenate3A {strides = array<i32>} : memref<1000x128xf32, #tpu.memory_space<vmem>>, vector<1000x128xf32>,
    return
  }
  func.func @transform_0(%arg0: i32) -> (i32, i32) {
    %c0_i32 = arith.constant 0 : i32
    %c0_i32_0 = arith.constant 0 : i32
    return %arg0, %c0_i32 : i32, i32
  }
  func.func @transform_1(%arg0: i32) -> (i32, i32) {
    %c0_i32 = arith.constant 0 : i32
    %c0_i32_0 = arith.constant 0 : i32
    return %arg0, %c0_i32 : i32, i32
  }
}

module attributes {stable_mosaic.version = 14 : i64} {
  func.func @body(%arg0: i32, %arg1: memref<1000x100xf32, #tpu.memory_space<vmem>>, %arg2: memref<1000x128xf32, #tpu.memory_space<vmem>>) attributes {dimension_semantics = [#tpu.dimension_semantics<arbitrary>], iteration_bounds = array<i64: 1>, scalar_prefetch = 0 : i64, scratch_operands = 0 : i64, tpu.core_type = #tpu.core_type<tc>, window_params = [{transform_indices = @transform_0, window_bounds = array<i64: 1000, 100>}, {transform_indices = @transform_1, window_bounds = array<i64: 1000, 128>}]} {
    %get3A = arith.constant 0 : index
    %get3A_0 = arith.constant 0 : index
    %get3A_1 = vector.load %arg1[%get3A, %get3A_0] : memref<1000x100xf32, #tpu.memory_space<vmem>>, vector<1000x100xf32>
    %broadcast_in_dim3A = arith.constant 0.000000e+00 : f32
    %broadcast_in_dim3A_2 = vector.broadcast %broadcast_in_dim3A : f32 to vector<1000x28xf32>
    %concatenate3A = tpu.concatenate %get3A_1, %broadcast_in_dim3A_2 in 1 : vector<1000x100xf32>, vector<1000x28xf32> -> vector<1000x128xf32>
    %swap3A = arith.constant 0 : index
    %swap3A_3 = arith.constant 0 : index
    %swap3A_4 = vector.load %arg2[%swap3A, %swap3A_3] : memref<1000x128xf32, #tpu.memory_space<vmem>>, vector<1000x128xf32>
    tpu.vector_store %arg2[%swap3A, %swap3A_3], %concatenate3A {strides = array<i32>} : memref<1000x128xf32, #tpu.memory_space<vmem>>, vector<1000x128xf32>,
    return
  }
  func.func @transform_0(%arg0: i32) -> (i32, i32) {
    %c0_i32 = arith.constant 0 : i32
    %c0_i32_0 = arith.constant 0 : i32
    return %arg0, %c0_i32 : i32, i32
  }
  func.func @transform_1(%arg0: i32) -> (i32, i32) {
    %c0_i32 = arith.constant 0 : i32
    %c0_i32_0 = arith.constant 0 : i32
    return %arg0, %c0_i32 : i32, i32
  }
}

module attributes {stable_mosaic.version = 14 : i64} {
  func.func @body(%arg0: i32, %arg1: memref<256x50xi32, #tpu.memory_space<vmem>>, %arg2: memref<256x50x100xf32, #tpu.memory_space<vmem>>) attributes {dimension_semantics = [#tpu.dimension_semantics<arbitrary>], iteration_bounds = array<i64: 16>, scalar_prefetch = 0 : i64, scratch_operands = 0 : i64, tpu.core_type = #tpu.core_type<tc>, window_params = [{transform_indices = @transform_0, window_bounds = array<i64: 256, 50>}, {transform_indices = @transform_1, window_bounds = array<i64: 256, 50, 100>}]} {
    %get3A = arith.constant 0 : index
    %get3A_0 = arith.constant 0 : index
    %get3A_1 = vector.load %arg1[%get3A, %get3A_0] : memref<256x50xi32, #tpu.memory_space<vmem>>, vector<256x50xi32>
    %convert_element_type3A = arith.sitofp %get3A_1 : vector<256x50xi32> to vector<256x50xf32>
    %broadcast_in_dim3A = vector.shape_cast %convert_element_type3A : vector<256x50xf32> to vector<256x50x1xf32>
    %broadcast_in_dim3A_2 = vector.shape_cast %broadcast_in_dim3A : vector<256x50x1xf32> to vector<256x50x1xf32>
    %broadcast_in_dim3A_3 = vector.broadcast %broadcast_in_dim3A_2 : vector<256x50x1xf32> to vector<256x50x100xf32>
    %swap3A = arith.constant 0 : index
    %swap3A_4 = arith.constant 0 : index
    %swap3A_5 = arith.constant 0 : index
    %swap3A_6 = vector.load %arg2[%swap3A, %swap3A_4, %swap3A_5] : memref<256x50x100xf32, #tpu.memory_space<vmem>>, vector<256x50x100xf32>
    tpu.vector_store %arg2[%swap3A, %swap3A_4, %swap3A_5], %broadcast_in_dim3A_3 {strides = array<i32>} : memref<256x50x100xf32, #tpu.memory_space<vmem>>, vector<256x50x100xf32>,
    return
  }
  func.func @transform_0(%arg0: i32) -> (i32, i32) {
    %c0_i32 = arith.constant 0 : i32
    %c0_i32_0 = arith.constant 0 : i32
    return %arg0, %c0_i32 : i32, i32
  }
  func.func @transform_1(%arg0: i32) -> (i32, i32, i32) {
    %c0_i32 = arith.constant 0 : i32
    %c0_i32_0 = arith.constant 0 : i32
    %c0_i32_1 = arith.constant 0 : i32
    return %arg0, %c0_i32, %c0_i32_0 : i32, i32, i32
  }
}

</mosaic_0001>

<sc_bundles>
// kernel: kernel.6.cloned.1.call-start
scs
__scs_entry_jumppad:
0x0: {  	(pc) =	sbr.rel $0x88, $3  }
0x1: {  	(tag) =	ssettag $0x0;
	lr =	simm.s32 $0x1  }
0x2: {  	[smem:$0x3F9C] =	sst lr;
	_ =	strace $0xD0000000  }
0x3: {  	_ = 	snop  }
0x4: {  	_ = 	snop  }
0x5: {  	_ = 	snop  }
0x6: {  	_ = 	snop  }
0x7: {  	_ = 	snop  }
__scs_overlays_trampoline_lowered:
0x8: {  	[smem:$0x3FAB] =	sst s0  }
0x9: {  	[smem:$0x3FAC] =	sst s1  }
0xa: {  	[smem:$0x3FAD] =	sst s2  }
0xb: {  	[smem:$0x3FAE] =	sst s3  }
0xc: {  	[smem:$0x3FAF] =	sst s4  }
0xd: {  	[smem:$0x3FB0] =	sst s5  }
0xe: {  	[smem:$0x3FB1] =	sst s6  }
0xf: {  	[smem:$0x3FB2] =	sst s7  }
0x10: {  	[smem:$0x3FB3] =	sst s8  }
0x11: {  	[smem:$0x3FB4] =	sst s9;
	s0 =	simm.s32 @!p0 $0x0  }
0x12: {  	s1 =	sld [smem:$0x3F9A];
	s0 =	simm.s32 @p0 $0x1  }
0x13: {  	[smem:$0x3FB5] =	sst s0;
	s0 =	simm.s32 @!p1 $0x0  }
0x14: {  	s2 =	sld [smem:$0x3F99];
	s0 =	simm.s32 @p1 $0x1  }
0x15: {  	[smem:$0x3FB6] =	sst s0;
	s0 =	simm.s32 @!p2 $0x0  }
0x16: {  	s3 =	sld [smem:$0x3FDB];
	s0 =	simm.s32 @p2 $0x1  }
0x17: {  	s4 =	simm.s32 $0x1BF5;
	[smem:$0x3FB8] =	sst s0  }
0x18: {  	s0 =	sld [smem:$0x3F9B];
	_ =	swait.ge [sflag:s4], $0x0  }
0x19: {  	s7 =	sld [smem:$0x3F9C]  }
0x1a: {  	s8 =	sadd.s32 $0xFFFFE003, lr  }
0x1b: {  	s9 =	sadd.s32 $0xFFFFFEF7, lr;
	s5 =	simm.s32 $0xFFFFFFFF;
	p2 =	slt.u32 s8, $0xFFFFF086  }
0x1c: {  	p1 =	slt.u32 s9, $0xF7A;
	s5 =	simm.s32 @!p2 $0x0  }
0x1d: {  	s5 =	simm.s32 @p1 $0x1;
	p0 =	seq.s32 s7, s2  }
0x1e: {  	s7 =	smul.u32 @!p0 $0xF7A, s2;
	p2 =	seq.s32 @!p0 s5, $0x0  }
0x1f: {  	s9 =	smul.u32 $0xF7A, s1;
	s8 =	simm.s32 @!p0 $0x1BF5;
	p2 =	por !p2, p0  }
0x20: {  	[sflag:s8] =	ssyncset.s32 @!p0 $0xFFFFF086;
	s6 =	sadd.s32 @!p0 s3, s7;
	s7 =	simm.s32 @!p0 $0x108  }
0x21: {  	s3 =	sadd.s32 s3, s9;
	s6 =	sadd.s32 @!p0 $0x88, s6;
	s7 =	simm.s32 @p2 $0x1082  }
0x22: {  	[simem:s7], [sflag:s8] =	dma.local @!p0 [hbm:s6], $0xF7A  }
0x23: {  	s9 =	sor.u32 $0xD0000000, s2;
	s6 =	simm.s32 $0x108;
	_ =	swait.ge @!p0 [sflag:s8], $0x0  }
0x24: {  	s3 =	sadd.s32 $0x88, s3;
	s6 =	simm.s32 @!p1 $0x1082;
	[sflag:s4] =	ssyncset.s32 $0xFFFFF086  }
0x25: {  	[simem:s6], [sflag:s4] =	dma.local [hbm:s3], $0xF7A  }
0x26: {  	[smem:$0x3F9C] =	sst s1;
	(tag) =	ssettag s2;
	_ =	strace s9  }
0x27: {  	s1 =	sld [smem:$0x3FAC]  }
0x28: {  	s2 =	sld [smem:$0x3FAD]  }
0x29: {  	s4 =	sld [smem:$0x3FAF]  }
0x2a: {  	p0 =	seq.s32 s5, $0x0;
	s5 =	sld [smem:$0x3FB0]  }
0x2b: {  	s6 =	sld [smem:$0x3FB1]  }
0x2c: {  	s7 =	sld [smem:$0x3FB2]  }
0x2d: {  	s3 =	simm.s32 $0x108;
	s8 =	sld [smem:$0x3FB3]  }
0x2e: {  	s3 =	simm.s32 @!p0 $0x1082;
	s9 =	sld [smem:$0x3FB4]  }
0x2f: {  	lr =	sadd.s32 s0, s3;
	s0 =	sld [smem:$0x3FAB]  }
0x30: {  	s3 =	sld [smem:$0x3FAE]  }
0x31: {  	[smem:$0x3FB7] =	sst s10  }
0x32: {  	s10 =	sld [smem:$0x3FB5];
	_ =	sdelay $0x3  }
0x33: {  	p0 =	seq.s32 s10, $0x1;
	s10 =	sld [smem:$0x3FB7];
	_ =	sdelay $0x3  }
0x34: {  	[smem:$0x3FB7] =	sst s10  }
0x35: {  	s10 =	sld [smem:$0x3FB6];
	_ =	sdelay $0x3  }
0x36: {  	p1 =	seq.s32 s10, $0x1;
	s10 =	sld [smem:$0x3FB7];
	_ =	sdelay $0x3  }
0x37: {  	[smem:$0x3FB7] =	sst s10  }
0x38: {  	s10 =	sld [smem:$0x3FB8]  }
0x39: {  	_ = 	snop;
	(pc) =	sbr.ind lr, $3  }
0x3a: {  	_ = 	snop  }
0x3b: {  	_ = 	snop  }
0x3c: {  	p2 =	seq.s32 s10, $0x1;
	s10 =	sld [smem:$0x3FB7]  }
0x3d: {  	_ =	shalt  }
0x3e: {  	_ =	shalt  }
0x3f: {  	_ =	shalt  }
0x40: {  	_ =	shalt  }
0x41: {  	_ =	shalt  }
0x42: {  	_ =	shalt  }
0x43: {  	_ =	shalt  }
0x44: {  	_ =	shalt  }
0x45: {  	_ =	shalt  }
0x46: {  	_ =	shalt  }
0x47: {  	_ =	shalt  }
0x48: {  	_ =	shalt  }
0x49: {  	_ =	shalt  }
0x4a: {  	_ =	shalt  }
0x4b: {  	_ =	shalt  }
0x4c: {  	_ =	shalt  }
0x4d: {  	_ =	shalt  }
0x4e: {  	_ =	shalt  }
0x4f: {  	_ =	shalt  }
0x50: {  	_ =	shalt  }
0x51: {  	_ =	shalt  }
0x52: {  	_ =	shalt  }
0x53: {  	_ =	shalt  }
0x54: {  	_ =	shalt  }
0x55: {  	_ =	shalt  }
0x56: {  	_ =	shalt  }
0x57: {  	_ =	shalt  }
0x58: {  	_ =	shalt  }
0x59: {  	_ =	shalt  }
0x5a: {  	_ =	shalt  }
0x5b: {  	_ =	shalt  }
0x5c: {  	_ =	shalt  }
0x5d: {  	_ =	shalt  }
0x5e: {  	_ =	shalt  }
0x5f: {  	_ =	shalt  }
0x60: {  	_ =	shalt  }
0x61: {  	_ =	shalt  }
0x62: {  	_ =	shalt  }
0x63: {  	_ =	shalt  }
0x64: {  	_ =	shalt  }
0x65: {  	_ =	shalt  }
0x66: {  	_ =	shalt  }
0x67: {  	_ =	shalt  }
0x68: {  	_ =	shalt  }
0x69: {  	_ =	shalt  }
0x6a: {  	_ =	shalt  }
0x6b: {  	_ =	shalt  }
0x6c: {  	_ =	shalt  }
0x6d: {  	_ =	shalt  }
0x6e: {  	_ =	shalt  }
0x6f: {  	_ =	shalt  }
0x70: {  	_ =	shalt  }
0x71: {  	_ =	shalt  }
0x72: {  	_ =	shalt  }
0x73: {  	_ =	shalt  }
0x74: {  	_ =	shalt  }
0x75: {  	_ =	shalt  }
0x76: {  	_ =	shalt  }
0x77: {  	_ =	shalt  }
0x78: {  	_ =	shalt  }
0x79: {  	_ =	shalt  }
0x7a: {  	_ =	shalt  }
0x7b: {  	_ =	shalt  }
0x7c: {  	_ =	shalt  }
0x7d: {  	_ =	shalt  }
0x7e: {  	_ =	shalt  }
0x7f: {  	_ =	shalt  }
0x80: {  	_ =	shalt  }
0x81: {  	_ =	shalt  }
0x82: {  	_ =	shalt  }
0x83: {  	_ =	shalt  }
0x84: {  	_ =	shalt  }
0x85: {  	_ =	shalt  }
0x86: {  	_ =	shalt  }
0x87: {  	_ =	shalt  }
.Lfunc_end0:
.L_simem_size_0:
called_computation_lowered:
.L_overlay_start_0:
0x88: {  	s2 =	sld [smem:$0x3FD9]  }
0x89: {  	s3 =	sld [smem:$0x3FFE];
	_ =	sdelay $0x1  }
0x8a: {  	s1 =	srdreg.scid  }
0x8b: {  	s0 =	sand.u32 $0x1, s1  }
0x8c: {  	s14 =	sshll.u32 s0, $0xA;
	s2 =	sadd.s32 s3, s2  }
0x8d: {  	s2 =	sadd.s32 s2, s14  }
0x8e: {  	[smem:$0x3FC3] =	sst s2  }
0x8f: {  	_ = 	snop  }
0x90: {  	s2 =	sld [smem:$0x3FD0];
	_ =	sdelay $0x2  }
0x91: {  	s15 =	simm.s32 $0xA;
	s4 =	simm.s32 $0x10  }
0x92: {  	[smem:s4], [sflag:s15] =	dma.local [hbm:s2], $0x1  }
0x93: {  	_ =	swait.eq [sflag:s15], $0x1  }
0x94: {  	[sflag:s15] =	ssyncset.done $0x0  }
0x95: {  	s16 =	sld [smem:$0x10];
	[sflag:s15] =	ssyncadd.s32 $0xFFFFFFFF  }
0x96: {  	s17 =	sld [smem:$0x12];
	(tm) =	ssettm $0x1  }
0x97: {  	s18 =	sld [smem:$0x3FFB];
	_ =	sdelay $0x3  }
0x98: {  	_ =	strace s18  }
0x99: {  	s4 =	sld [smem:$0x3FFC];
	_ =	sdelay $0x3  }
0x9a: {  	_ =	strace s4  }
0x9b: {  	s4 =	sld [smem:$0x3FFD];
	_ =	sdelay $0x3  }
0x9c: {  	_ =	strace s4  }
0x9d: {  	_ =	strace $0x8FFFFFFF  }
0x9e: {  	s19 =	sld [smem:$0x3FDB];
	_ =	sdelay $0x1  }
0x9f: {  	s5 =	simm.s32 $_scs_section_size  }
0xa0: {  	s6 =	simm.s32 $_size__tile_overlayer_lowered;
	s7 =	simm.s32 $_tile_overlayer_lowered  }
0xa1: {  	s22 =	simm.s32 $0x1BFF;
	s21 =	sshll.u32 s7, $0x1;
	s4 =	sadd.s32 s5, s19  }
0xa2: {  	s8 =	simm.s32 $0x0;
	s20 =	sshll.u32 s6, $0x1;
	s6 =	sadd.s32 s21, s4  }
0xa3: {  	[timem:s8], [sflag:s22] =	dma.local [hbm:s6], s20  }
0xa4: {  	_ =	swait.ge [sflag:s22], s20  }
0xa5: {  	s5 =	ssub.s32 $0x0, s20;
	[sflag:s22] =	ssyncset.done $0x0  }
0xa6: {  	[sflag:s22] =	ssyncadd.s32 s5;
	_ =	sdelay $0x1  }
0xa7: {  	s23 =	simm.s32 $0x1B8B  }
0xa8: {  	_ =	swait.ge [sflag:s23], $0x1  }
0xa9: {  	[sflag:s23] =	ssyncset.done $0x0  }
0xaa: {  	s25 =	simm.s32 $0x1B8E;
	s24 =	sld [smem:$0x3FFE];
	[sflag:s23] =	ssyncadd.s32 $0xFFFFFFFF  }
0xab: {  	s26 =	simm.s32 $execute0_lowered;
	[smem:$0x3FD2] =	sst s25  }
0xac: {  	s6 =	sshll.u32 s26, $0x1;
	_ =	strace $0x80000046;
	[dreg:$0x1] =	wrdreg $0xFFFFFFFF  }
0xad: {  	s28 =	simm.s32 $_size_execute0_lowered;
	s4 =	sadd.s32 s4, s6;
	[dreg:$0x0] =	wrdreg $0x0  }
0xae: {  	s6 =	sshll.u32 s28, $0x1;
	[dreg:$0x2] =	wrdreg s4  }
0xaf: {  	[dreg:$0x3] =	wrdreg s6  }
0xb0: {  	[dreg:$0x4] =	wrdreg $0xC0  }
0xb1: {  	_ =	task [dreg:s8], $0x5FFFF  }
0xb2: {  	[dreg:$0x1] =	wrdreg $0xFFFFFFFF  }
0xb3: {  	[dreg:$0x0] =	wrdreg $0x60  }
0xb4: {  	[dreg:$0x2] =	wrdreg s16  }
0xb5: {  	[dreg:$0x3] =	wrdreg s24  }
0xb6: {  	[dreg:$0x4] =	wrdreg s17  }
0xb7: {  	[dreg:$0x5] =	wrdreg $0x9  }
0xb8: {  	_ =	task.clear_ibuf [dreg:s8], $0x6FFFF;
	_ =	strace $0x90000046  }
0xb9: {  	s29 =	simm.s32 $0x9;
	_ =	strace $0x80000050  }
0xba: {  	_ =	swait.ge [sflag:s29], $0x1  }
0xbb: {  	[sflag:s29] =	ssyncadd.s32 $0xFFFFFFFF  }
0xbc: {  	_ =	strace $0x90000050  }
0xbd: {  	_ =	sfence  }
0xbe: {  	s30 =	sld [smem:$0x0];
	_ =	sdelay $0x2  }
0xbf: {  	s31 =	sshll.u32 s1, $0xD;
	s1 =	sshrl.u32 s1, $0x2  }
0xc0: {  	s3 =	sand.u32 $0x4000, s31;
	s1 =	sadd.s32 s1, s30  }
0xc1: {  	s0 =	sor.u32 s3, s0;
	s1 =	sshll.u32 s1, $0x11  }
0xc2: {  	s0 =	sor.u32 s1, s0  }
0xc3: {  	s0 =	sadd.s32 $0x8F2B, s0  }
0xc4: {  	[sflag:s0] =	ssyncadd.remote.s32 $0x1  }
0xc5: {  	_ =	sfence.sel $0xFFFF  }
0xc6: {  	[dreg:$0x0] =	wrdreg $0xFFFFFFFF;
	(pc) =	sbr.abs _section_cstart, $3  }
0xc7: {  	[dreg:$0x1] =	wrdreg $0xFFFFFFFF  }
0xc8: {  	_ =	task.clear_ibuf [dreg:s8], $0x2FFFF;
	_ =	strace $0x9FFFFFFF  }
0xc9: {  	(tm) =	ssettm $0x7FFFFFFF  }
tec
execute0_lowered:
.L_overlay_start_1:
0x0: {  	(tag) =	ssettag $0x1  }
0x1: {  	s1 =	rddreg [dreg:$0x0]  }
0x2: {  	s0 =	rddreg [dreg:$0x1]  }
0x3: {  	s11 =	rddreg [dreg:$0x2];
	s3 =	simm.s32 $0x0;
	s2 =	srdreg.scid  }
0x4: {  	s10 =	stileid.u32;
	s19 =	simm.s32 $0x11800;
	s20 =	simm.s32 $0x18800  }
0x5: {  	s21 =	simm.s32 $0x13400;
	s22 =	simm.s32 $0x1A400;
	[smem:$0x7FF] =	sst s3  }
0x6: {  	s4 =	sadd.s32 $0x11200, s0;
	s5 =	sadd.s32 $0x1200, s0;
	s2 =	sand.u32 $0x1, s2  }
0x7: {  	s7 =	sadd.s32 $0x15200, s0;
	s6 =	ssub.s32 $0x2, s2;
	s2 =	sshll.u32 s2, $0x4  }
0x8: {  	s8 =	sadd.s32 $0x399200, s0;
	s9 =	sadd.s32 $0x19200, s0;
	s2 =	sor.u32 s10, s2  }
0x9: {  	_ =	strace $0x80000047;
	s30 =	sshrl.u32 s6, $0x1;
	s31 =	sshll.u32 s2, $0xB  }
0xa: {  	s0 =	ssub.s32 s6, s30;
	s10 =	sshll.u32 s2, $0x5;
	s11 =	sadd.s32 s11, s31  }
0xb: {  	s2 =	sshll.u32 s2, $0x9;
	s6 =	sadd.s32 s5, s31;
	[dreg:$0x4] =	wrdreg s11  }
0xc: {  	s26 =	simm.s32 $0x32;
	s2 =	sadd.s32 s7, s2;
	[dreg:$0x5] =	wrdreg s6  }
0xd: {  	s24 =	simm.s32 $0x1;
	s0 =	smax.u32 s0, $0x1;
	[dreg:$0x6] =	wrdreg s2  }
0xe: {  	s25 =	simm.s32 $0x2;
	[dreg:$0x7] =	wrdreg s0;
	s2 =	simm.s32 $0x0  }
.LBB2_1:
0xf: {  	s0 =	simm.s32 $0xE000  }
0x10: {  	[tilespmem:s0], [sflag:$0x2] =	stream.linear.gather [hbm4b:s8+s3], $0x1900, $0x38;
	[tilespmem:$0x1C900] =	vst v63  }
0x11: {  	s12 =	simm.s32 $0x15000  }
0x12: {  	[tilespmem:s12], [sflag:$0x2] =	stream.linear.gather [hbm4b:s9+s3], $0x1900, $0x38;
	[tilespmem:$0x1C900] =	vst v63  }
0x13: {  	s13 =	simm.s32 $0xFC00  }
0x14: {  	[tilespmem:s13], [sflag:$0x2] =	stream.linear.gather [hbm4b:s8+s3], $0x1900, $0x38;
	[tilespmem:$0x1C900] =	vst v63  }
0x15: {  	s14 =	simm.s32 $0x16C00  }
0x16: {  	[tilespmem:s14], [sflag:$0x2] =	stream.linear.gather [hbm4b:s9+s3], $0x1900, $0x38;
	[tilespmem:$0x1C900] =	vst v63  }
0x17: {  	_ = 	snop  }
0x18: {  	[tilespmem:s19], [sflag:$0x2] =	stream.linear.gather [hbm4b:s8+s3], $0x1900, $0x38;
	[tilespmem:$0x1C900] =	vst v63  }
0x19: {  	_ = 	snop  }
0x1a: {  	[tilespmem:s20], [sflag:$0x2] =	stream.linear.gather [hbm4b:s9+s3], $0x1900, $0x38;
	[tilespmem:$0x1C900] =	vst v63  }
0x1b: {  	_ = 	snop  }
0x1c: {  	[tilespmem:s21], [sflag:$0x2] =	stream.linear.gather [hbm4b:s8+s3], $0x1900, $0x38;
	[tilespmem:$0x1C900] =	vst v63  }
0x1d: {  	[dreg:$0x8] =	wrdreg s2;
	s16 =	simm.s32 $0x1C000  }
0x1e: {  	[tilespmem:s22], [sflag:$0x2] =	stream.linear.gather [hbm4b:s9+s3], $0x1900, $0x38;
	[tilespmem:$0x1C900] =	vst v63  }
0x1f: {  	s18 =	simm.s32 $0x1C400;
	s30 =	simm.s32 $0x1C800;
	_ =	strace $0x80000048  }
0x20: {  	s31 =	simm.s32 $0x0;
	s2 =	simm.s32 $0x0;
	s15 =	rddreg [dreg:$0x4]  }
0x21: {  	[tilespmem:s16], [sflag:$0x3] =	stream.linear.gather [hbm4b:s15+s3], $0x200, $0x200038;
	[tilespmem:$0x1C900] =	vst v63  }
0x22: {  	s28 =	simm.s32 $0x1;
	s29 =	simm.s32 $0x0;
	s17 =	rddreg [dreg:$0x5]  }
0x23: {  	[tilespmem:s18], [sflag:$0x5] =	stream.linear.gather [hbm4b:s17+s3], $0x200, $0x200038;
	[tilespmem:$0x1C900] =	vst v63  }
0x24: {  	s12 =	simm.s32 $0x0;
	s13 =	simm.s32 $0x1;
	s23 =	rddreg [dreg:$0x6]  }
0x25: {  	[tilespmem:s30], [sflag:$0x7] =	stream.linear.gather [hbm4b:s23+s3], $0x80, $0x200038;
	[tilespmem:$0x1C900] =	vst v63  }
0x26: {  	s14 =	simm.s32 $0x0;
	s23 =	simm.s32 $0x1;
	_ =	strace $0x90000048  }
.LBB2_2:
0x27: {  	s30 =	sadd.s32 $0x1, s31  }
0x28: {  	p0 =	seq.s32 s30, $0x20  }
0x29: {  	s30 =	simm.s32 @p0 $0x0;
	p0 =	seq.s32 s29, $0x1F  }
0x2a: {  	p1 =	seq.s32 @!p0 s31, s30  }
0x2b: {  	p2 =	por p1, p0  }
0x2c: {  	s0 =	sadd.s32 @!p2 s10, s30  }
0x2d: {  	s11 =	sshll.u32 @!p2 s30, $0x9;
	s6 =	sshll.u32 @!p2 s0, $0x9  }
0x2e: {  	s16 =	sand.u32 @!p2 $0x1, s28;
	s11 =	sand.u32 @!p2 $0x200, s11;
	s6 =	sand.u32 @!p2 $0xFFFFFC00, s6  }
0x2f: {  	_ =	strace @!p2 $0x80000049;
	s18 =	simm.s32 @!p2 $0x0;
	s6 =	sor.u32 @!p2 s11, s6  }
0x30: {  	s17 =	rddreg [dreg:$0x2];
	s11 =	sshll.u32 @!p2 s16, $0x9;
	s6 =	sshrl.u32 @!p2 s6, $0x3  }
0x31: {  	s16 =	sadd.s32 @!p2 $0x3, s16;
	s11 =	sor.u32 @!p2 $0x1C000, s11;
	s17 =	sadd.s32 @!p2 s17, s6  }
0x32: {  	[tilespmem:s11], [sflag:s16] =	stream.linear.gather @!p2 [hbm4b:s17+s18], $0x200, $0x200038;
	[tilespmem:$0x1C900] =	vst v63  }
0x33: {  	s16 =	sand.u32 @!p2 $0x1, s23  }
0x34: {  	s6 =	sadd.s32 @!p2 s5, s6;
	_ =	strace @!p2 $0x90000049;
	s17 =	sshll.u32 @!p2 s16, $0x9  }
0x35: {  	s16 =	sadd.s32 @!p2 $0x5, s16;
	_ =	strace @!p2 $0x8000004A;
	s17 =	sor.u32 @!p2 $0x1C400, s17  }
0x36: {  	[tilespmem:s17], [sflag:s16] =	stream.linear.gather @!p2 [hbm4b:s6+s18], $0x200, $0x200038;
	[tilespmem:$0x1C900] =	vst v63  }
0x37: {  	s0 =	sshll.u32 @!p2 s0, $0x7;
	s6 =	sshll.u32 @!p2 s30, $0x7  }
0x38: {  	s0 =	sand.u32 @!p2 $0xFFFFFC00, s0;
	s6 =	sand.u32 @!p2 $0x380, s6  }
0x39: {  	_ =	strace @!p2 $0x9000004A;
	s0 =	sor.u32 @!p2 s6, s0;
	s6 =	sand.u32 @!p2 $0x1, s13  }
0x3a: {  	_ =	strace @!p2 $0x8000004B;
	s16 =	sshll.u32 @!p2 s6, $0x7;
	s0 =	sshrl.u32 @!p2 s0, $0x3  }
0x3b: {  	s6 =	sadd.s32 @!p2 $0x7, s6;
	s16 =	sor.u32 @!p2 $0x1C800, s16;
	s0 =	sadd.s32 @!p2 s7, s0  }
0x3c: {  	[tilespmem:s16], [sflag:s6] =	stream.linear.gather @!p2 [hbm4b:s0+s18], $0x80, $0x200038;
	[tilespmem:$0x1C900] =	vst v63  }
0x3d: {  	s16 =	sand.u32 $0x1, s2;
	_ =	strace @!p2 $0x9000004B  }
0x3e: {  	s0 =	sadd.s32 $0x3, s16;
	_ =	strace $0x8000004C  }
0x3f: {  	_ =	swait.ge [sflag:s0], $0x200  }
0x40: {  	[sflag:s0] =	ssyncset.done $0x0  }
0x41: {  	[sflag:s0] =	ssyncadd.s32 $0xFFFFFE00  }
0x42: {  	s17 =	sand.u32 $0x1, s14;
	_ =	strace $0x9000004C  }
0x43: {  	s0 =	sadd.s32 $0x5, s17;
	_ =	strace $0x8000004D  }
0x44: {  	_ =	swait.ge [sflag:s0], $0x200  }
0x45: {  	[sflag:s0] =	ssyncset.done $0x0  }
0x46: {  	[sflag:s0] =	ssyncadd.s32 $0xFFFFFE00  }
0x47: {  	s18 =	sand.u32 $0x1, s12;
	_ =	strace $0x9000004D  }
0x48: {  	s0 =	sadd.s32 $0x7, s18;
	_ =	strace $0x8000004E  }
0x49: {  	_ =	swait.ge [sflag:s0], $0x80  }
0x4a: {  	s6 =	sshll.u32 s12, $0x7;
	[sflag:s0] =	ssyncset.done $0x0  }
0x4b: {  	s16 =	sshll.u32 s2, $0x9;
	s18 =	simm.s32 $0x0;
	[sflag:s0] =	ssyncadd.s32 $0xFFFFFF80  }
0x4c: {  	s0 =	sand.u32 $0x80, s6;
	s6 =	sand.u32 $0x200, s16;
	_ =	strace $0x9000004E  }
0x4d: {  	s16 =	sshll.u32 s14, $0x9;
	s17 =	sor.u32 $0x1C000, s6;
	_ =	strace $0x8000004F  }
0x4e: {  	v0 =	vld [tilespmem:s0+$0x1C800];
	[tilespmem:s18], [sflag:$0x1] =	stream.indirect.gather [hbm4b:s1+s26], $0x80, s17, s26, $0x2000b8  }
0x4f: {  	s0 =	sand.u32 $0x200, s16  }
0x50: {  	s18 =	simm.s32 $0x7000;
	s17 =	sor.u32 $0x1C400, s0  }
0x51: {  	[tilespmem:s18], [sflag:$0x1] =	stream.indirect.gather [hbm4b:s4+s26], $0x80, s17, s26, $0x2000b8;
	[tilespmem:$0x1C900] =	vst v63  }
0x52: {  	s17 =	sor.u32 $0x1C080, s6;
	s18 =	simm.s32 $0x1C00  }
0x53: {  	[tilespmem:s18], [sflag:$0x1] =	stream.indirect.gather [hbm4b:s1+s26], $0x80, s17, s26, $0x2000b8;
	[tilespmem:$0x1C900] =	vst v63  }
0x54: {  	s17 =	sor.u32 $0x1C480, s0;
	s18 =	simm.s32 $0x8C00  }
0x55: {  	[tilespmem:s18], [sflag:$0x1] =	stream.indirect.gather [hbm4b:s4+s26], $0x80, s17, s26, $0x2000b8;
	[tilespmem:$0x1C900] =	vst v63  }
0x56: {  	s17 =	sor.u32 $0x1C100, s6;
	s18 =	simm.s32 $0x3800  }
0x57: {  	[tilespmem:s18], [sflag:$0x1] =	stream.indirect.gather [hbm4b:s1+s26], $0x80, s17, s26, $0x2000b8;
	[tilespmem:$0x1C900] =	vst v63  }
0x58: {  	s17 =	sor.u32 $0x1C500, s0;
	s18 =	simm.s32 $0xA800  }
0x59: {  	[tilespmem:s18], [sflag:$0x1] =	stream.indirect.gather [hbm4b:s4+s26], $0x80, s17, s26, $0x2000b8;
	[tilespmem:$0x1C900] =	vst v63  }
0x5a: {  	s6 =	sor.u32 $0x1C180, s6;
	s17 =	simm.s32 $0x5400  }
0x5b: {  	[tilespmem:s17], [sflag:$0x1] =	stream.indirect.gather [hbm4b:s1+s26], $0x80, s6, s26, $0x2000b8;
	[tilespmem:$0x1C900] =	vst v63  }
0x5c: {  	s0 =	sor.u32 $0x1C580, s0;
	s18 =	simm.s32 $0xC400  }
0x5d: {  	[tilespmem:s18], [sflag:$0x1] =	stream.indirect.gather [hbm4b:s4+s26], $0x80, s0, s26, $0x2000b8;
	[tilespmem:$0x1C900] =	vst v63  }
0x5e: {  	_ =	swait.ge [sflag:s24], $0x1900  }
0x5f: {  	[sflag:s24] =	ssyncset.done $0x0  }
0x60: {  	[sflag:s24] =	ssyncadd.s32 $0xFFFFE700  }
0x61: {  	_ =	swait.ge [sflag:s24], $0x1900  }
0x62: {  	[sflag:s24] =	ssyncset.done $0x0  }
0x63: {  	[sflag:s24] =	ssyncadd.s32 $0xFFFFE700  }
0x64: {  	_ =	swait.ge [sflag:s24], $0x1900  }
0x65: {  	[sflag:s24] =	ssyncset.done $0x0  }
0x66: {  	[sflag:s24] =	ssyncadd.s32 $0xFFFFE700  }
0x67: {  	_ =	swait.ge [sflag:s24], $0x1900  }
0x68: {  	[sflag:s24] =	ssyncset.done $0x0  }
0x69: {  	[sflag:s24] =	ssyncadd.s32 $0xFFFFE700  }
0x6a: {  	_ =	swait.ge [sflag:s24], $0x1900  }
0x6b: {  	[sflag:s24] =	ssyncset.done $0x0  }
0x6c: {  	[sflag:s24] =	ssyncadd.s32 $0xFFFFE700  }
0x6d: {  	_ =	swait.ge [sflag:s24], $0x1900  }
0x6e: {  	[sflag:s24] =	ssyncset.done $0x0  }
0x6f: {  	[sflag:s24] =	ssyncadd.s32 $0xFFFFE700  }
0x70: {  	_ =	swait.ge [sflag:s24], $0x1900  }
0x71: {  	[sflag:s24] =	ssyncset.done $0x0  }
0x72: {  	[sflag:s24] =	ssyncadd.s32 $0xFFFFE700  }
0x73: {  	_ =	swait.ge [sflag:s24], $0x1900  }
0x74: {  	[sflag:s24] =	ssyncset.done $0x0  }
0x75: {  	[sflag:s24] =	ssyncadd.s32 $0xFFFFE700  }
0x76: {  	_ =	swait.ge [sflag:s25], $0x1900  }
0x77: {  	[sflag:s25] =	ssyncset.done $0x0  }
0x78: {  	[sflag:s25] =	ssyncadd.s32 $0xFFFFE700  }
0x79: {  	_ =	swait.ge [sflag:s25], $0x1900  }
0x7a: {  	[sflag:s25] =	ssyncset.done $0x0  }
0x7b: {  	[sflag:s25] =	ssyncadd.s32 $0xFFFFE700  }
0x7c: {  	_ =	swait.ge [sflag:s25], $0x1900  }
0x7d: {  	[sflag:s25] =	ssyncset.done $0x0  }
0x7e: {  	[sflag:s25] =	ssyncadd.s32 $0xFFFFE700  }
0x7f: {  	_ =	swait.ge [sflag:s25], $0x1900  }
0x80: {  	[sflag:s25] =	ssyncset.done $0x0  }
0x81: {  	[sflag:s25] =	ssyncadd.s32 $0xFFFFE700  }
0x82: {  	_ =	swait.ge [sflag:s25], $0x1900  }
0x83: {  	[sflag:s25] =	ssyncset.done $0x0  }
0x84: {  	[sflag:s25] =	ssyncadd.s32 $0xFFFFE700  }
0x85: {  	_ =	swait.ge [sflag:s25], $0x1900  }
0x86: {  	[sflag:s25] =	ssyncset.done $0x0  }
0x87: {  	[sflag:s25] =	ssyncadd.s32 $0xFFFFE700  }
0x88: {  	_ =	swait.ge [sflag:s25], $0x1900  }
0x89: {  	[sflag:s25] =	ssyncset.done $0x0  }
0x8a: {  	[sflag:s25] =	ssyncadd.s32 $0xFFFFE700  }
0x8b: {  	_ =	swait.ge [sflag:s25], $0x1900  }
0x8c: {  	[sflag:s25] =	ssyncset.done $0x0  }
0x8d: {  	s0 =	simm.s32 $0x0;
	[sflag:s25] =	ssyncadd.s32 $0xFFFFE700  }
0x8e: {  	v1 =	vld [tilespmem:s0+$0x50]  }
0x8f: {  	v3 =	vld [tilespmem:s0+$0x7050]  }
0x90: {  	v2 =	vld [tilespmem:s0+$0x54]  }
0x91: {  	v4 =	vld [tilespmem:s0+$0x7054];
	_ =	sdelay $0x1  }
0x92: {  	v5 =	vld [tilespmem:s0+$0x1C50];
	[tilespmem:s0+$0xE050] =	vst v1  }
0x93: {  	v1 =	vld [tilespmem:s0+$0x1C54];
	[tilespmem:s0+$0x15050] =	vst v3  }
0x94: {  	[tilespmem:s0+$0xE054] =	vst v2;
	v2 =	vld [tilespmem:s0+$0x8C50]  }
0x95: {  	[tilespmem:s0+$0x15054] =	vst v4;
	v4 =	vld [tilespmem:s0+$0x3850]  }
0x96: {  	v6 =	vld [tilespmem:s0+$0x8C54]  }
0x97: {  	[tilespmem:s0+$0xFC50] =	vst v5;
	v5 =	vld [tilespmem:s0+$0x3854]  }
0x98: {  	s15 =	smov.u32 s28;
	p1 =	por !p1, p0;
	v3 =	vld [tilespmem:s0+$0xA850];
	[tilespmem:s0+$0xFC54] =	vst v1  }
0x99: {  	s11 =	smov.u32 s23;
	s16 =	sadd.s32 @!p2 $0x1, s23;
	s6 =	sadd.s32 @!p2 $0x1, s28;
	v1 =	vld [tilespmem:s0+$0xA854];
	[tilespmem:s0+$0x16C50] =	vst v2  }
0x9a: {  	s23 =	smov.u32 @p1 s16;
	s28 =	smov.u32 @p1 s6;
	s6 =	simm.s32 $0x0;
	v2 =	vld [tilespmem:s0+$0x5450];
	[tilespmem:s0+$0x11850] =	vst v4  }
0x9b: {  	s23 =	smov.u32 @p0 s11;
	s6 =	simm.s32 @p1 $0x1;
	v4 =	vld [tilespmem:s0+$0x5454];
	[tilespmem:s0+$0x16C54] =	vst v6  }
0x9c: {  	s28 =	smov.u32 @p0 s15;
	s15 =	simm.s32 $0x200;
	s6 =	simm.s32 @p0 $0x0;
	[tilespmem:s0+$0x11854] =	vst v5;
	v5 =	vld [tilespmem:s0+$0xC450]  }
.LBB2_3:
0x9d: {  	p1 =	sne.s32 s15, $0x6200;
	[tilespmem:s0+$0x18850] =	vst v3;
	v3 =	vld [tilespmem:s0+$0xC454]  }
0x9e: {  	v6 =	vld [tilespmem:s0+$0x0];
	[tilespmem:s0+$0x18854] =	vst v1  }
0x9f: {  	v1 =	vld [tilespmem:s0+$0x7000];
	[tilespmem:s0+$0x13450] =	vst v2  }
0xa0: {  	v2 =	vld [tilespmem:s0+$0x10];
	[tilespmem:s0+$0x13454] =	vst v4  }
0xa1: {  	v4 =	vld [tilespmem:s0+$0x7010];
	[tilespmem:s0+$0x1A450] =	vst v5  }
0xa2: {  	v5 =	vld [tilespmem:s0+$0x20];
	[tilespmem:s0+$0x1A454] =	vst v3  }
0xa3: {  	[tilespmem:s0+$0xE000] =	vst v6;
	v3 =	vld [tilespmem:s0+$0x7020]  }
0xa4: {  	[tilespmem:s0+$0x15000] =	vst v1;
	v1 =	vld [tilespmem:s0+$0x30]  }
0xa5: {  	[tilespmem:s0+$0xE010] =	vst v2;
	v2 =	vld [tilespmem:s0+$0x7030]  }
0xa6: {  	[tilespmem:s0+$0x15010] =	vst v4;
	v4 =	vld [tilespmem:s0+$0x40]  }
0xa7: {  	[tilespmem:s0+$0xE020] =	vst v5;
	v5 =	vld [tilespmem:s0+$0x7040]  }
0xa8: {  	[tilespmem:s0+$0x15020] =	vst v3;
	v3 =	vld [tilespmem:s0+$0x1C00]  }
0xa9: {  	[tilespmem:s0+$0xE030] =	vst v1;
	v1 =	vld [tilespmem:s0+$0x8C00]  }
0xaa: {  	[tilespmem:s0+$0x15030] =	vst v2;
	v2 =	vld [tilespmem:s0+$0x1C10]  }
0xab: {  	[tilespmem:s0+$0xE040] =	vst v4;
	v4 =	vld [tilespmem:s0+$0x8C10]  }
0xac: {  	[tilespmem:s0+$0x15040] =	vst v5;
	v5 =	vld [tilespmem:s0+$0x1C20]  }
0xad: {  	[tilespmem:s0+$0xFC00] =	vst v3;
	v3 =	vld [tilespmem:s0+$0x8C20]  }
0xae: {  	[tilespmem:s0+$0x16C00] =	vst v1;
	v1 =	vld [tilespmem:s0+$0x1C30]  }
0xaf: {  	[tilespmem:s0+$0xFC10] =	vst v2;
	v2 =	vld [tilespmem:s0+$0x8C30]  }
0xb0: {  	[tilespmem:s0+$0x16C10] =	vst v4;
	v4 =	vld [tilespmem:s0+$0x1C40]  }
0xb1: {  	[tilespmem:s0+$0xFC20] =	vst v5;
	v5 =	vld [tilespmem:s0+$0x8C40]  }
0xb2: {  	[tilespmem:s0+$0x16C20] =	vst v3;
	v3 =	vld [tilespmem:s0+$0x3800]  }
0xb3: {  	[tilespmem:s0+$0xFC30] =	vst v1;
	v1 =	vld [tilespmem:s0+$0xA800]  }
0xb4: {  	[tilespmem:s0+$0x16C30] =	vst v2;
	v2 =	vld [tilespmem:s0+$0x3810]  }
0xb5: {  	[tilespmem:s0+$0xFC40] =	vst v4;
	v4 =	vld [tilespmem:s0+$0xA810]  }
0xb6: {  	[tilespmem:s0+$0x16C40] =	vst v5;
	v5 =	vld [tilespmem:s0+$0x3820]  }
0xb7: {  	[tilespmem:s0+$0x11800] =	vst v3;
	v3 =	vld [tilespmem:s0+$0xA820]  }
0xb8: {  	[tilespmem:s0+$0x18800] =	vst v1;
	v1 =	vld [tilespmem:s0+$0x3830]  }
0xb9: {  	[tilespmem:s0+$0x11810] =	vst v2;
	v2 =	vld [tilespmem:s0+$0xA830]  }
0xba: {  	[tilespmem:s0+$0x18810] =	vst v4;
	v4 =	vld [tilespmem:s0+$0x3840]  }
0xbb: {  	[tilespmem:s0+$0x11820] =	vst v5;
	v5 =	vld [tilespmem:s0+$0xA840]  }
0xbc: {  	[tilespmem:s0+$0x18820] =	vst v3;
	v3 =	vld [tilespmem:s0+$0x5400]  }
0xbd: {  	[tilespmem:s0+$0x11830] =	vst v1;
	v1 =	vld [tilespmem:s0+$0xC400]  }
0xbe: {  	[tilespmem:s0+$0x18830] =	vst v2;
	v2 =	vld [tilespmem:s0+$0x5410]  }
0xbf: {  	[tilespmem:s0+$0x11840] =	vst v4;
	v4 =	vld [tilespmem:s0+$0xC410]  }
0xc0: {  	[tilespmem:s0+$0x18840] =	vst v5;
	v5 =	vld [tilespmem:s0+$0x5420]  }
0xc1: {  	[tilespmem:s0+$0x13400] =	vst v3;
	v3 =	vld [tilespmem:s0+$0xC420]  }
0xc2: {  	[tilespmem:s0+$0x1A400] =	vst v1;
	v1 =	vld [tilespmem:s0+$0x5430]  }
0xc3: {  	[tilespmem:s0+$0x13410] =	vst v2;
	v2 =	vld [tilespmem:s0+$0xC430]  }
0xc4: {  	[tilespmem:s0+$0x1A410] =	vst v4;
	v4 =	vld [tilespmem:s0+$0x5440]  }
0xc5: {  	s11 =	sshra.s32 s15, $0x2;
	[tilespmem:s0+$0x13420] =	vst v5;
	v5 =	vld [tilespmem:s0+$0xC440]  }
0xc6: {  	v6 =	vld [tilespmem:s11+$0x50];
	[tilespmem:s0+$0x1A420] =	vst v3  }
0xc7: {  	v3 =	vld [tilespmem:s11+$0x54];
	[tilespmem:s0+$0x13430] =	vst v1  }
0xc8: {  	v1 =	vld [tilespmem:s11+$0x7050];
	[tilespmem:s0+$0x1A430] =	vst v2  }
0xc9: {  	v2 =	vld [tilespmem:s11+$0x7054];
	[tilespmem:s0+$0x13440] =	vst v4  }
0xca: {  	v4 =	vld [tilespmem:s11+$0x1C50];
	[tilespmem:s0+$0x1A440] =	vst v5;
	s0 =	smov.u32 s11  }
0xcb: {  	[tilespmem:s0+$0xE050] =	vst v6;
	v5 =	vld [tilespmem:s0+$0x1C54]  }
0xcc: {  	[tilespmem:s0+$0xE054] =	vst v3;
	v6 =	vld [tilespmem:s0+$0x8C50]  }
0xcd: {  	[tilespmem:s0+$0x15050] =	vst v1;
	v7 =	vld [tilespmem:s0+$0x8C54]  }
0xce: {  	[tilespmem:s0+$0x15054] =	vst v2;
	v8 =	vld [tilespmem:s0+$0x3850]  }
0xcf: {  	[tilespmem:s0+$0xFC50] =	vst v4;
	v9 =	vld [tilespmem:s0+$0x3854]  }
.Ltmp0:
0xd0: {  	[tilespmem:s0+$0xFC54] =	vst v5;
	v3 =	vld [tilespmem:s0+$0xA850];
	(pc) =	sbr.rel @p1 .LBB2_3-.Ltmp0, $4  }
0xd1: {  	[tilespmem:s0+$0x16C50] =	vst v6;
	v1 =	vld [tilespmem:s0+$0xA854]  }
0xd2: {  	[tilespmem:s0+$0x16C54] =	vst v7;
	v2 =	vld [tilespmem:s0+$0x5450]  }
0xd3: {  	[tilespmem:s0+$0x11850] =	vst v8;
	v4 =	vld [tilespmem:s0+$0x5454]  }
0xd4: {  	s15 =	sadd.s32 $0x200, s15;
	[tilespmem:s0+$0x11854] =	vst v9;
	v5 =	vld [tilespmem:s0+$0xC450]  }
0xd5: {  	[tilespmem:s0+$0x18850] =	vst v3;
	v24 =	vld [tilespmem:s0+$0xC454]  }
0xd6: {  	v6 =	vld [tilespmem:s0+$0x0];
	[tilespmem:s0+$0x18854] =	vst v1  }
0xd7: {  	v25 =	vld [tilespmem:s0+$0x7000];
	[tilespmem:s0+$0x13450] =	vst v2  }
0xd8: {  	v26 =	vld [tilespmem:s0+$0x10];
	[tilespmem:s0+$0x13454] =	vst v4  }
0xd9: {  	v27 =	vld [tilespmem:s0+$0x7010];
	[tilespmem:s0+$0x1A450] =	vst v5  }
0xda: {  	v28 =	vld [tilespmem:s0+$0x20];
	[tilespmem:s0+$0x1A454] =	vst v24  }
0xdb: {  	v29 =	vld [tilespmem:s0+$0x7020];
	[tilespmem:s0+$0xE000] =	vst v6  }
0xdc: {  	v30 =	vld [tilespmem:s0+$0x30];
	[tilespmem:s0+$0x15000] =	vst v25  }
0xdd: {  	v31 =	vld [tilespmem:s0+$0x7030];
	[tilespmem:s0+$0xE010] =	vst v26  }
0xde: {  	v32 =	vld [tilespmem:s0+$0x40];
	[tilespmem:s0+$0x15010] =	vst v27  }
0xdf: {  	v33 =	vld [tilespmem:s0+$0x7040];
	[tilespmem:s0+$0xE020] =	vst v28  }
0xe0: {  	v34 =	vld [tilespmem:s0+$0x1C00];
	[tilespmem:s0+$0x15020] =	vst v29  }
0xe1: {  	v35 =	vld [tilespmem:s0+$0x8C00];
	[tilespmem:s0+$0xE030] =	vst v30  }
0xe2: {  	v36 =	vld [tilespmem:s0+$0x1C10];
	[tilespmem:s0+$0x15030] =	vst v31  }
0xe3: {  	v37 =	vld [tilespmem:s0+$0x8C10];
	[tilespmem:s0+$0xE040] =	vst v32  }
0xe4: {  	v38 =	vld [tilespmem:s0+$0x1C20];
	[tilespmem:s0+$0x15040] =	vst v33  }
0xe5: {  	v39 =	vld [tilespmem:s0+$0x8C20];
	[tilespmem:s0+$0xFC00] =	vst v34  }
0xe6: {  	v40 =	vld [tilespmem:s0+$0x1C30];
	[tilespmem:s0+$0x16C00] =	vst v35  }
0xe7: {  	v41 =	vld [tilespmem:s0+$0x8C30];
	[tilespmem:s0+$0xFC10] =	vst v36  }
0xe8: {  	v42 =	vld [tilespmem:s0+$0x1C40];
	[tilespmem:s0+$0x16C10] =	vst v37  }
0xe9: {  	v43 =	vld [tilespmem:s0+$0x8C40];
	[tilespmem:s0+$0xFC20] =	vst v38  }
0xea: {  	v44 =	vld [tilespmem:s0+$0x3800];
	[tilespmem:s0+$0x16C20] =	vst v39  }
0xeb: {  	v45 =	vld [tilespmem:s0+$0xA800];
	[tilespmem:s0+$0xFC30] =	vst v40  }
0xec: {  	v46 =	vld [tilespmem:s0+$0x3810];
	[tilespmem:s0+$0x16C30] =	vst v41  }
0xed: {  	v47 =	vld [tilespmem:s0+$0xA810];
	[tilespmem:s0+$0xFC40] =	vst v42  }
0xee: {  	v48 =	vld [tilespmem:s0+$0x3820];
	[tilespmem:s0+$0x16C40] =	vst v43  }
0xef: {  	v49 =	vld [tilespmem:s0+$0xA820];
	(v2sf) =	vpush v0, $0x0;
	[tilespmem:s0+$0x11800] =	vst v44  }
0xf0: {  	v50 =	vld [tilespmem:s0+$0x3830];
	[tilespmem:s0+$0x18800] =	vst v45  }
0xf1: {  	v51 =	vld [tilespmem:s0+$0xA830];
	[tilespmem:s0+$0x11810] =	vst v46  }
0xf2: {  	v52 =	vld [tilespmem:s0+$0x3840];
	[tilespmem:s0+$0x18810] =	vst v47  }
0xf3: {  	v53 =	vld [tilespmem:s0+$0xA840];
	[tilespmem:s0+$0x11820] =	vst v48  }
0xf4: {  	v54 =	vld [tilespmem:s0+$0x5400];
	[tilespmem:s0+$0x18820] =	vst v49  }
0xf5: {  	v55 =	vld [tilespmem:s0+$0xC400];
	[tilespmem:s0+$0x11830] =	vst v50  }
0xf6: {  	v56 =	vld [tilespmem:s0+$0x5410];
	[tilespmem:s0+$0x18830] =	vst v51  }
0xf7: {  	v57 =	vld [tilespmem:s0+$0xC410];
	[tilespmem:s0+$0x11840] =	vst v52  }
0xf8: {  	v58 =	vld [tilespmem:s0+$0x5420];
	[tilespmem:s0+$0x18840] =	vst v53  }
0xf9: {  	v59 =	vld [tilespmem:s0+$0xC420];
	[tilespmem:s0+$0x13400] =	vst v54  }
0xfa: {  	v60 =	vld [tilespmem:s0+$0x5430];
	[tilespmem:s0+$0x1A400] =	vst v55  }
0xfb: {  	v61 =	vld [tilespmem:s0+$0xC430];
	[tilespmem:s0+$0x13410] =	vst v56  }
0xfc: {  	v62 =	vld [tilespmem:s0+$0x5440];
	[tilespmem:s0+$0x1A410] =	vst v57  }
0xfd: {  	v63 =	vld [tilespmem:s0+$0xC440];
	[tilespmem:s0+$0x13420] =	vst v58  }
0xfe: {  	[tilespmem:s0+$0x1A420] =	vst v59;
	s11 =	spop (v2sf)  }
0xff: {  	[tilespmem:s0+$0x13430] =	vst v60;
	s11 =	smul.u32 $0x7000, s11  }
0x100: {  	[tilespmem:s0+$0x1A430] =	vst v61  }
0x101: {  	s16 =	simm.s32 $0xE000;
	[tilespmem:s0+$0x13440] =	vst v62;
	s15 =	sshrl.u32 s11, $0x3  }
0x102: {  	[tilespmem:s0+$0x1A440] =	vst v63;
	s18 =	sadd.s32 s8, s15;
	s17 =	sadd.s32 s9, s15;
	s15 =	sadd.s32 $0x1C00, s11  }
0x103: {  	[hbm4b:s18+s3] =	stream.linear.scatter [tilespmem:s16], [sflag:$0x2], $0x1900, $0x200038;
	[tilespmem:$0x1C900] =	vst v63  }
0x104: {  	s18 =	simm.s32 $0x15000;
	s0 =	sshrl.u32 s15, $0x3  }
0x105: {  	[hbm4b:s17+s3] =	stream.linear.scatter [tilespmem:s18], [sflag:$0x2], $0x1900, $0x200038;
	[tilespmem:$0x1C900] =	vst v63  }
0x106: {  	s16 =	sadd.s32 s8, s0;
	s17 =	simm.s32 $0xFC00  }
0x107: {  	[hbm4b:s16+s3] =	stream.linear.scatter [tilespmem:s17], [sflag:$0x2], $0x1900, $0x200038;
	[tilespmem:$0x1C900] =	vst v63  }
0x108: {  	s15 =	sadd.s32 $0x3800, s11;
	s0 =	sadd.s32 s9, s0;
	s18 =	simm.s32 $0x16C00  }
0x109: {  	[hbm4b:s0+s3] =	stream.linear.scatter [tilespmem:s18], [sflag:$0x2], $0x1900, $0x200038;
	[tilespmem:$0x1C900] =	vst v63  }
0x10a: {  	s0 =	sshrl.u32 s15, $0x3  }
0x10b: {  	s16 =	sadd.s32 s8, s0  }
0x10c: {  	[hbm4b:s16+s3] =	stream.linear.scatter [tilespmem:s19], [sflag:$0x2], $0x1900, $0x200038;
	[tilespmem:$0x1C900] =	vst v63  }
0x10d: {  	s17 =	sadd.s32 $0x5400, s11;
	s0 =	sadd.s32 s9, s0  }
0x10e: {  	[hbm4b:s0+s3] =	stream.linear.scatter [tilespmem:s20], [sflag:$0x2], $0x1900, $0x200038;
	[tilespmem:$0x1C900] =	vst v63  }
0x10f: {  	s0 =	sshrl.u32 s17, $0x3  }
0x110: {  	s18 =	sadd.s32 s8, s0  }
0x111: {  	[hbm4b:s18+s3] =	stream.linear.scatter [tilespmem:s21], [sflag:$0x2], $0x1900, $0x200038;
	[tilespmem:$0x1C900] =	vst v63  }
0x112: {  	p1 =	sne.s32 s31, s30;
	s0 =	sadd.s32 s9, s0  }
0x113: {  	[hbm4b:s0+s3] =	stream.linear.scatter [tilespmem:s22], [sflag:$0x2], $0x1900, $0x200038;
	[tilespmem:$0x1C900] =	vst v63  }
0x114: {  	s29 =	sadd.s32 $0x1, s29;
	p0 =	por p0, p1;
	s0 =	simm.s32 $0x1  }
0x115: {  	s0 =	simm.s32 @!p0 $0x0;
	p0 =	sne.s32 s29, $0x20  }
.Ltmp1:
0x116: {  	_ = 	snop;
	(pc) =	sbr.rel @p0 .LBB2_2-.Ltmp1, $3  }
0x117: {  	_ =	sdelay $0x1  }
0x118: {  	s13 =	sadd.s32 s13, s6;
	s31 =	smov.u32 s30;
	_ =	strace $0x9000004F  }
0x119: {  	s2 =	sadd.s32 s0, s2;
	s14 =	sadd.s32 s0, s14;
	s12 =	sadd.s32 s0, s12  }
0x11a: {  	_ =	swait.ge [sflag:s25], $0x1900  }
0x11b: {  	[sflag:s25] =	ssyncset.done $0x0  }
0x11c: {  	[sflag:s25] =	ssyncadd.s32 $0xFFFFE700  }
0x11d: {  	_ =	swait.ge [sflag:s25], $0x1900  }
0x11e: {  	[sflag:s25] =	ssyncset.done $0x0  }
0x11f: {  	[sflag:s25] =	ssyncadd.s32 $0xFFFFE700  }
0x120: {  	_ =	swait.ge [sflag:s25], $0x1900  }
0x121: {  	[sflag:s25] =	ssyncset.done $0x0  }
0x122: {  	[sflag:s25] =	ssyncadd.s32 $0xFFFFE700  }
0x123: {  	_ =	swait.ge [sflag:s25], $0x1900  }
0x124: {  	[sflag:s25] =	ssyncset.done $0x0  }
0x125: {  	[sflag:s25] =	ssyncadd.s32 $0xFFFFE700  }
0x126: {  	_ =	swait.ge [sflag:s25], $0x1900  }
0x127: {  	[sflag:s25] =	ssyncset.done $0x0  }
0x128: {  	[sflag:s25] =	ssyncadd.s32 $0xFFFFE700  }
0x129: {  	_ =	swait.ge [sflag:s25], $0x1900  }
0x12a: {  	[sflag:s25] =	ssyncset.done $0x0  }
0x12b: {  	[sflag:s25] =	ssyncadd.s32 $0xFFFFE700  }
0x12c: {  	_ =	swait.ge [sflag:s25], $0x1900  }
0x12d: {  	[sflag:s25] =	ssyncset.done $0x0  }
0x12e: {  	[sflag:s25] =	ssyncadd.s32 $0xFFFFE700  }
0x12f: {  	_ =	swait.ge [sflag:s25], $0x1900  }
0x130: {  	s2 =	rddreg [dreg:$0x8]  }
0x131: {  	s0 =	rddreg [dreg:$0x7];
	s2 =	sadd.s32 $0x1, s2  }
0x132: {  	p0 =	sne.s32 s2, s0  }
.Ltmp2:
0x133: {  	_ = 	snop;
	(pc) =	sbr.rel @p0 .LBB2_1-.Ltmp2, $3  }
0x134: {  	_ =	sdelay $0x1  }
0x135: {  	[sflag:s25] =	ssyncset.done $0x0  }
0x136: {  	[sflag:s25] =	ssyncadd.s32 $0xFFFFE700  }
0x137: {  	_ =	sfence.sel $0x180000  }
0x138: {  	[bflag:$0x0] =	sbarrier.arrive $0xFFFF  }
0x139: {  	_ =	strace $0x90000047  }
0x13a: {  	s0 =	stileid.u32;
	[bflag:$0x2] =	sbarrier.arrive $0xFFFF  }
0x13b: {  	p0 =	sne.s32 s0, $0x0;
	s0 =	rddreg [dreg:$0x3]  }
0x13c: {  	s0 =	sadd.s32 @!p0 $0x100000, s0  }
0x13d: {  	[sflag:s0] =	ssyncadd.tile.s32 @!p0 $0x1;
	_ =	shalt  }
.Lfunc_end2:
_tile_overlayer_lowered:
.L_overlay_start_2:
0x13e: {  	(tag) =	ssettag $0x2  }
0x13f: {  	s0 =	rddreg [dreg:$0x0];
	s2 =	stileid.u32  }
0x140: {  	s1 =	rddreg [dreg:$0x1];
	p0 =	sne.s32 s2, $0x0  }
0x141: {  	s3 =	rddreg [dreg:$0x2];
	[bflag:$0x3] =	sbarrier.arrive $0xFFFF;
	s2 =	simm.s32 @!p0 $0x1C03  }
0x142: {  	[timem:s3], [sflag:s2] =	dma.local @!p0 [hbm:s0], s1  }
0x143: {  	s0 =	simm.s32 @!p0 $0x3  }
0x144: {  	_ =	swait.ge @!p0 [sflag:s0], s1  }
0x145: {  	s1 =	ssub.s32 @!p0 $0x0, s1;
	[sflag:s0] =	ssyncset.done @!p0 $0x0  }
0x146: {  	[sflag:s0] =	ssyncadd.s32 @!p0 s1  }
0x147: {  	[bflag:$0x3] =	sbarrier.arrive $0xFFFF  }
0x148: {  	_ =	shalt  }

</sc_bundles>
